<compile_context>
chip_gen: v7x
topology: tpu7x:2x2x1
jax: 0.10.2.dev20260603
libtpu: 0.0.44.dev20260713+nightly
codegen_flags: <defaults>
</compile_context>

<pallas_src>
import jax
import jax.numpy as jnp
from jax import lax
from jax.experimental import pallas as pl
from jax.experimental.pallas import tpu as pltpu
from jax.experimental.pallas import tpu_sc as plsc

N = 10000
E = 160000
D = 128
DE = 16
DU = 64
HS = 128
NB = 8

NC = 2
NS = 16
NW = NC * NS
EPW = E // NW
CH = 128
NFULL = EPW // CH
TAIL = EPW - NFULL * CH
NPAD = 10240
RPT = NPAD // NS
EXPC = 128


def _mesh():
    return plsc.VectorSubcoreMesh(core_axis_name="c", subcore_axis_name="s",
                                  num_cores=NC, num_subcores=NS)


def _gather_body(pxu, qx, src, dst, out, idxa, idxb, ra, rb, sa, sb):
    wid = lax.axis_index("c") * NS + lax.axis_index("s")
    wb = wid * EPW

    def chunk(i, carry):
        base = wb + jnp.minimum(i * CH, EPW - CH)
        pltpu.sync_copy(src.at[pl.ds(base, CH)], idxa)
        pltpu.sync_copy(dst.at[pl.ds(base, CH)], idxb)
        ca = pltpu.async_copy(pxu.at[idxa], ra, sa)
        cb = pltpu.async_copy(qx.at[idxb], rb, sb)
        ca.wait()
        cb.wait()
        pltpu.sync_copy(ra, out.at[0, pl.ds(base, CH)])
        pltpu.sync_copy(rb, out.at[1, pl.ds(base, CH)])
        return carry

    lax.fori_loop(0, NFULL + 1, chunk, None)


def _gather_call(pxu, qx, src, dst):
    fn = pl.kernel(
        _gather_body,
        out_type=jax.ShapeDtypeStruct((2, E, HS), jnp.float32),
        mesh=_mesh(),
        scratch_types=[
            pltpu.VMEM((CH,), jnp.int32),
            pltpu.VMEM((CH,), jnp.int32),
            pltpu.VMEM((CH, HS), jnp.float32),
            pltpu.VMEM((CH, HS), jnp.float32),
            pltpu.SemaphoreType.DMA,
            pltpu.SemaphoreType.DMA,
        ],
        name="edge_gather",
    )
    return fn(pxu, qx, src, dst)


CPW = (E // CH) // NW
XTRA = (E // CH) - CPW * NW


def _scatter_body(eout, dst, zagg, ones2d, pagg, pcnt, idx, rows, ones_r,
                  agg_sh):
    c = lax.axis_index("c")
    s = lax.axis_index("s")
    wid = c * NS + s
    base = (CPW * wid + jnp.minimum(wid, XTRA)) * CH
    r0 = s * RPT

    def zero(i, carry):
        rb = r0 + i * EXPC
        pltpu.sync_copy(zagg.at[pl.ds(rb, EXPC)], rows)
        pltpu.sync_copy(rows, agg_sh.at[pl.ds(rb, EXPC), :])
        return carry

    def export(dst_hbm):
        def exp(i, carry):
            rb = r0 + i * EXPC
            pltpu.sync_copy(agg_sh.at[pl.ds(rb, EXPC), :], rows)
            pltpu.sync_copy(rows, dst_hbm.at[c, pl.ds(rb, EXPC)])
            return carry

        lax.fori_loop(0, RPT // EXPC, exp, None)

    pltpu.sync_copy(ones2d, ones_r)
    lax.fori_loop(0, RPT // EXPC, zero, None)
    plsc.subcore_barrier()

    def chunk1(i, carry):
        eb = base + i * CH
        pltpu.sync_copy(dst.at[pl.ds(eb, CH)], idx)
        pltpu.sync_copy(eout.at[pl.ds(eb, CH)], rows)
        pltpu.sync_copy(rows, agg_sh.at[idx], add=True)
        return carry

    lax.fori_loop(0, CPW, chunk1, None)

    @pl.when(wid < XTRA)
    def _extra1():
        chunk1(CPW, None)

    plsc.subcore_barrier()
    export(pagg)
    plsc.subcore_barrier()
    lax.fori_loop(0, RPT // EXPC, zero, None)
    plsc.subcore_barrier()

    def chunk2(i, carry):
        eb = base + i * CH
        pltpu.sync_copy(dst.at[pl.ds(eb, CH)], idx)
        pltpu.sync_copy(ones_r, agg_sh.at[idx], add=True)
        return carry

    lax.fori_loop(0, CPW, chunk2, None)

    @pl.when(wid < XTRA)
    def _extra2():
        chunk2(CPW, None)

    plsc.subcore_barrier()
    export(pcnt)


def _scatter_call(eout, dst, zagg, ones2d):
    fn = pl.kernel(
        _scatter_body,
        out_type=(jax.ShapeDtypeStruct((NC, NPAD, HS), jnp.float32),
                  jax.ShapeDtypeStruct((NC, NPAD, HS), jnp.float32)),
        mesh=_mesh(),
        scratch_types=[
            pltpu.VMEM((CH,), jnp.int32),
            pltpu.VMEM((CH, HS), jnp.float32),
            pltpu.VMEM((CH, HS), jnp.float32),
            pltpu.VMEM_SHARED((NPAD, HS), jnp.float32),
        ],
        name="edge_scatter",
    )
    return fn(eout, dst, zagg, ones2d)


def _prep_kernel(x_ref, u_ref, b_ref, wsrc, wdst, wu, be1, ax, au, bn1,
                 pxu_o, qx_o, pnb_o):
    x = x_ref[...]
    u = u_ref[...]
    onehot = (b_ref[...] == lax.broadcasted_iota(jnp.int32, (N, NB), 1)
              ).astype(jnp.float32)
    dn = (((1,), (1,)), ((), ()))
    dn0 = (((1,), (0,)), ((), ()))
    pu = lax.dot_general(u, wu[...], dn, preferred_element_type=jnp.float32) + be1[...]
    pu2 = lax.dot_general(u, au[...], dn, preferred_element_type=jnp.float32) + bn1[...]
    pxu_o[...] = (lax.dot_general(x, wsrc[...], dn, preferred_element_type=jnp.float32)
                  + lax.dot_general(onehot, pu, dn0, preferred_element_type=jnp.float32))
    qx_o[...] = lax.dot_general(x, wdst[...], dn, preferred_element_type=jnp.float32)
    pnb_o[...] = (lax.dot_general(x, ax[...], dn, preferred_element_type=jnp.float32)
                  + lax.dot_general(onehot, pu2, dn0, preferred_element_type=jnp.float32))


EBLK = 2000


def _edge_kernel(g_ref, ea_ref, wea, we2, be2, out_ref):
    dn = (((1,), (1,)), ((), ()))
    pre = (g_ref[0] + g_ref[1]
           + lax.dot_general(ea_ref[...], wea[...], dn,
                             preferred_element_type=jnp.float32))
    h = jnp.maximum(pre, 0.0)
    out_ref[...] = lax.dot_general(h, we2[...], dn,
                                   preferred_element_type=jnp.float32) + be2[...]


def _edge_call(g2, ea, wea, we2, be2):
    grid = E // EBLK
    return pl.pallas_call(
        _edge_kernel,
        grid=(grid,),
        in_specs=[
            pl.BlockSpec((2, EBLK, HS), lambda i: (0, i, 0)),
            pl.BlockSpec((EBLK, DE), lambda i: (i, 0)),
            pl.BlockSpec((HS, DE), lambda i: (0, 0)),
            pl.BlockSpec((HS, HS), lambda i: (0, 0)),
            pl.BlockSpec((1, HS), lambda i: (0, 0)),
        ],
        out_specs=pl.BlockSpec((EBLK, HS), lambda i: (i, 0)),
        out_shape=jax.ShapeDtypeStruct((E, HS), jnp.float32),
        compiler_params=pltpu.CompilerParams(
            dimension_semantics=("arbitrary",)),
        name="edge_mlp",
    )(g2, ea, wea, we2, be2)


NBLK = 1280


def _node_kernel(pnb, pa1, pc1, pa2, pc2, a1, a2, wn2, bn2, x2_o):
    dn = (((1,), (1,)), ((), ()))
    cnt1 = jnp.maximum(pc1[0, :, 0:1] + pc1[1, :, 0:1], 1.0)
    cnt2 = jnp.maximum(pc2[0, :, 0:1] + pc2[1, :, 0:1], 1.0)
    agg1 = (pa1[0] + pa1[1]) / cnt1
    agg2 = (pa2[0] + pa2[1]) / cnt2
    pre = (pnb[...]
           + lax.dot_general(agg1, a1[...], dn, preferred_element_type=jnp.float32)
           + lax.dot_general(agg2, a2[...], dn, preferred_element_type=jnp.float32))
    x2_o[...] = lax.dot_general(jnp.maximum(pre, 0.0), wn2[...], dn,
                                preferred_element_type=jnp.float32) + bn2[...]


def _node_call(pnb, pa1, pc1, pa2, pc2, a1, a2, wn2, bn2):
    return pl.pallas_call(
        _node_kernel,
        grid=(NPAD // NBLK,),
        in_specs=[
            pl.BlockSpec((NBLK, HS), lambda i: (i, 0)),
            pl.BlockSpec((2, NBLK, HS), lambda i: (0, i, 0)),
            pl.BlockSpec((2, NBLK, HS), lambda i: (0, i, 0)),
            pl.BlockSpec((2, NBLK, HS), lambda i: (0, i, 0)),
            pl.BlockSpec((2, NBLK, HS), lambda i: (0, i, 0)),
            pl.BlockSpec((HS, HS), lambda i: (0, 0)),
            pl.BlockSpec((HS, HS), lambda i: (0, 0)),
            pl.BlockSpec((HS, HS), lambda i: (0, 0)),
            pl.BlockSpec((1, HS), lambda i: (0, 0)),
        ],
        out_specs=pl.BlockSpec((NBLK, HS), lambda i: (i, 0)),
        out_shape=jax.ShapeDtypeStruct((N, HS), jnp.float32),
        compiler_params=pltpu.CompilerParams(
            dimension_semantics=("arbitrary",)),
        name="node_mlp",
    )(pnb, pa1, pc1, pa2, pc2, a1, a2, wn2, bn2)


def _global_kernel(x2_ref, b_ref, u_ref, bgu, bgmax, bgmean, bg1, wg2, bg2,
                   u2_o):
    dn = (((1,), (1,)), ((), ()))
    dnc = (((0,), (0,)), ((), ()))
    x2 = x2_ref[...]
    b2d = b_ref[...]
    onehot = (b2d == lax.broadcasted_iota(jnp.int32, (N, NB), 1)
              ).astype(jnp.float32)
    ssum = lax.dot_general(onehot, x2, dnc, preferred_element_type=jnp.float32)
    cntb = jnp.maximum(
        lax.dot_general(onehot, jnp.ones((N, 1), jnp.float32), dnc,
                        preferred_element_type=jnp.float32), 1.0)
    gmean = ssum / cntb
    parts = []
    for b in range(NB):
        m = b2d == b
        parts.append(jnp.max(jnp.where(m, x2, -jnp.inf), axis=0, keepdims=True))
    gmax = jnp.concatenate(parts, axis=0)
    preg = (lax.dot_general(u_ref[...], bgu[...], dn, preferred_element_type=jnp.float32)
            + lax.dot_general(gmax, bgmax[...], dn, preferred_element_type=jnp.float32)
            + lax.dot_general(gmean, bgmean[...], dn, preferred_element_type=jnp.float32)
            + bg1[...])
    u2_o[...] = lax.dot_general(jnp.maximum(preg, 0.0), wg2[...], dn,
                                preferred_element_type=jnp.float32) + bg2[...]


def kernel(x, edge_index1, edge_index2, edge_attr1, edge_attr2, u, batch,
           W_e1, b_e1, W_e2, b_e2, W_n1, b_n1, W_n2, b_n2, W_g1, b_g1,
           W_g2, b_g2):
    f32 = jnp.float32
    batch2d = batch.astype(jnp.int32).reshape(N, 1)
    w_src = W_e1[:, :D]
    w_dst = W_e1[:, D:2 * D]
    w_ea = W_e1[:, 2 * D:2 * D + DE]
    w_u = W_e1[:, 2 * D + DE:]
    a_x = W_n1[:, :D]
    a_1 = W_n1[:, D:D + HS]
    a_2 = W_n1[:, D + HS:D + 2 * HS]
    a_u = W_n1[:, D + 2 * HS:]
    bg_u = W_g1[:, :DU]
    bg_max = W_g1[:, DU:DU + HS]
    bg_mean = W_g1[:, DU + HS:]

    pxu, qx, pnb = pl.pallas_call(
        _prep_kernel,
        out_shape=(jax.ShapeDtypeStruct((N, HS), f32),
                   jax.ShapeDtypeStruct((N, HS), f32),
                   jax.ShapeDtypeStruct((N, HS), f32)),
        name="prep",
    )(x, u, batch2d, w_src, w_dst, w_u, b_e1.reshape(1, HS),
      a_x, a_u, b_n1.reshape(1, HS))

    zagg = jnp.zeros((NPAD, HS), f32)
    ones2d = jnp.ones((CH, HS), f32)

    outs = []
    aggs = []
    for ei, ea in ((edge_index1, edge_attr1), (edge_index2, edge_attr2)):
        src = ei[0].astype(jnp.int32)
        dst = ei[1].astype(jnp.int32)
        g2 = _gather_call(pxu, qx, src, dst)
        eout = _edge_call(g2, ea, w_ea, W_e2, b_e2.reshape(1, HS))
        outs.append(eout)
        pa, pc = _scatter_call(eout, dst, zagg, ones2d)
        aggs.append((pa, pc))

    (pa1, pc1), (pa2, pc2) = aggs
    x2 = _node_call(pnb, pa1, pc1, pa2, pc2, a_1, a_2, W_n2,
                    b_n2.reshape(1, HS))
    u2 = pl.pallas_call(
        _global_kernel,
        out_shape=jax.ShapeDtypeStruct((NB, HS), f32),
        name="global_mlp",
    )(x2, batch2d, u, bg_u, bg_max, bg_mean, b_g1.reshape(1, HS), W_g2,
      b_g2.reshape(1, HS))

    return (x2, outs[0], outs[1], u2)

# --- scband reference (transcript-rebuilt; emitter-appended) ---
"""Pipeline reference for scband-meta-bind-multi-edges-45492293599381 (READ-ONLY COPY).

The authoritative reference and input builder live on the scoring server;
editing this copy changes nothing except your own understanding.
"""

import jax, jax.numpy as jnp
import numpy as np

N = 10000
E = 160000
D = 128
DE = 16
DU = 64
HS = 128
NB = 8


def _mlp(h, W1, b1, W2, b2):
    # Conv1d(k=1) -> BatchNorm(eval, identity at init) -> ReLU -> Dropout(eval) -> Conv1d(k=1) -> BatchNorm
    h = jnp.maximum(h @ W1.T + b1, 0.0)
    return h @ W2.T + b2


def setup_inputs(seed: int = 0) -> dict:
    key = jax.random.key(seed)
    k = [jax.random.fold_in(key, i) for i in range(24)]
    inp = {}
    inp["x"] = jax.random.normal(k[0], (N, D), dtype=jnp.float32)
    inp["edge_index1"] = jax.random.randint(k[1], (2, E), 0, N)
    inp["edge_index2"] = jax.random.randint(k[2], (2, E), 0, N)
    inp["edge_attr1"] = jax.random.normal(k[3], (E, DE), dtype=jnp.float32)
    inp["edge_attr2"] = jax.random.normal(k[4], (E, DE), dtype=jnp.float32)
    inp["u"] = jax.random.normal(k[5], (NB, DU), dtype=jnp.float32)
    inp["batch"] = jnp.sort(jax.random.randint(k[6], (N,), 0, NB))
    de_in = 2 * D + DE + DU
    dn_in = D + 2 * HS + DU
    dg_in = DU + 2 * HS
    inp["W_e1"] = jax.random.normal(k[7], (HS, de_in), dtype=jnp.float32) / np.sqrt(de_in)
    inp["b_e1"] = jnp.zeros((HS,), dtype=jnp.float32)
    inp["W_e2"] = jax.random.normal(k[8], (HS, HS), dtype=jnp.float32) / np.sqrt(HS)
    inp["b_e2"] = jnp.zeros((HS,), dtype=jnp.float32)
    inp["W_n1"] = jax.random.normal(k[9], (HS, dn_in), dtype=jnp.float32) / np.sqrt(dn_in)
    inp["b_n1"] = jnp.zeros((HS,), dtype=jnp.float32)
    inp["W_n2"] = jax.random.normal(k[10], (HS, HS), dtype=jnp.float32) / np.sqrt(HS)
    inp["b_n2"] = jnp.zeros((HS,), dtype=jnp.float32)
    inp["W_g1"] = jax.random.normal(k[11], (HS, dg_in), dtype=jnp.float32) / np.sqrt(dg_in)
    inp["b_g1"] = jnp.zeros((HS,), dtype=jnp.float32)
    inp["W_g2"] = jax.random.normal(k[12], (HS, HS), dtype=jnp.float32) / np.sqrt(HS)
    inp["b_g2"] = jnp.zeros((HS,), dtype=jnp.float32)
    return inp


def reference(x, edge_index1, edge_index2, edge_attr1, edge_attr2, u, batch,
              W_e1, b_e1, W_e2, b_e2, W_n1, b_n1, W_n2, b_n2, W_g1, b_g1, W_g2, b_g2):
    e_list = []
    node_aggs = []
    for ei, ea in ((edge_index1, edge_attr1), (edge_index2, edge_attr2)):
        src, dst = ei[0], ei[1]
        # EdgeModel: cat([src_feat, dst_feat, edge_attr, u[batch[src]]]) -> shared MLP
        h = jnp.concatenate([x[src], x[dst], ea, u[batch[src]]], axis=-1)
        e_out = _mlp(h, W_e1, b_e1, W_e2, b_e2)
        e_list.append(e_out)
        # NodeModel aggregation: scatter-mean of updated edge features onto dst nodes
        cnt = jnp.clip(jax.ops.segment_sum(jnp.ones((ei.shape[1],), jnp.float32), dst, num_segments=N), 1.0, None)
        node_aggs.append(jax.ops.segment_sum(e_out, dst, num_segments=N) / cnt[:, None])
    hN = jnp.concatenate([x] + node_aggs + [u[batch]], axis=-1)
    x2 = _mlp(hN, W_n1, b_n1, W_n2, b_n2)
    # GlobalModel with aggr=['max','mean']
    cntb = jnp.clip(jax.ops.segment_sum(jnp.ones((N,), jnp.float32), batch, num_segments=NB), 1.0, None)
    gmax = jax.ops.segment_max(x2, batch, num_segments=NB)
    gmean = jax.ops.segment_sum(x2, batch, num_segments=NB) / cntb[:, None]
    hG = jnp.concatenate([u, gmax, gmean], axis=-1)
    u2 = _mlp(hG, W_g1, b_g1, W_g2, b_g2)
    return (x2, e_list[0], e_list[1], u2)

if __name__ == "__main__":
    import jax
    _d = setup_inputs()
    print(jax.jit(kernel)(*tuple(_d.values())))

</pallas_src>

<mosaic_0001>
#map = affine_map<(d0, d1) -> (0, 0)>
#map1 = affine_map<(d0, d1) -> (0)>
#map2 = affine_map<(d0, d1) -> (0, 0, 0)>
module attributes {stable_mosaic.version = 14 : i64} {
  func.func @edge_gather(%arg0: i32, %arg1: i32, %arg2: memref<10000x128xf32, #tpu.memory_space<hbm>>, %arg3: memref<10000x128xf32, #tpu.memory_space<hbm>>, %arg4: memref<160000xi32, #tpu.memory_space<hbm>>, %arg5: memref<160000xi32, #tpu.memory_space<hbm>>, %arg6: memref<2x160000x128xf32, #tpu.memory_space<hbm>>, %arg7: memref<128xi32, #tpu.memory_space<vmem>>, %arg8: memref<128xi32, #tpu.memory_space<vmem>>, %arg9: memref<128x128xf32, #tpu.memory_space<vmem>>, %arg10: memref<128x128xf32, #tpu.memory_space<vmem>>, %arg11: memref<!tpu.dma_semaphore, #tpu.memory_space<semaphore_mem>>, %arg12: memref<!tpu.dma_semaphore, #tpu.memory_space<semaphore_mem>>) attributes {dimension_semantics = [#tpu.dimension_semantics<core_parallel>, #tpu.dimension_semantics<subcore_parallel>], iteration_bounds = array<i64: 2, 16>, scalar_prefetch = 0 : i64, scratch_operands = 6 : i64, tpu.core_type = #tpu.core_type<sc_vector_subcore>, window_params = [{transform_indices = #map}, {transform_indices = #map}, {transform_indices = #map1}, {transform_indices = #map1}, {transform_indices = #map2}]} {
    %mul3A = arith.constant 16 : i32
    %mul3A_0 = arith.muli %arg0, %mul3A : i32
    %add3A = arith.addi %mul3A_0, %arg1 : i32
    %mul3A_1 = arith.constant 5000 : i32
    %mul3A_2 = arith.muli %add3A, %mul3A_1 : i32
    %scan3A = arith.constant 0 : i32
    %scan3A_3 = arith.constant 40 : i32
    %scan3A_4 = arith.addi %scan3A, %scan3A_3 : i32
    %scan3A_5 = arith.constant 1 : i32
    scf.for %scan3A_7 = %scan3A to %scan3A_4 step %scan3A_5  : i32 {
      %mul3A_8 = arith.constant 128 : i32
      %mul3A_9 = arith.muli %scan3A_7, %mul3A_8 : i32
      %min3A = arith.constant 4872 : i32
      %min3A_10 = arith.minsi %mul3A_9, %min3A : i32
      %add3A_11 = arith.addi %mul3A_2, %min3A_10 : i32
      "tpu.region"() ({
        %run_scoped3A_23 = tpu.sem_alloc : memref<!tpu.dma_semaphore, #tpu.memory_space<semaphore_mem>>
        %dma_start3A_24 = tpu.memref_slice %arg4[%add3A_11] : memref<160000xi32, #tpu.memory_space<hbm>> -> memref<128xi32, #tpu.memory_space<hbm>>
        %dma_start3A_25 = tpu.memref_slice %arg4[%add3A_11] : memref<160000xi32, #tpu.memory_space<hbm>> -> memref<128xi32, #tpu.memory_space<hbm>>
        tpu.enqueue_dma source(%dma_start3A_25 : memref<128xi32, #tpu.memory_space<hbm>>) target(%arg7 : memref<128xi32, #tpu.memory_space<vmem>>) target_semaphore(%run_scoped3A_23 : memref<!tpu.dma_semaphore, #tpu.memory_space<semaphore_mem>>)
        %dma_wait3A_26 = tpu.memref_slice %arg4[%add3A_11] : memref<160000xi32, #tpu.memory_space<hbm>> -> memref<128xi32, #tpu.memory_space<hbm>>
        %dma_wait3A_27 = tpu.memref_slice %arg4[%add3A_11] : memref<160000xi32, #tpu.memory_space<hbm>> -> memref<128xi32, #tpu.memory_space<hbm>>
        tpu.wait_dma2 semaphore(%run_scoped3A_23 : memref<!tpu.dma_semaphore, #tpu.memory_space<semaphore_mem>>) src(%dma_wait3A_27 : memref<128xi32, #tpu.memory_space<hbm>>) dst(%arg7 : memref<128xi32, #tpu.memory_space<vmem>>)
        tpu.yield
      }) : () -> ()
      "tpu.region"() ({
        %run_scoped3A_23 = tpu.sem_alloc : memref<!tpu.dma_semaphore, #tpu.memory_space<semaphore_mem>>
        %dma_start3A_24 = tpu.memref_slice %arg5[%add3A_11] : memref<160000xi32, #tpu.memory_space<hbm>> -> memref<128xi32, #tpu.memory_space<hbm>>
        %dma_start3A_25 = tpu.memref_slice %arg5[%add3A_11] : memref<160000xi32, #tpu.memory_space<hbm>> -> memref<128xi32, #tpu.memory_space<hbm>>
        tpu.enqueue_dma source(%dma_start3A_25 : memref<128xi32, #tpu.memory_space<hbm>>) target(%arg8 : memref<128xi32, #tpu.memory_space<vmem>>) target_semaphore(%run_scoped3A_23 : memref<!tpu.dma_semaphore, #tpu.memory_space<semaphore_mem>>)
        %dma_wait3A_26 = tpu.memref_slice %arg5[%add3A_11] : memref<160000xi32, #tpu.memory_space<hbm>> -> memref<128xi32, #tpu.memory_space<hbm>>
        %dma_wait3A_27 = tpu.memref_slice %arg5[%add3A_11] : memref<160000xi32, #tpu.memory_space<hbm>> -> memref<128xi32, #tpu.memory_space<hbm>>
        tpu.wait_dma2 semaphore(%run_scoped3A_23 : memref<!tpu.dma_semaphore, #tpu.memory_space<semaphore_mem>>) src(%dma_wait3A_27 : memref<128xi32, #tpu.memory_space<hbm>>) dst(%arg8 : memref<128xi32, #tpu.memory_space<vmem>>)
        tpu.yield
      }) : () -> ()
      %dma_start3A = arith.constant 0 : i32
      %dma_start3A_12 = arith.constant 0 : i32
      %dma_start3A_13 = tpu.memref_slice %arg2[%dma_start3A, %dma_start3A_12] : memref<10000x128xf32, #tpu.memory_space<hbm>> -> memref<10000x128xf32, #tpu.memory_space<hbm>>
      tpu.enqueue_indirect_dma source(%dma_start3A_13 : memref<10000x128xf32, #tpu.memory_space<hbm>>) target(%arg9 : memref<128x128xf32, #tpu.memory_space<vmem>>) offsets(%arg7 : memref<128xi32, #tpu.memory_space<vmem>>) semaphore(%arg11 : memref<!tpu.dma_semaphore, #tpu.memory_space<semaphore_mem>>)
      %dma_start3A_14 = arith.constant 0 : i32
      %dma_start3A_15 = arith.constant 0 : i32
      %dma_start3A_16 = tpu.memref_slice %arg3[%dma_start3A_14, %dma_start3A_15] : memref<10000x128xf32, #tpu.memory_space<hbm>> -> memref<10000x128xf32, #tpu.memory_space<hbm>>
      tpu.enqueue_indirect_dma source(%dma_start3A_16 : memref<10000x128xf32, #tpu.memory_space<hbm>>) target(%arg10 : memref<128x128xf32, #tpu.memory_space<vmem>>) offsets(%arg8 : memref<128xi32, #tpu.memory_space<vmem>>) semaphore(%arg12 : memref<!tpu.dma_semaphore, #tpu.memory_space<semaphore_mem>>)
      %dma_wait3A = arith.constant 0 : i32
      %dma_wait3A_17 = arith.constant 0 : i32
      %dma_wait3A_18 = tpu.memref_slice %arg2[%dma_wait3A, %dma_wait3A_17] : memref<10000x128xf32, #tpu.memory_space<hbm>> -> memref<10000x128xf32, #tpu.memory_space<hbm>>
      tpu.wait_indirect_dma semaphore(%arg11 : memref<!tpu.dma_semaphore, #tpu.memory_space<semaphore_mem>>) src(%dma_wait3A_18 : memref<10000x128xf32, #tpu.memory_space<hbm>>) dst(%arg9 : memref<128x128xf32, #tpu.memory_space<vmem>>)
      %dma_wait3A_19 = arith.constant 0 : i32
      %dma_wait3A_20 = arith.constant 0 : i32
      %dma_wait3A_21 = tpu.memref_slice %arg3[%dma_wait3A_19, %dma_wait3A_20] : memref<10000x128xf32, #tpu.memory_space<hbm>> -> memref<10000x128xf32, #tpu.memory_space<hbm>>
      tpu.wait_indirect_dma semaphore(%arg12 : memref<!tpu.dma_semaphore, #tpu.memory_space<semaphore_mem>>) src(%dma_wait3A_21 : memref<10000x128xf32, #tpu.memory_space<hbm>>) dst(%arg10 : memref<128x128xf32, #tpu.memory_space<vmem>>)
      %run_scoped3A = arith.constant 0 : i32
      "tpu.region"() ({
        %run_scoped3A_23 = tpu.sem_alloc : memref<!tpu.dma_semaphore, #tpu.memory_space<semaphore_mem>>
        %dma_start3A_24 = arith.constant 0 : i32
        %dma_start3A_25 = tpu.memref_slice %arg6[%run_scoped3A, %add3A_11, %dma_start3A_24] : memref<2x160000x128xf32, #tpu.memory_space<hbm>> -> memref<1x128x128xf32, #tpu.memory_space<hbm>>
        %dma_start3A_26 = tpu.memref_squeeze %dma_start3A_25 : memref<1x128x128xf32, #tpu.memory_space<hbm>> -> memref<128x128xf32, #tpu.memory_space<hbm>>
        %dma_start3A_27 = arith.constant 0 : i32
        %dma_start3A_28 = tpu.memref_slice %arg6[%run_scoped3A, %add3A_11, %dma_start3A_27] : memref<2x160000x128xf32, #tpu.memory_space<hbm>> -> memref<1x128x128xf32, #tpu.memory_space<hbm>>
        %dma_start3A_29 = tpu.memref_squeeze %dma_start3A_28 : memref<1x128x128xf32, #tpu.memory_space<hbm>> -> memref<128x128xf32, #tpu.memory_space<hbm>>
        tpu.enqueue_dma source(%arg9 : memref<128x128xf32, #tpu.memory_space<vmem>>) target(%dma_start3A_29 : memref<128x128xf32, #tpu.memory_space<hbm>>) target_semaphore(%run_scoped3A_23 : memref<!tpu.dma_semaphore, #tpu.memory_space<semaphore_mem>>)
        %dma_wait3A_30 = arith.constant 0 : i32
        %dma_wait3A_31 = tpu.memref_slice %arg6[%run_scoped3A, %add3A_11, %dma_wait3A_30] : memref<2x160000x128xf32, #tpu.memory_space<hbm>> -> memref<1x128x128xf32, #tpu.memory_space<hbm>>
        %dma_wait3A_32 = tpu.memref_squeeze %dma_wait3A_31 : memref<1x128x128xf32, #tpu.memory_space<hbm>> -> memref<128x128xf32, #tpu.memory_space<hbm>>
        %dma_wait3A_33 = arith.constant 0 : i32
        %dma_wait3A_34 = tpu.memref_slice %arg6[%run_scoped3A, %add3A_11, %dma_wait3A_33] : memref<2x160000x128xf32, #tpu.memory_space<hbm>> -> memref<1x128x128xf32, #tpu.memory_space<hbm>>
        %dma_wait3A_35 = tpu.memref_squeeze %dma_wait3A_34 : memref<1x128x128xf32, #tpu.memory_space<hbm>> -> memref<128x128xf32, #tpu.memory_space<hbm>>
        tpu.wait_dma2 semaphore(%run_scoped3A_23 : memref<!tpu.dma_semaphore, #tpu.memory_space<semaphore_mem>>) src(%arg9 : memref<128x128xf32, #tpu.memory_space<vmem>>) dst(%dma_wait3A_35 : memref<128x128xf32, #tpu.memory_space<hbm>>)
        tpu.yield
      }) : () -> ()
      %run_scoped3A_22 = arith.constant 1 : i32
      "tpu.region"() ({
        %run_scoped3A_23 = tpu.sem_alloc : memref<!tpu.dma_semaphore, #tpu.memory_space<semaphore_mem>>
        %dma_start3A_24 = arith.constant 0 : i32
        %dma_start3A_25 = tpu.memref_slice %arg6[%run_scoped3A_22, %add3A_11, %dma_start3A_24] : memref<2x160000x128xf32, #tpu.memory_space<hbm>> -> memref<1x128x128xf32, #tpu.memory_space<hbm>>
        %dma_start3A_26 = tpu.memref_squeeze %dma_start3A_25 : memref<1x128x128xf32, #tpu.memory_space<hbm>> -> memref<128x128xf32, #tpu.memory_space<hbm>>
        %dma_start3A_27 = arith.constant 0 : i32
        %dma_start3A_28 = tpu.memref_slice %arg6[%run_scoped3A_22, %add3A_11, %dma_start3A_27] : memref<2x160000x128xf32, #tpu.memory_space<hbm>> -> memref<1x128x128xf32, #tpu.memory_space<hbm>>
        %dma_start3A_29 = tpu.memref_squeeze %dma_start3A_28 : memref<1x128x128xf32, #tpu.memory_space<hbm>> -> memref<128x128xf32, #tpu.memory_space<hbm>>
        tpu.enqueue_dma source(%arg10 : memref<128x128xf32, #tpu.memory_space<vmem>>) target(%dma_start3A_29 : memref<128x128xf32, #tpu.memory_space<hbm>>) target_semaphore(%run_scoped3A_23 : memref<!tpu.dma_semaphore, #tpu.memory_space<semaphore_mem>>)
        %dma_wait3A_30 = arith.constant 0 : i32
        %dma_wait3A_31 = tpu.memref_slice %arg6[%run_scoped3A_22, %add3A_11, %dma_wait3A_30] : memref<2x160000x128xf32, #tpu.memory_space<hbm>> -> memref<1x128x128xf32, #tpu.memory_space<hbm>>
        %dma_wait3A_32 = tpu.memref_squeeze %dma_wait3A_31 : memref<1x128x128xf32, #tpu.memory_space<hbm>> -> memref<128x128xf32, #tpu.memory_space<hbm>>
        %dma_wait3A_33 = arith.constant 0 : i32
        %dma_wait3A_34 = tpu.memref_slice %arg6[%run_scoped3A_22, %add3A_11, %dma_wait3A_33] : memref<2x160000x128xf32, #tpu.memory_space<hbm>> -> memref<1x128x128xf32, #tpu.memory_space<hbm>>
        %dma_wait3A_35 = tpu.memref_squeeze %dma_wait3A_34 : memref<1x128x128xf32, #tpu.memory_space<hbm>> -> memref<128x128xf32, #tpu.memory_space<hbm>>
        tpu.wait_dma2 semaphore(%run_scoped3A_23 : memref<!tpu.dma_semaphore, #tpu.memory_space<semaphore_mem>>) src(%arg10 : memref<128x128xf32, #tpu.memory_space<vmem>>) dst(%dma_wait3A_35 : memref<128x128xf32, #tpu.memory_space<hbm>>)
        tpu.yield
      }) : () -> ()
    }
    %scan3A_6 = arith.constant 40 : i32
    return
  }
}

#map = affine_map<(d0, d1) -> (0, 0)>
#map1 = affine_map<(d0, d1) -> (0)>
#map2 = affine_map<(d0, d1) -> (0, 0, 0)>
module attributes {stable_mosaic.version = 14 : i64} {
  func.func @edge_gather(%arg0: i32, %arg1: i32, %arg2: memref<10000x128xf32, #tpu.memory_space<hbm>>, %arg3: memref<10000x128xf32, #tpu.memory_space<hbm>>, %arg4: memref<160000xi32, #tpu.memory_space<hbm>>, %arg5: memref<160000xi32, #tpu.memory_space<hbm>>, %arg6: memref<2x160000x128xf32, #tpu.memory_space<hbm>>, %arg7: memref<128xi32, #tpu.memory_space<vmem>>, %arg8: memref<128xi32, #tpu.memory_space<vmem>>, %arg9: memref<128x128xf32, #tpu.memory_space<vmem>>, %arg10: memref<128x128xf32, #tpu.memory_space<vmem>>, %arg11: memref<!tpu.dma_semaphore, #tpu.memory_space<semaphore_mem>>, %arg12: memref<!tpu.dma_semaphore, #tpu.memory_space<semaphore_mem>>) attributes {dimension_semantics = [#tpu.dimension_semantics<core_parallel>, #tpu.dimension_semantics<subcore_parallel>], iteration_bounds = array<i64: 2, 16>, scalar_prefetch = 0 : i64, scratch_operands = 6 : i64, tpu.core_type = #tpu.core_type<sc_vector_subcore>, window_params = [{transform_indices = #map}, {transform_indices = #map}, {transform_indices = #map1}, {transform_indices = #map1}, {transform_indices = #map2}]} {
    %mul3A = arith.constant 16 : i32
    %mul3A_0 = arith.muli %arg0, %mul3A : i32
    %add3A = arith.addi %mul3A_0, %arg1 : i32
    %mul3A_1 = arith.constant 5000 : i32
    %mul3A_2 = arith.muli %add3A, %mul3A_1 : i32
    %scan3A = arith.constant 0 : i32
    %scan3A_3 = arith.constant 40 : i32
    %scan3A_4 = arith.addi %scan3A, %scan3A_3 : i32
    %scan3A_5 = arith.constant 1 : i32
    scf.for %scan3A_7 = %scan3A to %scan3A_4 step %scan3A_5  : i32 {
      %mul3A_8 = arith.constant 128 : i32
      %mul3A_9 = arith.muli %scan3A_7, %mul3A_8 : i32
      %min3A = arith.constant 4872 : i32
      %min3A_10 = arith.minsi %mul3A_9, %min3A : i32
      %add3A_11 = arith.addi %mul3A_2, %min3A_10 : i32
      "tpu.region"() ({
        %run_scoped3A_23 = tpu.sem_alloc : memref<!tpu.dma_semaphore, #tpu.memory_space<semaphore_mem>>
        %dma_start3A_24 = tpu.memref_slice %arg4[%add3A_11] : memref<160000xi32, #tpu.memory_space<hbm>> -> memref<128xi32, #tpu.memory_space<hbm>>
        %dma_start3A_25 = tpu.memref_slice %arg4[%add3A_11] : memref<160000xi32, #tpu.memory_space<hbm>> -> memref<128xi32, #tpu.memory_space<hbm>>
        tpu.enqueue_dma source(%dma_start3A_25 : memref<128xi32, #tpu.memory_space<hbm>>) target(%arg7 : memref<128xi32, #tpu.memory_space<vmem>>) target_semaphore(%run_scoped3A_23 : memref<!tpu.dma_semaphore, #tpu.memory_space<semaphore_mem>>)
        %dma_wait3A_26 = tpu.memref_slice %arg4[%add3A_11] : memref<160000xi32, #tpu.memory_space<hbm>> -> memref<128xi32, #tpu.memory_space<hbm>>
        %dma_wait3A_27 = tpu.memref_slice %arg4[%add3A_11] : memref<160000xi32, #tpu.memory_space<hbm>> -> memref<128xi32, #tpu.memory_space<hbm>>
        tpu.wait_dma2 semaphore(%run_scoped3A_23 : memref<!tpu.dma_semaphore, #tpu.memory_space<semaphore_mem>>) src(%dma_wait3A_27 : memref<128xi32, #tpu.memory_space<hbm>>) dst(%arg7 : memref<128xi32, #tpu.memory_space<vmem>>)
        tpu.yield
      }) : () -> ()
      "tpu.region"() ({
        %run_scoped3A_23 = tpu.sem_alloc : memref<!tpu.dma_semaphore, #tpu.memory_space<semaphore_mem>>
        %dma_start3A_24 = tpu.memref_slice %arg5[%add3A_11] : memref<160000xi32, #tpu.memory_space<hbm>> -> memref<128xi32, #tpu.memory_space<hbm>>
        %dma_start3A_25 = tpu.memref_slice %arg5[%add3A_11] : memref<160000xi32, #tpu.memory_space<hbm>> -> memref<128xi32, #tpu.memory_space<hbm>>
        tpu.enqueue_dma source(%dma_start3A_25 : memref<128xi32, #tpu.memory_space<hbm>>) target(%arg8 : memref<128xi32, #tpu.memory_space<vmem>>) target_semaphore(%run_scoped3A_23 : memref<!tpu.dma_semaphore, #tpu.memory_space<semaphore_mem>>)
        %dma_wait3A_26 = tpu.memref_slice %arg5[%add3A_11] : memref<160000xi32, #tpu.memory_space<hbm>> -> memref<128xi32, #tpu.memory_space<hbm>>
        %dma_wait3A_27 = tpu.memref_slice %arg5[%add3A_11] : memref<160000xi32, #tpu.memory_space<hbm>> -> memref<128xi32, #tpu.memory_space<hbm>>
        tpu.wait_dma2 semaphore(%run_scoped3A_23 : memref<!tpu.dma_semaphore, #tpu.memory_space<semaphore_mem>>) src(%dma_wait3A_27 : memref<128xi32, #tpu.memory_space<hbm>>) dst(%arg8 : memref<128xi32, #tpu.memory_space<vmem>>)
        tpu.yield
      }) : () -> ()
      %dma_start3A = arith.constant 0 : i32
      %dma_start3A_12 = arith.constant 0 : i32
      %dma_start3A_13 = tpu.memref_slice %arg2[%dma_start3A, %dma_start3A_12] : memref<10000x128xf32, #tpu.memory_space<hbm>> -> memref<10000x128xf32, #tpu.memory_space<hbm>>
      tpu.enqueue_indirect_dma source(%dma_start3A_13 : memref<10000x128xf32, #tpu.memory_space<hbm>>) target(%arg9 : memref<128x128xf32, #tpu.memory_space<vmem>>) offsets(%arg7 : memref<128xi32, #tpu.memory_space<vmem>>) semaphore(%arg11 : memref<!tpu.dma_semaphore, #tpu.memory_space<semaphore_mem>>)
      %dma_start3A_14 = arith.constant 0 : i32
      %dma_start3A_15 = arith.constant 0 : i32
      %dma_start3A_16 = tpu.memref_slice %arg3[%dma_start3A_14, %dma_start3A_15] : memref<10000x128xf32, #tpu.memory_space<hbm>> -> memref<10000x128xf32, #tpu.memory_space<hbm>>
      tpu.enqueue_indirect_dma source(%dma_start3A_16 : memref<10000x128xf32, #tpu.memory_space<hbm>>) target(%arg10 : memref<128x128xf32, #tpu.memory_space<vmem>>) offsets(%arg8 : memref<128xi32, #tpu.memory_space<vmem>>) semaphore(%arg12 : memref<!tpu.dma_semaphore, #tpu.memory_space<semaphore_mem>>)
      %dma_wait3A = arith.constant 0 : i32
      %dma_wait3A_17 = arith.constant 0 : i32
      %dma_wait3A_18 = tpu.memref_slice %arg2[%dma_wait3A, %dma_wait3A_17] : memref<10000x128xf32, #tpu.memory_space<hbm>> -> memref<10000x128xf32, #tpu.memory_space<hbm>>
      tpu.wait_indirect_dma semaphore(%arg11 : memref<!tpu.dma_semaphore, #tpu.memory_space<semaphore_mem>>) src(%dma_wait3A_18 : memref<10000x128xf32, #tpu.memory_space<hbm>>) dst(%arg9 : memref<128x128xf32, #tpu.memory_space<vmem>>)
      %dma_wait3A_19 = arith.constant 0 : i32
      %dma_wait3A_20 = arith.constant 0 : i32
      %dma_wait3A_21 = tpu.memref_slice %arg3[%dma_wait3A_19, %dma_wait3A_20] : memref<10000x128xf32, #tpu.memory_space<hbm>> -> memref<10000x128xf32, #tpu.memory_space<hbm>>
      tpu.wait_indirect_dma semaphore(%arg12 : memref<!tpu.dma_semaphore, #tpu.memory_space<semaphore_mem>>) src(%dma_wait3A_21 : memref<10000x128xf32, #tpu.memory_space<hbm>>) dst(%arg10 : memref<128x128xf32, #tpu.memory_space<vmem>>)
      %run_scoped3A = arith.constant 0 : i32
      "tpu.region"() ({
        %run_scoped3A_23 = tpu.sem_alloc : memref<!tpu.dma_semaphore, #tpu.memory_space<semaphore_mem>>
        %dma_start3A_24 = arith.constant 0 : i32
        %dma_start3A_25 = tpu.memref_slice %arg6[%run_scoped3A, %add3A_11, %dma_start3A_24] : memref<2x160000x128xf32, #tpu.memory_space<hbm>> -> memref<1x128x128xf32, #tpu.memory_space<hbm>>
        %dma_start3A_26 = tpu.memref_squeeze %dma_start3A_25 : memref<1x128x128xf32, #tpu.memory_space<hbm>> -> memref<128x128xf32, #tpu.memory_space<hbm>>
        %dma_start3A_27 = arith.constant 0 : i32
        %dma_start3A_28 = tpu.memref_slice %arg6[%run_scoped3A, %add3A_11, %dma_start3A_27] : memref<2x160000x128xf32, #tpu.memory_space<hbm>> -> memref<1x128x128xf32, #tpu.memory_space<hbm>>
        %dma_start3A_29 = tpu.memref_squeeze %dma_start3A_28 : memref<1x128x128xf32, #tpu.memory_space<hbm>> -> memref<128x128xf32, #tpu.memory_space<hbm>>
        tpu.enqueue_dma source(%arg9 : memref<128x128xf32, #tpu.memory_space<vmem>>) target(%dma_start3A_29 : memref<128x128xf32, #tpu.memory_space<hbm>>) target_semaphore(%run_scoped3A_23 : memref<!tpu.dma_semaphore, #tpu.memory_space<semaphore_mem>>)
        %dma_wait3A_30 = arith.constant 0 : i32
        %dma_wait3A_31 = tpu.memref_slice %arg6[%run_scoped3A, %add3A_11, %dma_wait3A_30] : memref<2x160000x128xf32, #tpu.memory_space<hbm>> -> memref<1x128x128xf32, #tpu.memory_space<hbm>>
        %dma_wait3A_32 = tpu.memref_squeeze %dma_wait3A_31 : memref<1x128x128xf32, #tpu.memory_space<hbm>> -> memref<128x128xf32, #tpu.memory_space<hbm>>
        %dma_wait3A_33 = arith.constant 0 : i32
        %dma_wait3A_34 = tpu.memref_slice %arg6[%run_scoped3A, %add3A_11, %dma_wait3A_33] : memref<2x160000x128xf32, #tpu.memory_space<hbm>> -> memref<1x128x128xf32, #tpu.memory_space<hbm>>
        %dma_wait3A_35 = tpu.memref_squeeze %dma_wait3A_34 : memref<1x128x128xf32, #tpu.memory_space<hbm>> -> memref<128x128xf32, #tpu.memory_space<hbm>>
        tpu.wait_dma2 semaphore(%run_scoped3A_23 : memref<!tpu.dma_semaphore, #tpu.memory_space<semaphore_mem>>) src(%arg9 : memref<128x128xf32, #tpu.memory_space<vmem>>) dst(%dma_wait3A_35 : memref<128x128xf32, #tpu.memory_space<hbm>>)
        tpu.yield
      }) : () -> ()
      %run_scoped3A_22 = arith.constant 1 : i32
      "tpu.region"() ({
        %run_scoped3A_23 = tpu.sem_alloc : memref<!tpu.dma_semaphore, #tpu.memory_space<semaphore_mem>>
        %dma_start3A_24 = arith.constant 0 : i32
        %dma_start3A_25 = tpu.memref_slice %arg6[%run_scoped3A_22, %add3A_11, %dma_start3A_24] : memref<2x160000x128xf32, #tpu.memory_space<hbm>> -> memref<1x128x128xf32, #tpu.memory_space<hbm>>
        %dma_start3A_26 = tpu.memref_squeeze %dma_start3A_25 : memref<1x128x128xf32, #tpu.memory_space<hbm>> -> memref<128x128xf32, #tpu.memory_space<hbm>>
        %dma_start3A_27 = arith.constant 0 : i32
        %dma_start3A_28 = tpu.memref_slice %arg6[%run_scoped3A_22, %add3A_11, %dma_start3A_27] : memref<2x160000x128xf32, #tpu.memory_space<hbm>> -> memref<1x128x128xf32, #tpu.memory_space<hbm>>
        %dma_start3A_29 = tpu.memref_squeeze %dma_start3A_28 : memref<1x128x128xf32, #tpu.memory_space<hbm>> -> memref<128x128xf32, #tpu.memory_space<hbm>>
        tpu.enqueue_dma source(%arg10 : memref<128x128xf32, #tpu.memory_space<vmem>>) target(%dma_start3A_29 : memref<128x128xf32, #tpu.memory_space<hbm>>) target_semaphore(%run_scoped3A_23 : memref<!tpu.dma_semaphore, #tpu.memory_space<semaphore_mem>>)
        %dma_wait3A_30 = arith.constant 0 : i32
        %dma_wait3A_31 = tpu.memref_slice %arg6[%run_scoped3A_22, %add3A_11, %dma_wait3A_30] : memref<2x160000x128xf32, #tpu.memory_space<hbm>> -> memref<1x128x128xf32, #tpu.memory_space<hbm>>
        %dma_wait3A_32 = tpu.memref_squeeze %dma_wait3A_31 : memref<1x128x128xf32, #tpu.memory_space<hbm>> -> memref<128x128xf32, #tpu.memory_space<hbm>>
        %dma_wait3A_33 = arith.constant 0 : i32
        %dma_wait3A_34 = tpu.memref_slice %arg6[%run_scoped3A_22, %add3A_11, %dma_wait3A_33] : memref<2x160000x128xf32, #tpu.memory_space<hbm>> -> memref<1x128x128xf32, #tpu.memory_space<hbm>>
        %dma_wait3A_35 = tpu.memref_squeeze %dma_wait3A_34 : memref<1x128x128xf32, #tpu.memory_space<hbm>> -> memref<128x128xf32, #tpu.memory_space<hbm>>
        tpu.wait_dma2 semaphore(%run_scoped3A_23 : memref<!tpu.dma_semaphore, #tpu.memory_space<semaphore_mem>>) src(%arg10 : memref<128x128xf32, #tpu.memory_space<vmem>>) dst(%dma_wait3A_35 : memref<128x128xf32, #tpu.memory_space<hbm>>)
        tpu.yield
      }) : () -> ()
    }
    %scan3A_6 = arith.constant 40 : i32
    return
  }
}

#map = affine_map<(d0, d1) -> (0, 0)>
#map1 = affine_map<(d0, d1) -> (0)>
#map2 = affine_map<(d0, d1) -> (0, 0, 0)>
module attributes {stable_mosaic.version = 14 : i64} {
  func.func @edge_scatter(%arg0: i32, %arg1: i32, %arg2: memref<160000x128xf32, #tpu.memory_space<hbm>>, %arg3: memref<160000xi32, #tpu.memory_space<hbm>>, %arg4: memref<10240x128xf32, #tpu.memory_space<hbm>>, %arg5: memref<128x128xf32, #tpu.memory_space<hbm>>, %arg6: memref<2x10240x128xf32, #tpu.memory_space<hbm>>, %arg7: memref<2x10240x128xf32, #tpu.memory_space<hbm>>, %arg8: memref<128xi32, #tpu.memory_space<vmem>>, %arg9: memref<128x128xf32, #tpu.memory_space<vmem>>, %arg10: memref<128x128xf32, #tpu.memory_space<vmem>>, %arg11: memref<10240x128xf32, #tpu.memory_space<vmem_shared>>) attributes {dimension_semantics = [#tpu.dimension_semantics<core_parallel>, #tpu.dimension_semantics<subcore_parallel>], iteration_bounds = array<i64: 2, 16>, scalar_prefetch = 0 : i64, scratch_operands = 4 : i64, tpu.core_type = #tpu.core_type<sc_vector_subcore>, window_params = [{transform_indices = #map}, {transform_indices = #map1}, {transform_indices = #map}, {transform_indices = #map}, {transform_indices = #map2}, {transform_indices = #map2}]} {
    %mul3A = arith.constant 16 : i32
    %mul3A_0 = arith.muli %arg0, %mul3A : i32
    %add3A = arith.addi %mul3A_0, %arg1 : i32
    %mul3A_1 = arith.constant 39 : i32
    %mul3A_2 = arith.muli %mul3A_1, %add3A : i32
    %min3A = arith.constant 2 : i32
    %min3A_3 = arith.minsi %add3A, %min3A : i32
    %add3A_4 = arith.addi %mul3A_2, %min3A_3 : i32
    %mul3A_5 = arith.constant 128 : i32
    %mul3A_6 = arith.muli %add3A_4, %mul3A_5 : i32
    %mul3A_7 = arith.constant 640 : i32
    %mul3A_8 = arith.muli %arg1, %mul3A_7 : i32
    "tpu.region"() ({
      %run_scoped3A = tpu.sem_alloc : memref<!tpu.dma_semaphore, #tpu.memory_space<semaphore_mem>>
      tpu.enqueue_dma source(%arg5 : memref<128x128xf32, #tpu.memory_space<hbm>>) target(%arg10 : memref<128x128xf32, #tpu.memory_space<vmem>>) target_semaphore(%run_scoped3A : memref<!tpu.dma_semaphore, #tpu.memory_space<semaphore_mem>>)
      tpu.wait_dma2 semaphore(%run_scoped3A : memref<!tpu.dma_semaphore, #tpu.memory_space<semaphore_mem>>) src(%arg5 : memref<128x128xf32, #tpu.memory_space<hbm>>) dst(%arg10 : memref<128x128xf32, #tpu.memory_space<vmem>>)
      tpu.yield
    }) : () -> ()
    %scan3A = arith.constant 0 : i32
    %scan3A_9 = arith.constant 5 : i32
    %scan3A_10 = arith.addi %scan3A, %scan3A_9 : i32
    %scan3A_11 = arith.constant 1 : i32
    scf.for %scan3A_49 = %scan3A to %scan3A_10 step %scan3A_11  : i32 {
      %mul3A_50 = arith.constant 128 : i32
      %mul3A_51 = arith.muli %scan3A_49, %mul3A_50 : i32
      %add3A_52 = arith.addi %mul3A_8, %mul3A_51 : i32
      "tpu.region"() ({
        %run_scoped3A = tpu.sem_alloc : memref<!tpu.dma_semaphore, #tpu.memory_space<semaphore_mem>>
        %dma_start3A = arith.constant 0 : i32
        %dma_start3A_53 = tpu.memref_slice %arg4[%add3A_52, %dma_start3A] : memref<10240x128xf32, #tpu.memory_space<hbm>> -> memref<128x128xf32, #tpu.memory_space<hbm>>
        %dma_start3A_54 = arith.constant 0 : i32
        %dma_start3A_55 = tpu.memref_slice %arg4[%add3A_52, %dma_start3A_54] : memref<10240x128xf32, #tpu.memory_space<hbm>> -> memref<128x128xf32, #tpu.memory_space<hbm>>
        tpu.enqueue_dma source(%dma_start3A_55 : memref<128x128xf32, #tpu.memory_space<hbm>>) target(%arg9 : memref<128x128xf32, #tpu.memory_space<vmem>>) target_semaphore(%run_scoped3A : memref<!tpu.dma_semaphore, #tpu.memory_space<semaphore_mem>>)
        %dma_wait3A = arith.constant 0 : i32
        %dma_wait3A_56 = tpu.memref_slice %arg4[%add3A_52, %dma_wait3A] : memref<10240x128xf32, #tpu.memory_space<hbm>> -> memref<128x128xf32, #tpu.memory_space<hbm>>
        %dma_wait3A_57 = arith.constant 0 : i32
        %dma_wait3A_58 = tpu.memref_slice %arg4[%add3A_52, %dma_wait3A_57] : memref<10240x128xf32, #tpu.memory_space<hbm>> -> memref<128x128xf32, #tpu.memory_space<hbm>>
        tpu.wait_dma2 semaphore(%run_scoped3A : memref<!tpu.dma_semaphore, #tpu.memory_space<semaphore_mem>>) src(%dma_wait3A_58 : memref<128x128xf32, #tpu.memory_space<hbm>>) dst(%arg9 : memref<128x128xf32, #tpu.memory_space<vmem>>)
        tpu.yield
      }) : () -> ()
      "tpu.region"() ({
        %run_scoped3A = tpu.sem_alloc : memref<!tpu.dma_semaphore, #tpu.memory_space<semaphore_mem>>
        %dma_start3A = arith.constant 0 : i32
        %dma_start3A_53 = tpu.memref_slice %arg11[%add3A_52, %dma_start3A] : memref<10240x128xf32, #tpu.memory_space<vmem_shared>> -> memref<128x128xf32, #tpu.memory_space<vmem_shared>>
        %dma_start3A_54 = arith.constant 0 : i32
        %dma_start3A_55 = tpu.memref_slice %arg11[%add3A_52, %dma_start3A_54] : memref<10240x128xf32, #tpu.memory_space<vmem_shared>> -> memref<128x128xf32, #tpu.memory_space<vmem_shared>>
        tpu.enqueue_dma source(%arg9 : memref<128x128xf32, #tpu.memory_space<vmem>>) target(%dma_start3A_55 : memref<128x128xf32, #tpu.memory_space<vmem_shared>>) target_semaphore(%run_scoped3A : memref<!tpu.dma_semaphore, #tpu.memory_space<semaphore_mem>>)
        %dma_wait3A = arith.constant 0 : i32
        %dma_wait3A_56 = tpu.memref_slice %arg11[%add3A_52, %dma_wait3A] : memref<10240x128xf32, #tpu.memory_space<vmem_shared>> -> memref<128x128xf32, #tpu.memory_space<vmem_shared>>
        %dma_wait3A_57 = arith.constant 0 : i32
        %dma_wait3A_58 = tpu.memref_slice %arg11[%add3A_52, %dma_wait3A_57] : memref<10240x128xf32, #tpu.memory_space<vmem_shared>> -> memref<128x128xf32, #tpu.memory_space<vmem_shared>>
        tpu.wait_dma2 semaphore(%run_scoped3A : memref<!tpu.dma_semaphore, #tpu.memory_space<semaphore_mem>>) src(%arg9 : memref<128x128xf32, #tpu.memory_space<vmem>>) dst(%dma_wait3A_58 : memref<128x128xf32, #tpu.memory_space<vmem_shared>>)
        tpu.yield
      }) : () -> ()
    }
    %scan3A_12 = arith.constant 5 : i32
    %barrier3A = arith.constant 0 : index
    tpu.barrier barrier_id(%barrier3A)
    %scan3A_13 = arith.constant 0 : i32
    %scan3A_14 = arith.constant 39 : i32
    %scan3A_15 = arith.addi %scan3A_13, %scan3A_14 : i32
    %scan3A_16 = arith.constant 1 : i32
    scf.for %scan3A_49 = %scan3A_13 to %scan3A_15 step %scan3A_16  : i32 {
      %mul3A_50 = arith.constant 128 : i32
      %mul3A_51 = arith.muli %scan3A_49, %mul3A_50 : i32
      %add3A_52 = arith.addi %mul3A_6, %mul3A_51 : i32
      "tpu.region"() ({
        %run_scoped3A = tpu.sem_alloc : memref<!tpu.dma_semaphore, #tpu.memory_space<semaphore_mem>>
        %dma_start3A = tpu.memref_slice %arg3[%add3A_52] : memref<160000xi32, #tpu.memory_space<hbm>> -> memref<128xi32, #tpu.memory_space<hbm>>
        %dma_start3A_53 = tpu.memref_slice %arg3[%add3A_52] : memref<160000xi32, #tpu.memory_space<hbm>> -> memref<128xi32, #tpu.memory_space<hbm>>
        tpu.enqueue_dma source(%dma_start3A_53 : memref<128xi32, #tpu.memory_space<hbm>>) target(%arg8 : memref<128xi32, #tpu.memory_space<vmem>>) target_semaphore(%run_scoped3A : memref<!tpu.dma_semaphore, #tpu.memory_space<semaphore_mem>>)
        %dma_wait3A = tpu.memref_slice %arg3[%add3A_52] : memref<160000xi32, #tpu.memory_space<hbm>> -> memref<128xi32, #tpu.memory_space<hbm>>
        %dma_wait3A_54 = tpu.memref_slice %arg3[%add3A_52] : memref<160000xi32, #tpu.memory_space<hbm>> -> memref<128xi32, #tpu.memory_space<hbm>>
        tpu.wait_dma2 semaphore(%run_scoped3A : memref<!tpu.dma_semaphore, #tpu.memory_space<semaphore_mem>>) src(%dma_wait3A_54 : memref<128xi32, #tpu.memory_space<hbm>>) dst(%arg8 : memref<128xi32, #tpu.memory_space<vmem>>)
        tpu.yield
      }) : () -> ()
      "tpu.region"() ({
        %run_scoped3A = tpu.sem_alloc : memref<!tpu.dma_semaphore, #tpu.memory_space<semaphore_mem>>
        %dma_start3A = arith.constant 0 : i32
        %dma_start3A_53 = tpu.memref_slice %arg2[%add3A_52, %dma_start3A] : memref<160000x128xf32, #tpu.memory_space<hbm>> -> memref<128x128xf32, #tpu.memory_space<hbm>>
        %dma_start3A_54 = arith.constant 0 : i32
        %dma_start3A_55 = tpu.memref_slice %arg2[%add3A_52, %dma_start3A_54] : memref<160000x128xf32, #tpu.memory_space<hbm>> -> memref<128x128xf32, #tpu.memory_space<hbm>>
        tpu.enqueue_dma source(%dma_start3A_55 : memref<128x128xf32, #tpu.memory_space<hbm>>) target(%arg9 : memref<128x128xf32, #tpu.memory_space<vmem>>) target_semaphore(%run_scoped3A : memref<!tpu.dma_semaphore, #tpu.memory_space<semaphore_mem>>)
        %dma_wait3A = arith.constant 0 : i32
        %dma_wait3A_56 = tpu.memref_slice %arg2[%add3A_52, %dma_wait3A] : memref<160000x128xf32, #tpu.memory_space<hbm>> -> memref<128x128xf32, #tpu.memory_space<hbm>>
        %dma_wait3A_57 = arith.constant 0 : i32
        %dma_wait3A_58 = tpu.memref_slice %arg2[%add3A_52, %dma_wait3A_57] : memref<160000x128xf32, #tpu.memory_space<hbm>> -> memref<128x128xf32, #tpu.memory_space<hbm>>
        tpu.wait_dma2 semaphore(%run_scoped3A : memref<!tpu.dma_semaphore, #tpu.memory_space<semaphore_mem>>) src(%dma_wait3A_58 : memref<128x128xf32, #tpu.memory_space<hbm>>) dst(%arg9 : memref<128x128xf32, #tpu.memory_space<vmem>>)
        tpu.yield
      }) : () -> ()
      "tpu.region"() ({
        %run_scoped3A = tpu.sem_alloc : memref<!tpu.dma_semaphore, #tpu.memory_space<semaphore_mem>>
        %dma_start3A = arith.constant 0 : i32
        %dma_start3A_53 = arith.constant 0 : i32
        %dma_start3A_54 = tpu.memref_slice %arg11[%dma_start3A, %dma_start3A_53] : memref<10240x128xf32, #tpu.memory_space<vmem_shared>> -> memref<10240x128xf32, #tpu.memory_space<vmem_shared>>
        tpu.enqueue_indirect_dma source(%arg9 : memref<128x128xf32, #tpu.memory_space<vmem>>) target(%dma_start3A_54 : memref<10240x128xf32, #tpu.memory_space<vmem_shared>>) offsets(%arg8 : memref<128xi32, #tpu.memory_space<vmem>>) semaphore(%run_scoped3A : memref<!tpu.dma_semaphore, #tpu.memory_space<semaphore_mem>>) {add = true}
        %dma_wait3A = arith.constant 0 : i32
        %dma_wait3A_55 = arith.constant 0 : i32
        %dma_wait3A_56 = tpu.memref_slice %arg11[%dma_wait3A, %dma_wait3A_55] : memref<10240x128xf32, #tpu.memory_space<vmem_shared>> -> memref<10240x128xf32, #tpu.memory_space<vmem_shared>>
        tpu.wait_indirect_dma semaphore(%run_scoped3A : memref<!tpu.dma_semaphore, #tpu.memory_space<semaphore_mem>>) src(%arg9 : memref<128x128xf32, #tpu.memory_space<vmem>>) dst(%dma_wait3A_56 : memref<10240x128xf32, #tpu.memory_space<vmem_shared>>)
        tpu.yield
      }) : () -> ()
    }
    %scan3A_17 = arith.constant 39 : i32
    %lt3A = arith.constant 2 : i32
    %lt3A_18 = arith.cmpi slt, %add3A, %lt3A : i32
    %convert_element_type3A = arith.extui %lt3A_18 : i1 to i32
    %cond3A = arith.constant 0 : i32
    %cond3A_19 = arith.cmpi ne, %convert_element_type3A, %cond3A : i32
    scf.if %cond3A_19 {
      %add3A_49 = arith.constant 4992 : i32
      %add3A_50 = arith.addi %mul3A_6, %add3A_49 : i32
      "tpu.region"() ({
        %run_scoped3A = tpu.sem_alloc : memref<!tpu.dma_semaphore, #tpu.memory_space<semaphore_mem>>
        %dma_start3A = tpu.memref_slice %arg3[%add3A_50] : memref<160000xi32, #tpu.memory_space<hbm>> -> memref<128xi32, #tpu.memory_space<hbm>>
        %dma_start3A_51 = tpu.memref_slice %arg3[%add3A_50] : memref<160000xi32, #tpu.memory_space<hbm>> -> memref<128xi32, #tpu.memory_space<hbm>>
        tpu.enqueue_dma source(%dma_start3A_51 : memref<128xi32, #tpu.memory_space<hbm>>) target(%arg8 : memref<128xi32, #tpu.memory_space<vmem>>) target_semaphore(%run_scoped3A : memref<!tpu.dma_semaphore, #tpu.memory_space<semaphore_mem>>)
        %dma_wait3A = tpu.memref_slice %arg3[%add3A_50] : memref<160000xi32, #tpu.memory_space<hbm>> -> memref<128xi32, #tpu.memory_space<hbm>>
        %dma_wait3A_52 = tpu.memref_slice %arg3[%add3A_50] : memref<160000xi32, #tpu.memory_space<hbm>> -> memref<128xi32, #tpu.memory_space<hbm>>
        tpu.wait_dma2 semaphore(%run_scoped3A : memref<!tpu.dma_semaphore, #tpu.memory_space<semaphore_mem>>) src(%dma_wait3A_52 : memref<128xi32, #tpu.memory_space<hbm>>) dst(%arg8 : memref<128xi32, #tpu.memory_space<vmem>>)
        tpu.yield
      }) : () -> ()
      "tpu.region"() ({
        %run_scoped3A = tpu.sem_alloc : memref<!tpu.dma_semaphore, #tpu.memory_space<semaphore_mem>>
        %dma_start3A = arith.constant 0 : i32
        %dma_start3A_51 = tpu.memref_slice %arg2[%add3A_50, %dma_start3A] : memref<160000x128xf32, #tpu.memory_space<hbm>> -> memref<128x128xf32, #tpu.memory_space<hbm>>
        %dma_start3A_52 = arith.constant 0 : i32
        %dma_start3A_53 = tpu.memref_slice %arg2[%add3A_50, %dma_start3A_52] : memref<160000x128xf32, #tpu.memory_space<hbm>> -> memref<128x128xf32, #tpu.memory_space<hbm>>
        tpu.enqueue_dma source(%dma_start3A_53 : memref<128x128xf32, #tpu.memory_space<hbm>>) target(%arg9 : memref<128x128xf32, #tpu.memory_space<vmem>>) target_semaphore(%run_scoped3A : memref<!tpu.dma_semaphore, #tpu.memory_space<semaphore_mem>>)
        %dma_wait3A = arith.constant 0 : i32
        %dma_wait3A_54 = tpu.memref_slice %arg2[%add3A_50, %dma_wait3A] : memref<160000x128xf32, #tpu.memory_space<hbm>> -> memref<128x128xf32, #tpu.memory_space<hbm>>
        %dma_wait3A_55 = arith.constant 0 : i32
        %dma_wait3A_56 = tpu.memref_slice %arg2[%add3A_50, %dma_wait3A_55] : memref<160000x128xf32, #tpu.memory_space<hbm>> -> memref<128x128xf32, #tpu.memory_space<hbm>>
        tpu.wait_dma2 semaphore(%run_scoped3A : memref<!tpu.dma_semaphore, #tpu.memory_space<semaphore_mem>>) src(%dma_wait3A_56 : memref<128x128xf32, #tpu.memory_space<hbm>>) dst(%arg9 : memref<128x128xf32, #tpu.memory_space<vmem>>)
        tpu.yield
      }) : () -> ()
      "tpu.region"() ({
        %run_scoped3A = tpu.sem_alloc : memref<!tpu.dma_semaphore, #tpu.memory_space<semaphore_mem>>
        %dma_start3A = arith.constant 0 : i32
        %dma_start3A_51 = arith.constant 0 : i32
        %dma_start3A_52 = tpu.memref_slice %arg11[%dma_start3A, %dma_start3A_51] : memref<10240x128xf32, #tpu.memory_space<vmem_shared>> -> memref<10240x128xf32, #tpu.memory_space<vmem_shared>>
        tpu.enqueue_indirect_dma source(%arg9 : memref<128x128xf32, #tpu.memory_space<vmem>>) target(%dma_start3A_52 : memref<10240x128xf32, #tpu.memory_space<vmem_shared>>) offsets(%arg8 : memref<128xi32, #tpu.memory_space<vmem>>) semaphore(%run_scoped3A : memref<!tpu.dma_semaphore, #tpu.memory_space<semaphore_mem>>) {add = true}
        %dma_wait3A = arith.constant 0 : i32
        %dma_wait3A_53 = arith.constant 0 : i32
        %dma_wait3A_54 = tpu.memref_slice %arg11[%dma_wait3A, %dma_wait3A_53] : memref<10240x128xf32, #tpu.memory_space<vmem_shared>> -> memref<10240x128xf32, #tpu.memory_space<vmem_shared>>
        tpu.wait_indirect_dma semaphore(%run_scoped3A : memref<!tpu.dma_semaphore, #tpu.memory_space<semaphore_mem>>) src(%arg9 : memref<128x128xf32, #tpu.memory_space<vmem>>) dst(%dma_wait3A_54 : memref<10240x128xf32, #tpu.memory_space<vmem_shared>>)
        tpu.yield
      }) : () -> ()
    } else {
    }
    %barrier3A_20 = arith.constant 0 : index
    tpu.barrier barrier_id(%barrier3A_20)
    %scan3A_21 = arith.constant 0 : i32
    %scan3A_22 = arith.constant 5 : i32
    %scan3A_23 = arith.addi %scan3A_21, %scan3A_22 : i32
    %scan3A_24 = arith.constant 1 : i32
    scf.for %scan3A_49 = %scan3A_21 to %scan3A_23 step %scan3A_24  : i32 {
      %mul3A_50 = arith.constant 128 : i32
      %mul3A_51 = arith.muli %scan3A_49, %mul3A_50 : i32
      %add3A_52 = arith.addi %mul3A_8, %mul3A_51 : i32
      "tpu.region"() ({
        %run_scoped3A = tpu.sem_alloc : memref<!tpu.dma_semaphore, #tpu.memory_space<semaphore_mem>>
        %dma_start3A = arith.constant 0 : i32
        %dma_start3A_53 = tpu.memref_slice %arg11[%add3A_52, %dma_start3A] : memref<10240x128xf32, #tpu.memory_space<vmem_shared>> -> memref<128x128xf32, #tpu.memory_space<vmem_shared>>
        %dma_start3A_54 = arith.constant 0 : i32
        %dma_start3A_55 = tpu.memref_slice %arg11[%add3A_52, %dma_start3A_54] : memref<10240x128xf32, #tpu.memory_space<vmem_shared>> -> memref<128x128xf32, #tpu.memory_space<vmem_shared>>
        tpu.enqueue_dma source(%dma_start3A_55 : memref<128x128xf32, #tpu.memory_space<vmem_shared>>) target(%arg9 : memref<128x128xf32, #tpu.memory_space<vmem>>) target_semaphore(%run_scoped3A : memref<!tpu.dma_semaphore, #tpu.memory_space<semaphore_mem>>)
        %dma_wait3A = arith.constant 0 : i32
        %dma_wait3A_56 = tpu.memref_slice %arg11[%add3A_52, %dma_wait3A] : memref<10240x128xf32, #tpu.memory_space<vmem_shared>> -> memref<128x128xf32, #tpu.memory_space<vmem_shared>>
        %dma_wait3A_57 = arith.constant 0 : i32
        %dma_wait3A_58 = tpu.memref_slice %arg11[%add3A_52, %dma_wait3A_57] : memref<10240x128xf32, #tpu.memory_space<vmem_shared>> -> memref<128x128xf32, #tpu.memory_space<vmem_shared>>
        tpu.wait_dma2 semaphore(%run_scoped3A : memref<!tpu.dma_semaphore, #tpu.memory_space<semaphore_mem>>) src(%dma_wait3A_58 : memref<128x128xf32, #tpu.memory_space<vmem_shared>>) dst(%arg9 : memref<128x128xf32, #tpu.memory_space<vmem>>)
        tpu.yield
      }) : () -> ()
      "tpu.region"() ({
        %run_scoped3A = tpu.sem_alloc : memref<!tpu.dma_semaphore, #tpu.memory_space<semaphore_mem>>
        %dma_start3A = arith.constant 0 : i32
        %dma_start3A_53 = tpu.memref_slice %arg6[%arg0, %add3A_52, %dma_start3A] : memref<2x10240x128xf32, #tpu.memory_space<hbm>> -> memref<1x128x128xf32, #tpu.memory_space<hbm>>
        %dma_start3A_54 = tpu.memref_squeeze %dma_start3A_53 : memref<1x128x128xf32, #tpu.memory_space<hbm>> -> memref<128x128xf32, #tpu.memory_space<hbm>>
        %dma_start3A_55 = arith.constant 0 : i32
        %dma_start3A_56 = tpu.memref_slice %arg6[%arg0, %add3A_52, %dma_start3A_55] : memref<2x10240x128xf32, #tpu.memory_space<hbm>> -> memref<1x128x128xf32, #tpu.memory_space<hbm>>
        %dma_start3A_57 = tpu.memref_squeeze %dma_start3A_56 : memref<1x128x128xf32, #tpu.memory_space<hbm>> -> memref<128x128xf32, #tpu.memory_space<hbm>>
        tpu.enqueue_dma source(%arg9 : memref<128x128xf32, #tpu.memory_space<vmem>>) target(%dma_start3A_57 : memref<128x128xf32, #tpu.memory_space<hbm>>) target_semaphore(%run_scoped3A : memref<!tpu.dma_semaphore, #tpu.memory_space<semaphore_mem>>)
        %dma_wait3A = arith.constant 0 : i32
        %dma_wait3A_58 = tpu.memref_slice %arg6[%arg0, %add3A_52, %dma_wait3A] : memref<2x10240x128xf32, #tpu.memory_space<hbm>> -> memref<1x128x128xf32, #tpu.memory_space<hbm>>
        %dma_wait3A_59 = tpu.memref_squeeze %dma_wait3A_58 : memref<1x128x128xf32, #tpu.memory_space<hbm>> -> memref<128x128xf32, #tpu.memory_space<hbm>>
        %dma_wait3A_60 = arith.constant 0 : i32
        %dma_wait3A_61 = tpu.memref_slice %arg6[%arg0, %add3A_52, %dma_wait3A_60] : memref<2x10240x128xf32, #tpu.memory_space<hbm>> -> memref<1x128x128xf32, #tpu.memory_space<hbm>>
        %dma_wait3A_62 = tpu.memref_squeeze %dma_wait3A_61 : memref<1x128x128xf32, #tpu.memory_space<hbm>> -> memref<128x128xf32, #tpu.memory_space<hbm>>
        tpu.wait_dma2 semaphore(%run_scoped3A : memref<!tpu.dma_semaphore, #tpu.memory_space<semaphore_mem>>) src(%arg9 : memref<128x128xf32, #tpu.memory_space<vmem>>) dst(%dma_wait3A_62 : memref<128x128xf32, #tpu.memory_space<hbm>>)
        tpu.yield
      }) : () -> ()
    }
    %scan3A_25 = arith.constant 5 : i32
    %barrier3A_26 = arith.constant 0 : index
    tpu.barrier barrier_id(%barrier3A_26)
    %scan3A_27 = arith.constant 0 : i32
    %scan3A_28 = arith.constant 5 : i32
    %scan3A_29 = arith.addi %scan3A_27, %scan3A_28 : i32
    %scan3A_30 = arith.constant 1 : i32
    scf.for %scan3A_49 = %scan3A_27 to %scan3A_29 step %scan3A_30  : i32 {
      %mul3A_50 = arith.constant 128 : i32
      %mul3A_51 = arith.muli %scan3A_49, %mul3A_50 : i32
      %add3A_52 = arith.addi %mul3A_8, %mul3A_51 : i32
      "tpu.region"() ({
        %run_scoped3A = tpu.sem_alloc : memref<!tpu.dma_semaphore, #tpu.memory_space<semaphore_mem>>
        %dma_start3A = arith.constant 0 : i32
        %dma_start3A_53 = tpu.memref_slice %arg4[%add3A_52, %dma_start3A] : memref<10240x128xf32, #tpu.memory_space<hbm>> -> memref<128x128xf32, #tpu.memory_space<hbm>>
        %dma_start3A_54 = arith.constant 0 : i32
        %dma_start3A_55 = tpu.memref_slice %arg4[%add3A_52, %dma_start3A_54] : memref<10240x128xf32, #tpu.memory_space<hbm>> -> memref<128x128xf32, #tpu.memory_space<hbm>>
        tpu.enqueue_dma source(%dma_start3A_55 : memref<128x128xf32, #tpu.memory_space<hbm>>) target(%arg9 : memref<128x128xf32, #tpu.memory_space<vmem>>) target_semaphore(%run_scoped3A : memref<!tpu.dma_semaphore, #tpu.memory_space<semaphore_mem>>)
        %dma_wait3A = arith.constant 0 : i32
        %dma_wait3A_56 = tpu.memref_slice %arg4[%add3A_52, %dma_wait3A] : memref<10240x128xf32, #tpu.memory_space<hbm>> -> memref<128x128xf32, #tpu.memory_space<hbm>>
        %dma_wait3A_57 = arith.constant 0 : i32
        %dma_wait3A_58 = tpu.memref_slice %arg4[%add3A_52, %dma_wait3A_57] : memref<10240x128xf32, #tpu.memory_space<hbm>> -> memref<128x128xf32, #tpu.memory_space<hbm>>
        tpu.wait_dma2 semaphore(%run_scoped3A : memref<!tpu.dma_semaphore, #tpu.memory_space<semaphore_mem>>) src(%dma_wait3A_58 : memref<128x128xf32, #tpu.memory_space<hbm>>) dst(%arg9 : memref<128x128xf32, #tpu.memory_space<vmem>>)
        tpu.yield
      }) : () -> ()
      "tpu.region"() ({
        %run_scoped3A = tpu.sem_alloc : memref<!tpu.dma_semaphore, #tpu.memory_space<semaphore_mem>>
        %dma_start3A = arith.constant 0 : i32
        %dma_start3A_53 = tpu.memref_slice %arg11[%add3A_52, %dma_start3A] : memref<10240x128xf32, #tpu.memory_space<vmem_shared>> -> memref<128x128xf32, #tpu.memory_space<vmem_shared>>
        %dma_start3A_54 = arith.constant 0 : i32
        %dma_start3A_55 = tpu.memref_slice %arg11[%add3A_52, %dma_start3A_54] : memref<10240x128xf32, #tpu.memory_space<vmem_shared>> -> memref<128x128xf32, #tpu.memory_space<vmem_shared>>
        tpu.enqueue_dma source(%arg9 : memref<128x128xf32, #tpu.memory_space<vmem>>) target(%dma_start3A_55 : memref<128x128xf32, #tpu.memory_space<vmem_shared>>) target_semaphore(%run_scoped3A : memref<!tpu.dma_semaphore, #tpu.memory_space<semaphore_mem>>)
        %dma_wait3A = arith.constant 0 : i32
        %dma_wait3A_56 = tpu.memref_slice %arg11[%add3A_52, %dma_wait3A] : memref<10240x128xf32, #tpu.memory_space<vmem_shared>> -> memref<128x128xf32, #tpu.memory_space<vmem_shared>>
        %dma_wait3A_57 = arith.constant 0 : i32
        %dma_wait3A_58 = tpu.memref_slice %arg11[%add3A_52, %dma_wait3A_57] : memref<10240x128xf32, #tpu.memory_space<vmem_shared>> -> memref<128x128xf32, #tpu.memory_space<vmem_shared>>
        tpu.wait_dma2 semaphore(%run_scoped3A : memref<!tpu.dma_semaphore, #tpu.memory_space<semaphore_mem>>) src(%arg9 : memref<128x128xf32, #tpu.memory_space<vmem>>) dst(%dma_wait3A_58 : memref<128x128xf32, #tpu.memory_space<vmem_shared>>)
        tpu.yield
      }) : () -> ()
    }
    %scan3A_31 = arith.constant 5 : i32
    %barrier3A_32 = arith.constant 0 : index
    tpu.barrier barrier_id(%barrier3A_32)
    %scan3A_33 = arith.constant 0 : i32
    %scan3A_34 = arith.constant 39 : i32
    %scan3A_35 = arith.addi %scan3A_33, %scan3A_34 : i32
    %scan3A_36 = arith.constant 1 : i32
    scf.for %scan3A_49 = %scan3A_33 to %scan3A_35 step %scan3A_36  : i32 {
      %mul3A_50 = arith.constant 128 : i32
      %mul3A_51 = arith.muli %scan3A_49, %mul3A_50 : i32
      %add3A_52 = arith.addi %mul3A_6, %mul3A_51 : i32
      "tpu.region"() ({
        %run_scoped3A = tpu.sem_alloc : memref<!tpu.dma_semaphore, #tpu.memory_space<semaphore_mem>>
        %dma_start3A = tpu.memref_slice %arg3[%add3A_52] : memref<160000xi32, #tpu.memory_space<hbm>> -> memref<128xi32, #tpu.memory_space<hbm>>
        %dma_start3A_53 = tpu.memref_slice %arg3[%add3A_52] : memref<160000xi32, #tpu.memory_space<hbm>> -> memref<128xi32, #tpu.memory_space<hbm>>
        tpu.enqueue_dma source(%dma_start3A_53 : memref<128xi32, #tpu.memory_space<hbm>>) target(%arg8 : memref<128xi32, #tpu.memory_space<vmem>>) target_semaphore(%run_scoped3A : memref<!tpu.dma_semaphore, #tpu.memory_space<semaphore_mem>>)
        %dma_wait3A = tpu.memref_slice %arg3[%add3A_52] : memref<160000xi32, #tpu.memory_space<hbm>> -> memref<128xi32, #tpu.memory_space<hbm>>
        %dma_wait3A_54 = tpu.memref_slice %arg3[%add3A_52] : memref<160000xi32, #tpu.memory_space<hbm>> -> memref<128xi32, #tpu.memory_space<hbm>>
        tpu.wait_dma2 semaphore(%run_scoped3A : memref<!tpu.dma_semaphore, #tpu.memory_space<semaphore_mem>>) src(%dma_wait3A_54 : memref<128xi32, #tpu.memory_space<hbm>>) dst(%arg8 : memref<128xi32, #tpu.memory_space<vmem>>)
        tpu.yield
      }) : () -> ()
      "tpu.region"() ({
        %run_scoped3A = tpu.sem_alloc : memref<!tpu.dma_semaphore, #tpu.memory_space<semaphore_mem>>
        %dma_start3A = arith.constant 0 : i32
        %dma_start3A_53 = arith.constant 0 : i32
        %dma_start3A_54 = tpu.memref_slice %arg11[%dma_start3A, %dma_start3A_53] : memref<10240x128xf32, #tpu.memory_space<vmem_shared>> -> memref<10240x128xf32, #tpu.memory_space<vmem_shared>>
        tpu.enqueue_indirect_dma source(%arg10 : memref<128x128xf32, #tpu.memory_space<vmem>>) target(%dma_start3A_54 : memref<10240x128xf32, #tpu.memory_space<vmem_shared>>) offsets(%arg8 : memref<128xi32, #tpu.memory_space<vmem>>) semaphore(%run_scoped3A : memref<!tpu.dma_semaphore, #tpu.memory_space<semaphore_mem>>) {add = true}
        %dma_wait3A = arith.constant 0 : i32
        %dma_wait3A_55 = arith.constant 0 : i32
        %dma_wait3A_56 = tpu.memref_slice %arg11[%dma_wait3A, %dma_wait3A_55] : memref<10240x128xf32, #tpu.memory_space<vmem_shared>> -> memref<10240x128xf32, #tpu.memory_space<vmem_shared>>
        tpu.wait_indirect_dma semaphore(%run_scoped3A : memref<!tpu.dma_semaphore, #tpu.memory_space<semaphore_mem>>) src(%arg10 : memref<128x128xf32, #tpu.memory_space<vmem>>) dst(%dma_wait3A_56 : memref<10240x128xf32, #tpu.memory_space<vmem_shared>>)
        tpu.yield
      }) : () -> ()
    }
    %scan3A_37 = arith.constant 39 : i32
    %lt3A_38 = arith.constant 2 : i32
    %lt3A_39 = arith.cmpi slt, %add3A, %lt3A_38 : i32
    %convert_element_type3A_40 = arith.extui %lt3A_39 : i1 to i32
    %cond3A_41 = arith.constant 0 : i32
    %cond3A_42 = arith.cmpi ne, %convert_element_type3A_40, %cond3A_41 : i32
    scf.if %cond3A_42 {
      %add3A_49 = arith.constant 4992 : i32
      %add3A_50 = arith.addi %mul3A_6, %add3A_49 : i32
      "tpu.region"() ({
        %run_scoped3A = tpu.sem_alloc : memref<!tpu.dma_semaphore, #tpu.memory_space<semaphore_mem>>
        %dma_start3A = tpu.memref_slice %arg3[%add3A_50] : memref<160000xi32, #tpu.memory_space<hbm>> -> memref<128xi32, #tpu.memory_space<hbm>>
        %dma_start3A_51 = tpu.memref_slice %arg3[%add3A_50] : memref<160000xi32, #tpu.memory_space<hbm>> -> memref<128xi32, #tpu.memory_space<hbm>>
        tpu.enqueue_dma source(%dma_start3A_51 : memref<128xi32, #tpu.memory_space<hbm>>) target(%arg8 : memref<128xi32, #tpu.memory_space<vmem>>) target_semaphore(%run_scoped3A : memref<!tpu.dma_semaphore, #tpu.memory_space<semaphore_mem>>)
        %dma_wait3A = tpu.memref_slice %arg3[%add3A_50] : memref<160000xi32, #tpu.memory_space<hbm>> -> memref<128xi32, #tpu.memory_space<hbm>>
        %dma_wait3A_52 = tpu.memref_slice %arg3[%add3A_50] : memref<160000xi32, #tpu.memory_space<hbm>> -> memref<128xi32, #tpu.memory_space<hbm>>
        tpu.wait_dma2 semaphore(%run_scoped3A : memref<!tpu.dma_semaphore, #tpu.memory_space<semaphore_mem>>) src(%dma_wait3A_52 : memref<128xi32, #tpu.memory_space<hbm>>) dst(%arg8 : memref<128xi32, #tpu.memory_space<vmem>>)
        tpu.yield
      }) : () -> ()
      "tpu.region"() ({
        %run_scoped3A = tpu.sem_alloc : memref<!tpu.dma_semaphore, #tpu.memory_space<semaphore_mem>>
        %dma_start3A = arith.constant 0 : i32
        %dma_start3A_51 = arith.constant 0 : i32
        %dma_start3A_52 = tpu.memref_slice %arg11[%dma_start3A, %dma_start3A_51] : memref<10240x128xf32, #tpu.memory_space<vmem_shared>> -> memref<10240x128xf32, #tpu.memory_space<vmem_shared>>
        tpu.enqueue_indirect_dma source(%arg10 : memref<128x128xf32, #tpu.memory_space<vmem>>) target(%dma_start3A_52 : memref<10240x128xf32, #tpu.memory_space<vmem_shared>>) offsets(%arg8 : memref<128xi32, #tpu.memory_space<vmem>>) semaphore(%run_scoped3A : memref<!tpu.dma_semaphore, #tpu.memory_space<semaphore_mem>>) {add = true}
        %dma_wait3A = arith.constant 0 : i32
        %dma_wait3A_53 = arith.constant 0 : i32
        %dma_wait3A_54 = tpu.memref_slice %arg11[%dma_wait3A, %dma_wait3A_53] : memref<10240x128xf32, #tpu.memory_space<vmem_shared>> -> memref<10240x128xf32, #tpu.memory_space<vmem_shared>>
        tpu.wait_indirect_dma semaphore(%run_scoped3A : memref<!tpu.dma_semaphore, #tpu.memory_space<semaphore_mem>>) src(%arg10 : memref<128x128xf32, #tpu.memory_space<vmem>>) dst(%dma_wait3A_54 : memref<10240x128xf32, #tpu.memory_space<vmem_shared>>)
        tpu.yield
      }) : () -> ()
    } else {
    }
    %barrier3A_43 = arith.constant 0 : index
    tpu.barrier barrier_id(%barrier3A_43)
    %scan3A_44 = arith.constant 0 : i32
    %scan3A_45 = arith.constant 5 : i32
    %scan3A_46 = arith.addi %scan3A_44, %scan3A_45 : i32
    %scan3A_47 = arith.constant 1 : i32
    scf.for %scan3A_49 = %scan3A_44 to %scan3A_46 step %scan3A_47  : i32 {
      %mul3A_50 = arith.constant 128 : i32
      %mul3A_51 = arith.muli %scan3A_49, %mul3A_50 : i32
      %add3A_52 = arith.addi %mul3A_8, %mul3A_51 : i32
      "tpu.region"() ({
        %run_scoped3A = tpu.sem_alloc : memref<!tpu.dma_semaphore, #tpu.memory_space<semaphore_mem>>
        %dma_start3A = arith.constant 0 : i32
        %dma_start3A_53 = tpu.memref_slice %arg11[%add3A_52, %dma_start3A] : memref<10240x128xf32, #tpu.memory_space<vmem_shared>> -> memref<128x128xf32, #tpu.memory_space<vmem_shared>>
        %dma_start3A_54 = arith.constant 0 : i32
        %dma_start3A_55 = tpu.memref_slice %arg11[%add3A_52, %dma_start3A_54] : memref<10240x128xf32, #tpu.memory_space<vmem_shared>> -> memref<128x128xf32, #tpu.memory_space<vmem_shared>>
        tpu.enqueue_dma source(%dma_start3A_55 : memref<128x128xf32, #tpu.memory_space<vmem_shared>>) target(%arg9 : memref<128x128xf32, #tpu.memory_space<vmem>>) target_semaphore(%run_scoped3A : memref<!tpu.dma_semaphore, #tpu.memory_space<semaphore_mem>>)
        %dma_wait3A = arith.constant 0 : i32
        %dma_wait3A_56 = tpu.memref_slice %arg11[%add3A_52, %dma_wait3A] : memref<10240x128xf32, #tpu.memory_space<vmem_shared>> -> memref<128x128xf32, #tpu.memory_space<vmem_shared>>
        %dma_wait3A_57 = arith.constant 0 : i32
        %dma_wait3A_58 = tpu.memref_slice %arg11[%add3A_52, %dma_wait3A_57] : memref<10240x128xf32, #tpu.memory_space<vmem_shared>> -> memref<128x128xf32, #tpu.memory_space<vmem_shared>>
        tpu.wait_dma2 semaphore(%run_scoped3A : memref<!tpu.dma_semaphore, #tpu.memory_space<semaphore_mem>>) src(%dma_wait3A_58 : memref<128x128xf32, #tpu.memory_space<vmem_shared>>) dst(%arg9 : memref<128x128xf32, #tpu.memory_space<vmem>>)
        tpu.yield
      }) : () -> ()
      "tpu.region"() ({
        %run_scoped3A = tpu.sem_alloc : memref<!tpu.dma_semaphore, #tpu.memory_space<semaphore_mem>>
        %dma_start3A = arith.constant 0 : i32
        %dma_start3A_53 = tpu.memref_slice %arg7[%arg0, %add3A_52, %dma_start3A] : memref<2x10240x128xf32, #tpu.memory_space<hbm>> -> memref<1x128x128xf32, #tpu.memory_space<hbm>>
        %dma_start3A_54 = tpu.memref_squeeze %dma_start3A_53 : memref<1x128x128xf32, #tpu.memory_space<hbm>> -> memref<128x128xf32, #tpu.memory_space<hbm>>
        %dma_start3A_55 = arith.constant 0 : i32
        %dma_start3A_56 = tpu.memref_slice %arg7[%arg0, %add3A_52, %dma_start3A_55] : memref<2x10240x128xf32, #tpu.memory_space<hbm>> -> memref<1x128x128xf32, #tpu.memory_space<hbm>>
        %dma_start3A_57 = tpu.memref_squeeze %dma_start3A_56 : memref<1x128x128xf32, #tpu.memory_space<hbm>> -> memref<128x128xf32, #tpu.memory_space<hbm>>
        tpu.enqueue_dma source(%arg9 : memref<128x128xf32, #tpu.memory_space<vmem>>) target(%dma_start3A_57 : memref<128x128xf32, #tpu.memory_space<hbm>>) target_semaphore(%run_scoped3A : memref<!tpu.dma_semaphore, #tpu.memory_space<semaphore_mem>>)
        %dma_wait3A = arith.constant 0 : i32
        %dma_wait3A_58 = tpu.memref_slice %arg7[%arg0, %add3A_52, %dma_wait3A] : memref<2x10240x128xf32, #tpu.memory_space<hbm>> -> memref<1x128x128xf32, #tpu.memory_space<hbm>>
        %dma_wait3A_59 = tpu.memref_squeeze %dma_wait3A_58 : memref<1x128x128xf32, #tpu.memory_space<hbm>> -> memref<128x128xf32, #tpu.memory_space<hbm>>
        %dma_wait3A_60 = arith.constant 0 : i32
        %dma_wait3A_61 = tpu.memref_slice %arg7[%arg0, %add3A_52, %dma_wait3A_60] : memref<2x10240x128xf32, #tpu.memory_space<hbm>> -> memref<1x128x128xf32, #tpu.memory_space<hbm>>
        %dma_wait3A_62 = tpu.memref_squeeze %dma_wait3A_61 : memref<1x128x128xf32, #tpu.memory_space<hbm>> -> memref<128x128xf32, #tpu.memory_space<hbm>>
        tpu.wait_dma2 semaphore(%run_scoped3A : memref<!tpu.dma_semaphore, #tpu.memory_space<semaphore_mem>>) src(%arg9 : memref<128x128xf32, #tpu.memory_space<vmem>>) dst(%dma_wait3A_62 : memref<128x128xf32, #tpu.memory_space<hbm>>)
        tpu.yield
      }) : () -> ()
    }
    %scan3A_48 = arith.constant 5 : i32
    return
  }
}

#map = affine_map<(d0, d1) -> (0, 0)>
#map1 = affine_map<(d0, d1) -> (0)>
#map2 = affine_map<(d0, d1) -> (0, 0, 0)>
module attributes {stable_mosaic.version = 14 : i64} {
  func.func @edge_scatter(%arg0: i32, %arg1: i32, %arg2: memref<160000x128xf32, #tpu.memory_space<hbm>>, %arg3: memref<160000xi32, #tpu.memory_space<hbm>>, %arg4: memref<10240x128xf32, #tpu.memory_space<hbm>>, %arg5: memref<128x128xf32, #tpu.memory_space<hbm>>, %arg6: memref<2x10240x128xf32, #tpu.memory_space<hbm>>, %arg7: memref<2x10240x128xf32, #tpu.memory_space<hbm>>, %arg8: memref<128xi32, #tpu.memory_space<vmem>>, %arg9: memref<128x128xf32, #tpu.memory_space<vmem>>, %arg10: memref<128x128xf32, #tpu.memory_space<vmem>>, %arg11: memref<10240x128xf32, #tpu.memory_space<vmem_shared>>) attributes {dimension_semantics = [#tpu.dimension_semantics<core_parallel>, #tpu.dimension_semantics<subcore_parallel>], iteration_bounds = array<i64: 2, 16>, scalar_prefetch = 0 : i64, scratch_operands = 4 : i64, tpu.core_type = #tpu.core_type<sc_vector_subcore>, window_params = [{transform_indices = #map}, {transform_indices = #map1}, {transform_indices = #map}, {transform_indices = #map}, {transform_indices = #map2}, {transform_indices = #map2}]} {
    %mul3A = arith.constant 16 : i32
    %mul3A_0 = arith.muli %arg0, %mul3A : i32
    %add3A = arith.addi %mul3A_0, %arg1 : i32
    %mul3A_1 = arith.constant 39 : i32
    %mul3A_2 = arith.muli %mul3A_1, %add3A : i32
    %min3A = arith.constant 2 : i32
    %min3A_3 = arith.minsi %add3A, %min3A : i32
    %add3A_4 = arith.addi %mul3A_2, %min3A_3 : i32
    %mul3A_5 = arith.constant 128 : i32
    %mul3A_6 = arith.muli %add3A_4, %mul3A_5 : i32
    %mul3A_7 = arith.constant 640 : i32
    %mul3A_8 = arith.muli %arg1, %mul3A_7 : i32
    "tpu.region"() ({
      %run_scoped3A = tpu.sem_alloc : memref<!tpu.dma_semaphore, #tpu.memory_space<semaphore_mem>>
      tpu.enqueue_dma source(%arg5 : memref<128x128xf32, #tpu.memory_space<hbm>>) target(%arg10 : memref<128x128xf32, #tpu.memory_space<vmem>>) target_semaphore(%run_scoped3A : memref<!tpu.dma_semaphore, #tpu.memory_space<semaphore_mem>>)
      tpu.wait_dma2 semaphore(%run_scoped3A : memref<!tpu.dma_semaphore, #tpu.memory_space<semaphore_mem>>) src(%arg5 : memref<128x128xf32, #tpu.memory_space<hbm>>) dst(%arg10 : memref<128x128xf32, #tpu.memory_space<vmem>>)
      tpu.yield
    }) : () -> ()
    %scan3A = arith.constant 0 : i32
    %scan3A_9 = arith.constant 5 : i32
    %scan3A_10 = arith.addi %scan3A, %scan3A_9 : i32
    %scan3A_11 = arith.constant 1 : i32
    scf.for %scan3A_49 = %scan3A to %scan3A_10 step %scan3A_11  : i32 {
      %mul3A_50 = arith.constant 128 : i32
      %mul3A_51 = arith.muli %scan3A_49, %mul3A_50 : i32
      %add3A_52 = arith.addi %mul3A_8, %mul3A_51 : i32
      "tpu.region"() ({
        %run_scoped3A = tpu.sem_alloc : memref<!tpu.dma_semaphore, #tpu.memory_space<semaphore_mem>>
        %dma_start3A = arith.constant 0 : i32
        %dma_start3A_53 = tpu.memref_slice %arg4[%add3A_52, %dma_start3A] : memref<10240x128xf32, #tpu.memory_space<hbm>> -> memref<128x128xf32, #tpu.memory_space<hbm>>
        %dma_start3A_54 = arith.constant 0 : i32
        %dma_start3A_55 = tpu.memref_slice %arg4[%add3A_52, %dma_start3A_54] : memref<10240x128xf32, #tpu.memory_space<hbm>> -> memref<128x128xf32, #tpu.memory_space<hbm>>
        tpu.enqueue_dma source(%dma_start3A_55 : memref<128x128xf32, #tpu.memory_space<hbm>>) target(%arg9 : memref<128x128xf32, #tpu.memory_space<vmem>>) target_semaphore(%run_scoped3A : memref<!tpu.dma_semaphore, #tpu.memory_space<semaphore_mem>>)
        %dma_wait3A = arith.constant 0 : i32
        %dma_wait3A_56 = tpu.memref_slice %arg4[%add3A_52, %dma_wait3A] : memref<10240x128xf32, #tpu.memory_space<hbm>> -> memref<128x128xf32, #tpu.memory_space<hbm>>
        %dma_wait3A_57 = arith.constant 0 : i32
        %dma_wait3A_58 = tpu.memref_slice %arg4[%add3A_52, %dma_wait3A_57] : memref<10240x128xf32, #tpu.memory_space<hbm>> -> memref<128x128xf32, #tpu.memory_space<hbm>>
        tpu.wait_dma2 semaphore(%run_scoped3A : memref<!tpu.dma_semaphore, #tpu.memory_space<semaphore_mem>>) src(%dma_wait3A_58 : memref<128x128xf32, #tpu.memory_space<hbm>>) dst(%arg9 : memref<128x128xf32, #tpu.memory_space<vmem>>)
        tpu.yield
      }) : () -> ()
      "tpu.region"() ({
        %run_scoped3A = tpu.sem_alloc : memref<!tpu.dma_semaphore, #tpu.memory_space<semaphore_mem>>
        %dma_start3A = arith.constant 0 : i32
        %dma_start3A_53 = tpu.memref_slice %arg11[%add3A_52, %dma_start3A] : memref<10240x128xf32, #tpu.memory_space<vmem_shared>> -> memref<128x128xf32, #tpu.memory_space<vmem_shared>>
        %dma_start3A_54 = arith.constant 0 : i32
        %dma_start3A_55 = tpu.memref_slice %arg11[%add3A_52, %dma_start3A_54] : memref<10240x128xf32, #tpu.memory_space<vmem_shared>> -> memref<128x128xf32, #tpu.memory_space<vmem_shared>>
        tpu.enqueue_dma source(%arg9 : memref<128x128xf32, #tpu.memory_space<vmem>>) target(%dma_start3A_55 : memref<128x128xf32, #tpu.memory_space<vmem_shared>>) target_semaphore(%run_scoped3A : memref<!tpu.dma_semaphore, #tpu.memory_space<semaphore_mem>>)
        %dma_wait3A = arith.constant 0 : i32
        %dma_wait3A_56 = tpu.memref_slice %arg11[%add3A_52, %dma_wait3A] : memref<10240x128xf32, #tpu.memory_space<vmem_shared>> -> memref<128x128xf32, #tpu.memory_space<vmem_shared>>
        %dma_wait3A_57 = arith.constant 0 : i32
        %dma_wait3A_58 = tpu.memref_slice %arg11[%add3A_52, %dma_wait3A_57] : memref<10240x128xf32, #tpu.memory_space<vmem_shared>> -> memref<128x128xf32, #tpu.memory_space<vmem_shared>>
        tpu.wait_dma2 semaphore(%run_scoped3A : memref<!tpu.dma_semaphore, #tpu.memory_space<semaphore_mem>>) src(%arg9 : memref<128x128xf32, #tpu.memory_space<vmem>>) dst(%dma_wait3A_58 : memref<128x128xf32, #tpu.memory_space<vmem_shared>>)
        tpu.yield
      }) : () -> ()
    }
    %scan3A_12 = arith.constant 5 : i32
    %barrier3A = arith.constant 0 : index
    tpu.barrier barrier_id(%barrier3A)
    %scan3A_13 = arith.constant 0 : i32
    %scan3A_14 = arith.constant 39 : i32
    %scan3A_15 = arith.addi %scan3A_13, %scan3A_14 : i32
    %scan3A_16 = arith.constant 1 : i32
    scf.for %scan3A_49 = %scan3A_13 to %scan3A_15 step %scan3A_16  : i32 {
      %mul3A_50 = arith.constant 128 : i32
      %mul3A_51 = arith.muli %scan3A_49, %mul3A_50 : i32
      %add3A_52 = arith.addi %mul3A_6, %mul3A_51 : i32
      "tpu.region"() ({
        %run_scoped3A = tpu.sem_alloc : memref<!tpu.dma_semaphore, #tpu.memory_space<semaphore_mem>>
        %dma_start3A = tpu.memref_slice %arg3[%add3A_52] : memref<160000xi32, #tpu.memory_space<hbm>> -> memref<128xi32, #tpu.memory_space<hbm>>
        %dma_start3A_53 = tpu.memref_slice %arg3[%add3A_52] : memref<160000xi32, #tpu.memory_space<hbm>> -> memref<128xi32, #tpu.memory_space<hbm>>
        tpu.enqueue_dma source(%dma_start3A_53 : memref<128xi32, #tpu.memory_space<hbm>>) target(%arg8 : memref<128xi32, #tpu.memory_space<vmem>>) target_semaphore(%run_scoped3A : memref<!tpu.dma_semaphore, #tpu.memory_space<semaphore_mem>>)
        %dma_wait3A = tpu.memref_slice %arg3[%add3A_52] : memref<160000xi32, #tpu.memory_space<hbm>> -> memref<128xi32, #tpu.memory_space<hbm>>
        %dma_wait3A_54 = tpu.memref_slice %arg3[%add3A_52] : memref<160000xi32, #tpu.memory_space<hbm>> -> memref<128xi32, #tpu.memory_space<hbm>>
        tpu.wait_dma2 semaphore(%run_scoped3A : memref<!tpu.dma_semaphore, #tpu.memory_space<semaphore_mem>>) src(%dma_wait3A_54 : memref<128xi32, #tpu.memory_space<hbm>>) dst(%arg8 : memref<128xi32, #tpu.memory_space<vmem>>)
        tpu.yield
      }) : () -> ()
      "tpu.region"() ({
        %run_scoped3A = tpu.sem_alloc : memref<!tpu.dma_semaphore, #tpu.memory_space<semaphore_mem>>
        %dma_start3A = arith.constant 0 : i32
        %dma_start3A_53 = tpu.memref_slice %arg2[%add3A_52, %dma_start3A] : memref<160000x128xf32, #tpu.memory_space<hbm>> -> memref<128x128xf32, #tpu.memory_space<hbm>>
        %dma_start3A_54 = arith.constant 0 : i32
        %dma_start3A_55 = tpu.memref_slice %arg2[%add3A_52, %dma_start3A_54] : memref<160000x128xf32, #tpu.memory_space<hbm>> -> memref<128x128xf32, #tpu.memory_space<hbm>>
        tpu.enqueue_dma source(%dma_start3A_55 : memref<128x128xf32, #tpu.memory_space<hbm>>) target(%arg9 : memref<128x128xf32, #tpu.memory_space<vmem>>) target_semaphore(%run_scoped3A : memref<!tpu.dma_semaphore, #tpu.memory_space<semaphore_mem>>)
        %dma_wait3A = arith.constant 0 : i32
        %dma_wait3A_56 = tpu.memref_slice %arg2[%add3A_52, %dma_wait3A] : memref<160000x128xf32, #tpu.memory_space<hbm>> -> memref<128x128xf32, #tpu.memory_space<hbm>>
        %dma_wait3A_57 = arith.constant 0 : i32
        %dma_wait3A_58 = tpu.memref_slice %arg2[%add3A_52, %dma_wait3A_57] : memref<160000x128xf32, #tpu.memory_space<hbm>> -> memref<128x128xf32, #tpu.memory_space<hbm>>
        tpu.wait_dma2 semaphore(%run_scoped3A : memref<!tpu.dma_semaphore, #tpu.memory_space<semaphore_mem>>) src(%dma_wait3A_58 : memref<128x128xf32, #tpu.memory_space<hbm>>) dst(%arg9 : memref<128x128xf32, #tpu.memory_space<vmem>>)
        tpu.yield
      }) : () -> ()
      "tpu.region"() ({
        %run_scoped3A = tpu.sem_alloc : memref<!tpu.dma_semaphore, #tpu.memory_space<semaphore_mem>>
        %dma_start3A = arith.constant 0 : i32
        %dma_start3A_53 = arith.constant 0 : i32
        %dma_start3A_54 = tpu.memref_slice %arg11[%dma_start3A, %dma_start3A_53] : memref<10240x128xf32, #tpu.memory_space<vmem_shared>> -> memref<10240x128xf32, #tpu.memory_space<vmem_shared>>
        tpu.enqueue_indirect_dma source(%arg9 : memref<128x128xf32, #tpu.memory_space<vmem>>) target(%dma_start3A_54 : memref<10240x128xf32, #tpu.memory_space<vmem_shared>>) offsets(%arg8 : memref<128xi32, #tpu.memory_space<vmem>>) semaphore(%run_scoped3A : memref<!tpu.dma_semaphore, #tpu.memory_space<semaphore_mem>>) {add = true}
        %dma_wait3A = arith.constant 0 : i32
        %dma_wait3A_55 = arith.constant 0 : i32
        %dma_wait3A_56 = tpu.memref_slice %arg11[%dma_wait3A, %dma_wait3A_55] : memref<10240x128xf32, #tpu.memory_space<vmem_shared>> -> memref<10240x128xf32, #tpu.memory_space<vmem_shared>>
        tpu.wait_indirect_dma semaphore(%run_scoped3A : memref<!tpu.dma_semaphore, #tpu.memory_space<semaphore_mem>>) src(%arg9 : memref<128x128xf32, #tpu.memory_space<vmem>>) dst(%dma_wait3A_56 : memref<10240x128xf32, #tpu.memory_space<vmem_shared>>)
        tpu.yield
      }) : () -> ()
    }
    %scan3A_17 = arith.constant 39 : i32
    %lt3A = arith.constant 2 : i32
    %lt3A_18 = arith.cmpi slt, %add3A, %lt3A : i32
    %convert_element_type3A = arith.extui %lt3A_18 : i1 to i32
    %cond3A = arith.constant 0 : i32
    %cond3A_19 = arith.cmpi ne, %convert_element_type3A, %cond3A : i32
    scf.if %cond3A_19 {
      %add3A_49 = arith.constant 4992 : i32
      %add3A_50 = arith.addi %mul3A_6, %add3A_49 : i32
      "tpu.region"() ({
        %run_scoped3A = tpu.sem_alloc : memref<!tpu.dma_semaphore, #tpu.memory_space<semaphore_mem>>
        %dma_start3A = tpu.memref_slice %arg3[%add3A_50] : memref<160000xi32, #tpu.memory_space<hbm>> -> memref<128xi32, #tpu.memory_space<hbm>>
        %dma_start3A_51 = tpu.memref_slice %arg3[%add3A_50] : memref<160000xi32, #tpu.memory_space<hbm>> -> memref<128xi32, #tpu.memory_space<hbm>>
        tpu.enqueue_dma source(%dma_start3A_51 : memref<128xi32, #tpu.memory_space<hbm>>) target(%arg8 : memref<128xi32, #tpu.memory_space<vmem>>) target_semaphore(%run_scoped3A : memref<!tpu.dma_semaphore, #tpu.memory_space<semaphore_mem>>)
        %dma_wait3A = tpu.memref_slice %arg3[%add3A_50] : memref<160000xi32, #tpu.memory_space<hbm>> -> memref<128xi32, #tpu.memory_space<hbm>>
        %dma_wait3A_52 = tpu.memref_slice %arg3[%add3A_50] : memref<160000xi32, #tpu.memory_space<hbm>> -> memref<128xi32, #tpu.memory_space<hbm>>
        tpu.wait_dma2 semaphore(%run_scoped3A : memref<!tpu.dma_semaphore, #tpu.memory_space<semaphore_mem>>) src(%dma_wait3A_52 : memref<128xi32, #tpu.memory_space<hbm>>) dst(%arg8 : memref<128xi32, #tpu.memory_space<vmem>>)
        tpu.yield
      }) : () -> ()
      "tpu.region"() ({
        %run_scoped3A = tpu.sem_alloc : memref<!tpu.dma_semaphore, #tpu.memory_space<semaphore_mem>>
        %dma_start3A = arith.constant 0 : i32
        %dma_start3A_51 = tpu.memref_slice %arg2[%add3A_50, %dma_start3A] : memref<160000x128xf32, #tpu.memory_space<hbm>> -> memref<128x128xf32, #tpu.memory_space<hbm>>
        %dma_start3A_52 = arith.constant 0 : i32
        %dma_start3A_53 = tpu.memref_slice %arg2[%add3A_50, %dma_start3A_52] : memref<160000x128xf32, #tpu.memory_space<hbm>> -> memref<128x128xf32, #tpu.memory_space<hbm>>
        tpu.enqueue_dma source(%dma_start3A_53 : memref<128x128xf32, #tpu.memory_space<hbm>>) target(%arg9 : memref<128x128xf32, #tpu.memory_space<vmem>>) target_semaphore(%run_scoped3A : memref<!tpu.dma_semaphore, #tpu.memory_space<semaphore_mem>>)
        %dma_wait3A = arith.constant 0 : i32
        %dma_wait3A_54 = tpu.memref_slice %arg2[%add3A_50, %dma_wait3A] : memref<160000x128xf32, #tpu.memory_space<hbm>> -> memref<128x128xf32, #tpu.memory_space<hbm>>
        %dma_wait3A_55 = arith.constant 0 : i32
        %dma_wait3A_56 = tpu.memref_slice %arg2[%add3A_50, %dma_wait3A_55] : memref<160000x128xf32, #tpu.memory_space<hbm>> -> memref<128x128xf32, #tpu.memory_space<hbm>>
        tpu.wait_dma2 semaphore(%run_scoped3A : memref<!tpu.dma_semaphore, #tpu.memory_space<semaphore_mem>>) src(%dma_wait3A_56 : memref<128x128xf32, #tpu.memory_space<hbm>>) dst(%arg9 : memref<128x128xf32, #tpu.memory_space<vmem>>)
        tpu.yield
      }) : () -> ()
      "tpu.region"() ({
        %run_scoped3A = tpu.sem_alloc : memref<!tpu.dma_semaphore, #tpu.memory_space<semaphore_mem>>
        %dma_start3A = arith.constant 0 : i32
        %dma_start3A_51 = arith.constant 0 : i32
        %dma_start3A_52 = tpu.memref_slice %arg11[%dma_start3A, %dma_start3A_51] : memref<10240x128xf32, #tpu.memory_space<vmem_shared>> -> memref<10240x128xf32, #tpu.memory_space<vmem_shared>>
        tpu.enqueue_indirect_dma source(%arg9 : memref<128x128xf32, #tpu.memory_space<vmem>>) target(%dma_start3A_52 : memref<10240x128xf32, #tpu.memory_space<vmem_shared>>) offsets(%arg8 : memref<128xi32, #tpu.memory_space<vmem>>) semaphore(%run_scoped3A : memref<!tpu.dma_semaphore, #tpu.memory_space<semaphore_mem>>) {add = true}
        %dma_wait3A = arith.constant 0 : i32
        %dma_wait3A_53 = arith.constant 0 : i32
        %dma_wait3A_54 = tpu.memref_slice %arg11[%dma_wait3A, %dma_wait3A_53] : memref<10240x128xf32, #tpu.memory_space<vmem_shared>> -> memref<10240x128xf32, #tpu.memory_space<vmem_shared>>
        tpu.wait_indirect_dma semaphore(%run_scoped3A : memref<!tpu.dma_semaphore, #tpu.memory_space<semaphore_mem>>) src(%arg9 : memref<128x128xf32, #tpu.memory_space<vmem>>) dst(%dma_wait3A_54 : memref<10240x128xf32, #tpu.memory_space<vmem_shared>>)
        tpu.yield
      }) : () -> ()
    } else {
    }
    %barrier3A_20 = arith.constant 0 : index
    tpu.barrier barrier_id(%barrier3A_20)
    %scan3A_21 = arith.constant 0 : i32
    %scan3A_22 = arith.constant 5 : i32
    %scan3A_23 = arith.addi %scan3A_21, %scan3A_22 : i32
    %scan3A_24 = arith.constant 1 : i32
    scf.for %scan3A_49 = %scan3A_21 to %scan3A_23 step %scan3A_24  : i32 {
      %mul3A_50 = arith.constant 128 : i32
      %mul3A_51 = arith.muli %scan3A_49, %mul3A_50 : i32
      %add3A_52 = arith.addi %mul3A_8, %mul3A_51 : i32
      "tpu.region"() ({
        %run_scoped3A = tpu.sem_alloc : memref<!tpu.dma_semaphore, #tpu.memory_space<semaphore_mem>>
        %dma_start3A = arith.constant 0 : i32
        %dma_start3A_53 = tpu.memref_slice %arg11[%add3A_52, %dma_start3A] : memref<10240x128xf32, #tpu.memory_space<vmem_shared>> -> memref<128x128xf32, #tpu.memory_space<vmem_shared>>
        %dma_start3A_54 = arith.constant 0 : i32
        %dma_start3A_55 = tpu.memref_slice %arg11[%add3A_52, %dma_start3A_54] : memref<10240x128xf32, #tpu.memory_space<vmem_shared>> -> memref<128x128xf32, #tpu.memory_space<vmem_shared>>
        tpu.enqueue_dma source(%dma_start3A_55 : memref<128x128xf32, #tpu.memory_space<vmem_shared>>) target(%arg9 : memref<128x128xf32, #tpu.memory_space<vmem>>) target_semaphore(%run_scoped3A : memref<!tpu.dma_semaphore, #tpu.memory_space<semaphore_mem>>)
        %dma_wait3A = arith.constant 0 : i32
        %dma_wait3A_56 = tpu.memref_slice %arg11[%add3A_52, %dma_wait3A] : memref<10240x128xf32, #tpu.memory_space<vmem_shared>> -> memref<128x128xf32, #tpu.memory_space<vmem_shared>>
        %dma_wait3A_57 = arith.constant 0 : i32
        %dma_wait3A_58 = tpu.memref_slice %arg11[%add3A_52, %dma_wait3A_57] : memref<10240x128xf32, #tpu.memory_space<vmem_shared>> -> memref<128x128xf32, #tpu.memory_space<vmem_shared>>
        tpu.wait_dma2 semaphore(%run_scoped3A : memref<!tpu.dma_semaphore, #tpu.memory_space<semaphore_mem>>) src(%dma_wait3A_58 : memref<128x128xf32, #tpu.memory_space<vmem_shared>>) dst(%arg9 : memref<128x128xf32, #tpu.memory_space<vmem>>)
        tpu.yield
      }) : () -> ()
      "tpu.region"() ({
        %run_scoped3A = tpu.sem_alloc : memref<!tpu.dma_semaphore, #tpu.memory_space<semaphore_mem>>
        %dma_start3A = arith.constant 0 : i32
        %dma_start3A_53 = tpu.memref_slice %arg6[%arg0, %add3A_52, %dma_start3A] : memref<2x10240x128xf32, #tpu.memory_space<hbm>> -> memref<1x128x128xf32, #tpu.memory_space<hbm>>
        %dma_start3A_54 = tpu.memref_squeeze %dma_start3A_53 : memref<1x128x128xf32, #tpu.memory_space<hbm>> -> memref<128x128xf32, #tpu.memory_space<hbm>>
        %dma_start3A_55 = arith.constant 0 : i32
        %dma_start3A_56 = tpu.memref_slice %arg6[%arg0, %add3A_52, %dma_start3A_55] : memref<2x10240x128xf32, #tpu.memory_space<hbm>> -> memref<1x128x128xf32, #tpu.memory_space<hbm>>
        %dma_start3A_57 = tpu.memref_squeeze %dma_start3A_56 : memref<1x128x128xf32, #tpu.memory_space<hbm>> -> memref<128x128xf32, #tpu.memory_space<hbm>>
        tpu.enqueue_dma source(%arg9 : memref<128x128xf32, #tpu.memory_space<vmem>>) target(%dma_start3A_57 : memref<128x128xf32, #tpu.memory_space<hbm>>) target_semaphore(%run_scoped3A : memref<!tpu.dma_semaphore, #tpu.memory_space<semaphore_mem>>)
        %dma_wait3A = arith.constant 0 : i32
        %dma_wait3A_58 = tpu.memref_slice %arg6[%arg0, %add3A_52, %dma_wait3A] : memref<2x10240x128xf32, #tpu.memory_space<hbm>> -> memref<1x128x128xf32, #tpu.memory_space<hbm>>
        %dma_wait3A_59 = tpu.memref_squeeze %dma_wait3A_58 : memref<1x128x128xf32, #tpu.memory_space<hbm>> -> memref<128x128xf32, #tpu.memory_space<hbm>>
        %dma_wait3A_60 = arith.constant 0 : i32
        %dma_wait3A_61 = tpu.memref_slice %arg6[%arg0, %add3A_52, %dma_wait3A_60] : memref<2x10240x128xf32, #tpu.memory_space<hbm>> -> memref<1x128x128xf32, #tpu.memory_space<hbm>>
        %dma_wait3A_62 = tpu.memref_squeeze %dma_wait3A_61 : memref<1x128x128xf32, #tpu.memory_space<hbm>> -> memref<128x128xf32, #tpu.memory_space<hbm>>
        tpu.wait_dma2 semaphore(%run_scoped3A : memref<!tpu.dma_semaphore, #tpu.memory_space<semaphore_mem>>) src(%arg9 : memref<128x128xf32, #tpu.memory_space<vmem>>) dst(%dma_wait3A_62 : memref<128x128xf32, #tpu.memory_space<hbm>>)
        tpu.yield
      }) : () -> ()
    }
    %scan3A_25 = arith.constant 5 : i32
    %barrier3A_26 = arith.constant 0 : index
    tpu.barrier barrier_id(%barrier3A_26)
    %scan3A_27 = arith.constant 0 : i32
    %scan3A_28 = arith.constant 5 : i32
    %scan3A_29 = arith.addi %scan3A_27, %scan3A_28 : i32
    %scan3A_30 = arith.constant 1 : i32
    scf.for %scan3A_49 = %scan3A_27 to %scan3A_29 step %scan3A_30  : i32 {
      %mul3A_50 = arith.constant 128 : i32
      %mul3A_51 = arith.muli %scan3A_49, %mul3A_50 : i32
      %add3A_52 = arith.addi %mul3A_8, %mul3A_51 : i32
      "tpu.region"() ({
        %run_scoped3A = tpu.sem_alloc : memref<!tpu.dma_semaphore, #tpu.memory_space<semaphore_mem>>
        %dma_start3A = arith.constant 0 : i32
        %dma_start3A_53 = tpu.memref_slice %arg4[%add3A_52, %dma_start3A] : memref<10240x128xf32, #tpu.memory_space<hbm>> -> memref<128x128xf32, #tpu.memory_space<hbm>>
        %dma_start3A_54 = arith.constant 0 : i32
        %dma_start3A_55 = tpu.memref_slice %arg4[%add3A_52, %dma_start3A_54] : memref<10240x128xf32, #tpu.memory_space<hbm>> -> memref<128x128xf32, #tpu.memory_space<hbm>>
        tpu.enqueue_dma source(%dma_start3A_55 : memref<128x128xf32, #tpu.memory_space<hbm>>) target(%arg9 : memref<128x128xf32, #tpu.memory_space<vmem>>) target_semaphore(%run_scoped3A : memref<!tpu.dma_semaphore, #tpu.memory_space<semaphore_mem>>)
        %dma_wait3A = arith.constant 0 : i32
        %dma_wait3A_56 = tpu.memref_slice %arg4[%add3A_52, %dma_wait3A] : memref<10240x128xf32, #tpu.memory_space<hbm>> -> memref<128x128xf32, #tpu.memory_space<hbm>>
        %dma_wait3A_57 = arith.constant 0 : i32
        %dma_wait3A_58 = tpu.memref_slice %arg4[%add3A_52, %dma_wait3A_57] : memref<10240x128xf32, #tpu.memory_space<hbm>> -> memref<128x128xf32, #tpu.memory_space<hbm>>
        tpu.wait_dma2 semaphore(%run_scoped3A : memref<!tpu.dma_semaphore, #tpu.memory_space<semaphore_mem>>) src(%dma_wait3A_58 : memref<128x128xf32, #tpu.memory_space<hbm>>) dst(%arg9 : memref<128x128xf32, #tpu.memory_space<vmem>>)
        tpu.yield
      }) : () -> ()
      "tpu.region"() ({
        %run_scoped3A = tpu.sem_alloc : memref<!tpu.dma_semaphore, #tpu.memory_space<semaphore_mem>>
        %dma_start3A = arith.constant 0 : i32
        %dma_start3A_53 = tpu.memref_slice %arg11[%add3A_52, %dma_start3A] : memref<10240x128xf32, #tpu.memory_space<vmem_shared>> -> memref<128x128xf32, #tpu.memory_space<vmem_shared>>
        %dma_start3A_54 = arith.constant 0 : i32
        %dma_start3A_55 = tpu.memref_slice %arg11[%add3A_52, %dma_start3A_54] : memref<10240x128xf32, #tpu.memory_space<vmem_shared>> -> memref<128x128xf32, #tpu.memory_space<vmem_shared>>
        tpu.enqueue_dma source(%arg9 : memref<128x128xf32, #tpu.memory_space<vmem>>) target(%dma_start3A_55 : memref<128x128xf32, #tpu.memory_space<vmem_shared>>) target_semaphore(%run_scoped3A : memref<!tpu.dma_semaphore, #tpu.memory_space<semaphore_mem>>)
        %dma_wait3A = arith.constant 0 : i32
        %dma_wait3A_56 = tpu.memref_slice %arg11[%add3A_52, %dma_wait3A] : memref<10240x128xf32, #tpu.memory_space<vmem_shared>> -> memref<128x128xf32, #tpu.memory_space<vmem_shared>>
        %dma_wait3A_57 = arith.constant 0 : i32
        %dma_wait3A_58 = tpu.memref_slice %arg11[%add3A_52, %dma_wait3A_57] : memref<10240x128xf32, #tpu.memory_space<vmem_shared>> -> memref<128x128xf32, #tpu.memory_space<vmem_shared>>
        tpu.wait_dma2 semaphore(%run_scoped3A : memref<!tpu.dma_semaphore, #tpu.memory_space<semaphore_mem>>) src(%arg9 : memref<128x128xf32, #tpu.memory_space<vmem>>) dst(%dma_wait3A_58 : memref<128x128xf32, #tpu.memory_space<vmem_shared>>)
        tpu.yield
      }) : () -> ()
    }
    %scan3A_31 = arith.constant 5 : i32
    %barrier3A_32 = arith.constant 0 : index
    tpu.barrier barrier_id(%barrier3A_32)
    %scan3A_33 = arith.constant 0 : i32
    %scan3A_34 = arith.constant 39 : i32
    %scan3A_35 = arith.addi %scan3A_33, %scan3A_34 : i32
    %scan3A_36 = arith.constant 1 : i32
    scf.for %scan3A_49 = %scan3A_33 to %scan3A_35 step %scan3A_36  : i32 {
      %mul3A_50 = arith.constant 128 : i32
      %mul3A_51 = arith.muli %scan3A_49, %mul3A_50 : i32
      %add3A_52 = arith.addi %mul3A_6, %mul3A_51 : i32
      "tpu.region"() ({
        %run_scoped3A = tpu.sem_alloc : memref<!tpu.dma_semaphore, #tpu.memory_space<semaphore_mem>>
        %dma_start3A = tpu.memref_slice %arg3[%add3A_52] : memref<160000xi32, #tpu.memory_space<hbm>> -> memref<128xi32, #tpu.memory_space<hbm>>
        %dma_start3A_53 = tpu.memref_slice %arg3[%add3A_52] : memref<160000xi32, #tpu.memory_space<hbm>> -> memref<128xi32, #tpu.memory_space<hbm>>
        tpu.enqueue_dma source(%dma_start3A_53 : memref<128xi32, #tpu.memory_space<hbm>>) target(%arg8 : memref<128xi32, #tpu.memory_space<vmem>>) target_semaphore(%run_scoped3A : memref<!tpu.dma_semaphore, #tpu.memory_space<semaphore_mem>>)
        %dma_wait3A = tpu.memref_slice %arg3[%add3A_52] : memref<160000xi32, #tpu.memory_space<hbm>> -> memref<128xi32, #tpu.memory_space<hbm>>
        %dma_wait3A_54 = tpu.memref_slice %arg3[%add3A_52] : memref<160000xi32, #tpu.memory_space<hbm>> -> memref<128xi32, #tpu.memory_space<hbm>>
        tpu.wait_dma2 semaphore(%run_scoped3A : memref<!tpu.dma_semaphore, #tpu.memory_space<semaphore_mem>>) src(%dma_wait3A_54 : memref<128xi32, #tpu.memory_space<hbm>>) dst(%arg8 : memref<128xi32, #tpu.memory_space<vmem>>)
        tpu.yield
      }) : () -> ()
      "tpu.region"() ({
        %run_scoped3A = tpu.sem_alloc : memref<!tpu.dma_semaphore, #tpu.memory_space<semaphore_mem>>
        %dma_start3A = arith.constant 0 : i32
        %dma_start3A_53 = arith.constant 0 : i32
        %dma_start3A_54 = tpu.memref_slice %arg11[%dma_start3A, %dma_start3A_53] : memref<10240x128xf32, #tpu.memory_space<vmem_shared>> -> memref<10240x128xf32, #tpu.memory_space<vmem_shared>>
        tpu.enqueue_indirect_dma source(%arg10 : memref<128x128xf32, #tpu.memory_space<vmem>>) target(%dma_start3A_54 : memref<10240x128xf32, #tpu.memory_space<vmem_shared>>) offsets(%arg8 : memref<128xi32, #tpu.memory_space<vmem>>) semaphore(%run_scoped3A : memref<!tpu.dma_semaphore, #tpu.memory_space<semaphore_mem>>) {add = true}
        %dma_wait3A = arith.constant 0 : i32
        %dma_wait3A_55 = arith.constant 0 : i32
        %dma_wait3A_56 = tpu.memref_slice %arg11[%dma_wait3A, %dma_wait3A_55] : memref<10240x128xf32, #tpu.memory_space<vmem_shared>> -> memref<10240x128xf32, #tpu.memory_space<vmem_shared>>
        tpu.wait_indirect_dma semaphore(%run_scoped3A : memref<!tpu.dma_semaphore, #tpu.memory_space<semaphore_mem>>) src(%arg10 : memref<128x128xf32, #tpu.memory_space<vmem>>) dst(%dma_wait3A_56 : memref<10240x128xf32, #tpu.memory_space<vmem_shared>>)
        tpu.yield
      }) : () -> ()
    }
    %scan3A_37 = arith.constant 39 : i32
    %lt3A_38 = arith.constant 2 : i32
    %lt3A_39 = arith.cmpi slt, %add3A, %lt3A_38 : i32
    %convert_element_type3A_40 = arith.extui %lt3A_39 : i1 to i32
    %cond3A_41 = arith.constant 0 : i32
    %cond3A_42 = arith.cmpi ne, %convert_element_type3A_40, %cond3A_41 : i32
    scf.if %cond3A_42 {
      %add3A_49 = arith.constant 4992 : i32
      %add3A_50 = arith.addi %mul3A_6, %add3A_49 : i32
      "tpu.region"() ({
        %run_scoped3A = tpu.sem_alloc : memref<!tpu.dma_semaphore, #tpu.memory_space<semaphore_mem>>
        %dma_start3A = tpu.memref_slice %arg3[%add3A_50] : memref<160000xi32, #tpu.memory_space<hbm>> -> memref<128xi32, #tpu.memory_space<hbm>>
        %dma_start3A_51 = tpu.memref_slice %arg3[%add3A_50] : memref<160000xi32, #tpu.memory_space<hbm>> -> memref<128xi32, #tpu.memory_space<hbm>>
        tpu.enqueue_dma source(%dma_start3A_51 : memref<128xi32, #tpu.memory_space<hbm>>) target(%arg8 : memref<128xi32, #tpu.memory_space<vmem>>) target_semaphore(%run_scoped3A : memref<!tpu.dma_semaphore, #tpu.memory_space<semaphore_mem>>)
        %dma_wait3A = tpu.memref_slice %arg3[%add3A_50] : memref<160000xi32, #tpu.memory_space<hbm>> -> memref<128xi32, #tpu.memory_space<hbm>>
        %dma_wait3A_52 = tpu.memref_slice %arg3[%add3A_50] : memref<160000xi32, #tpu.memory_space<hbm>> -> memref<128xi32, #tpu.memory_space<hbm>>
        tpu.wait_dma2 semaphore(%run_scoped3A : memref<!tpu.dma_semaphore, #tpu.memory_space<semaphore_mem>>) src(%dma_wait3A_52 : memref<128xi32, #tpu.memory_space<hbm>>) dst(%arg8 : memref<128xi32, #tpu.memory_space<vmem>>)
        tpu.yield
      }) : () -> ()
      "tpu.region"() ({
        %run_scoped3A = tpu.sem_alloc : memref<!tpu.dma_semaphore, #tpu.memory_space<semaphore_mem>>
        %dma_start3A = arith.constant 0 : i32
        %dma_start3A_51 = arith.constant 0 : i32
        %dma_start3A_52 = tpu.memref_slice %arg11[%dma_start3A, %dma_start3A_51] : memref<10240x128xf32, #tpu.memory_space<vmem_shared>> -> memref<10240x128xf32, #tpu.memory_space<vmem_shared>>
        tpu.enqueue_indirect_dma source(%arg10 : memref<128x128xf32, #tpu.memory_space<vmem>>) target(%dma_start3A_52 : memref<10240x128xf32, #tpu.memory_space<vmem_shared>>) offsets(%arg8 : memref<128xi32, #tpu.memory_space<vmem>>) semaphore(%run_scoped3A : memref<!tpu.dma_semaphore, #tpu.memory_space<semaphore_mem>>) {add = true}
        %dma_wait3A = arith.constant 0 : i32
        %dma_wait3A_53 = arith.constant 0 : i32
        %dma_wait3A_54 = tpu.memref_slice %arg11[%dma_wait3A, %dma_wait3A_53] : memref<10240x128xf32, #tpu.memory_space<vmem_shared>> -> memref<10240x128xf32, #tpu.memory_space<vmem_shared>>
        tpu.wait_indirect_dma semaphore(%run_scoped3A : memref<!tpu.dma_semaphore, #tpu.memory_space<semaphore_mem>>) src(%arg10 : memref<128x128xf32, #tpu.memory_space<vmem>>) dst(%dma_wait3A_54 : memref<10240x128xf32, #tpu.memory_space<vmem_shared>>)
        tpu.yield
      }) : () -> ()
    } else {
    }
    %barrier3A_43 = arith.constant 0 : index
    tpu.barrier barrier_id(%barrier3A_43)
    %scan3A_44 = arith.constant 0 : i32
    %scan3A_45 = arith.constant 5 : i32
    %scan3A_46 = arith.addi %scan3A_44, %scan3A_45 : i32
    %scan3A_47 = arith.constant 1 : i32
    scf.for %scan3A_49 = %scan3A_44 to %scan3A_46 step %scan3A_47  : i32 {
      %mul3A_50 = arith.constant 128 : i32
      %mul3A_51 = arith.muli %scan3A_49, %mul3A_50 : i32
      %add3A_52 = arith.addi %mul3A_8, %mul3A_51 : i32
      "tpu.region"() ({
        %run_scoped3A = tpu.sem_alloc : memref<!tpu.dma_semaphore, #tpu.memory_space<semaphore_mem>>
        %dma_start3A = arith.constant 0 : i32
        %dma_start3A_53 = tpu.memref_slice %arg11[%add3A_52, %dma_start3A] : memref<10240x128xf32, #tpu.memory_space<vmem_shared>> -> memref<128x128xf32, #tpu.memory_space<vmem_shared>>
        %dma_start3A_54 = arith.constant 0 : i32
        %dma_start3A_55 = tpu.memref_slice %arg11[%add3A_52, %dma_start3A_54] : memref<10240x128xf32, #tpu.memory_space<vmem_shared>> -> memref<128x128xf32, #tpu.memory_space<vmem_shared>>
        tpu.enqueue_dma source(%dma_start3A_55 : memref<128x128xf32, #tpu.memory_space<vmem_shared>>) target(%arg9 : memref<128x128xf32, #tpu.memory_space<vmem>>) target_semaphore(%run_scoped3A : memref<!tpu.dma_semaphore, #tpu.memory_space<semaphore_mem>>)
        %dma_wait3A = arith.constant 0 : i32
        %dma_wait3A_56 = tpu.memref_slice %arg11[%add3A_52, %dma_wait3A] : memref<10240x128xf32, #tpu.memory_space<vmem_shared>> -> memref<128x128xf32, #tpu.memory_space<vmem_shared>>
        %dma_wait3A_57 = arith.constant 0 : i32
        %dma_wait3A_58 = tpu.memref_slice %arg11[%add3A_52, %dma_wait3A_57] : memref<10240x128xf32, #tpu.memory_space<vmem_shared>> -> memref<128x128xf32, #tpu.memory_space<vmem_shared>>
        tpu.wait_dma2 semaphore(%run_scoped3A : memref<!tpu.dma_semaphore, #tpu.memory_space<semaphore_mem>>) src(%dma_wait3A_58 : memref<128x128xf32, #tpu.memory_space<vmem_shared>>) dst(%arg9 : memref<128x128xf32, #tpu.memory_space<vmem>>)
        tpu.yield
      }) : () -> ()
      "tpu.region"() ({
        %run_scoped3A = tpu.sem_alloc : memref<!tpu.dma_semaphore, #tpu.memory_space<semaphore_mem>>
        %dma_start3A = arith.constant 0 : i32
        %dma_start3A_53 = tpu.memref_slice %arg7[%arg0, %add3A_52, %dma_start3A] : memref<2x10240x128xf32, #tpu.memory_space<hbm>> -> memref<1x128x128xf32, #tpu.memory_space<hbm>>
        %dma_start3A_54 = tpu.memref_squeeze %dma_start3A_53 : memref<1x128x128xf32, #tpu.memory_space<hbm>> -> memref<128x128xf32, #tpu.memory_space<hbm>>
        %dma_start3A_55 = arith.constant 0 : i32
        %dma_start3A_56 = tpu.memref_slice %arg7[%arg0, %add3A_52, %dma_start3A_55] : memref<2x10240x128xf32, #tpu.memory_space<hbm>> -> memref<1x128x128xf32, #tpu.memory_space<hbm>>
        %dma_start3A_57 = tpu.memref_squeeze %dma_start3A_56 : memref<1x128x128xf32, #tpu.memory_space<hbm>> -> memref<128x128xf32, #tpu.memory_space<hbm>>
        tpu.enqueue_dma source(%arg9 : memref<128x128xf32, #tpu.memory_space<vmem>>) target(%dma_start3A_57 : memref<128x128xf32, #tpu.memory_space<hbm>>) target_semaphore(%run_scoped3A : memref<!tpu.dma_semaphore, #tpu.memory_space<semaphore_mem>>)
        %dma_wait3A = arith.constant 0 : i32
        %dma_wait3A_58 = tpu.memref_slice %arg7[%arg0, %add3A_52, %dma_wait3A] : memref<2x10240x128xf32, #tpu.memory_space<hbm>> -> memref<1x128x128xf32, #tpu.memory_space<hbm>>
        %dma_wait3A_59 = tpu.memref_squeeze %dma_wait3A_58 : memref<1x128x128xf32, #tpu.memory_space<hbm>> -> memref<128x128xf32, #tpu.memory_space<hbm>>
        %dma_wait3A_60 = arith.constant 0 : i32
        %dma_wait3A_61 = tpu.memref_slice %arg7[%arg0, %add3A_52, %dma_wait3A_60] : memref<2x10240x128xf32, #tpu.memory_space<hbm>> -> memref<1x128x128xf32, #tpu.memory_space<hbm>>
        %dma_wait3A_62 = tpu.memref_squeeze %dma_wait3A_61 : memref<1x128x128xf32, #tpu.memory_space<hbm>> -> memref<128x128xf32, #tpu.memory_space<hbm>>
        tpu.wait_dma2 semaphore(%run_scoped3A : memref<!tpu.dma_semaphore, #tpu.memory_space<semaphore_mem>>) src(%arg9 : memref<128x128xf32, #tpu.memory_space<vmem>>) dst(%dma_wait3A_62 : memref<128x128xf32, #tpu.memory_space<hbm>>)
        tpu.yield
      }) : () -> ()
    }
    %scan3A_48 = arith.constant 5 : i32
    return
  }
}

module attributes {stable_mosaic.version = 14 : i64} {
  func.func @edge_mlp(%arg0: i32, %arg1: memref<2x2000x128xf32, #tpu.memory_space<vmem>>, %arg2: memref<2000x16xf32, #tpu.memory_space<vmem>>, %arg3: memref<128x16xf32, #tpu.memory_space<vmem>>, %arg4: memref<128x128xf32, #tpu.memory_space<vmem>>, %arg5: memref<1x128xf32, #tpu.memory_space<vmem>>, %arg6: memref<2000x128xf32, #tpu.memory_space<vmem>>) attributes {dimension_semantics = [#tpu.dimension_semantics<arbitrary>], iteration_bounds = array<i64: 80>, scalar_prefetch = 0 : i64, scratch_operands = 0 : i64, tpu.core_type = #tpu.core_type<tc>, window_params = [{transform_indices = @transform_0, window_bounds = array<i64: 2, 2000, 128>}, {transform_indices = @transform_1, window_bounds = array<i64: 2000, 16>}, {pipeline_mode = #tpu.pipeline_mode<synchronous>, transform_indices = @transform_2, window_bounds = array<i64: 128, 16>}, {pipeline_mode = #tpu.pipeline_mode<synchronous>, transform_indices = @transform_3, window_bounds = array<i64: 128, 128>}, {pipeline_mode = #tpu.pipeline_mode<synchronous>, transform_indices = @transform_4, window_bounds = array<i64: 1, 128>}, {transform_indices = @transform_5, window_bounds = array<i64: 2000, 128>}]} {
    %get3A = arith.constant 0 : index
    %get3A_0 = arith.constant 0 : index
    %get3A_1 = arith.constant 0 : index
    %get3A_2 = vector.load %arg1[%get3A, %get3A_0, %get3A_1] : memref<2x2000x128xf32, #tpu.memory_space<vmem>>, vector<1x2000x128xf32>
    %get3A_3 = vector.shape_cast %get3A_2 : vector<1x2000x128xf32> to vector<2000x128xf32>
    %get3A_4 = arith.constant 1 : index
    %get3A_5 = arith.constant 0 : index
    %get3A_6 = arith.constant 0 : index
    %get3A_7 = vector.load %arg1[%get3A_4, %get3A_5, %get3A_6] : memref<2x2000x128xf32, #tpu.memory_space<vmem>>, vector<1x2000x128xf32>
    %get3A_8 = vector.shape_cast %get3A_7 : vector<1x2000x128xf32> to vector<2000x128xf32>
    %add3A = arith.addf %get3A_3, %get3A_8 : vector<2000x128xf32>
    %get3A_9 = arith.constant 0 : index
    %get3A_10 = arith.constant 0 : index
    %get3A_11 = vector.load %arg2[%get3A_9, %get3A_10] : memref<2000x16xf32, #tpu.memory_space<vmem>>, vector<2000x16xf32>
    %get3A_12 = arith.constant 0 : index
    %get3A_13 = arith.constant 0 : index
    %get3A_14 = vector.load %arg3[%get3A_12, %get3A_13] : memref<128x16xf32, #tpu.memory_space<vmem>>, vector<128x16xf32>
    %dot_general3A = arith.constant dense<0.000000e+00> : vector<2000x128xf32>
    %dot_general3A_15 = tpu.matmul %get3A_11, %get3A_14, %dot_general3A {dimension_numbers = #tpu.dot_dimension_numbers<[1], [1], [0], [0], [0, 0, 1, 0], [], []>, transpose_lhs_hint = false} : vector<2000x16xf32>, vector<128x16xf32>, vector<2000x128xf32> -> vector<2000x128xf32>
    %add3A_16 = arith.addf %add3A, %dot_general3A_15 : vector<2000x128xf32>
    %max3A = arith.constant 0.000000e+00 : f32
    %max3A_17 = vector.broadcast %max3A : f32 to vector<2000x128xf32>
    %max3A_18 = arith.maximumf %add3A_16, %max3A_17 : vector<2000x128xf32>
    %get3A_19 = arith.constant 0 : index
    %get3A_20 = arith.constant 0 : index
    %get3A_21 = vector.load %arg4[%get3A_19, %get3A_20] : memref<128x128xf32, #tpu.memory_space<vmem>>, vector<128x128xf32>
    %dot_general3A_22 = arith.constant dense<0.000000e+00> : vector<2000x128xf32>
    %dot_general3A_23 = tpu.matmul %max3A_18, %get3A_21, %dot_general3A_22 {dimension_numbers = #tpu.dot_dimension_numbers<[1], [1], [0], [0], [0, 0, 1, 0], [], []>, transpose_lhs_hint = false} : vector<2000x128xf32>, vector<128x128xf32>, vector<2000x128xf32> -> vector<2000x128xf32>
    %get3A_24 = arith.constant 0 : index
    %get3A_25 = arith.constant 0 : index
    %get3A_26 = vector.load %arg5[%get3A_24, %get3A_25] : memref<1x128xf32, #tpu.memory_space<vmem>>, vector<1x128xf32>
    %add3A_27 = vector.broadcast %get3A_26 : vector<1x128xf32> to vector<2000x128xf32>
    %add3A_28 = arith.addf %dot_general3A_23, %add3A_27 : vector<2000x128xf32>
    %swap3A = arith.constant 0 : index
    %swap3A_29 = arith.constant 0 : index
    %swap3A_30 = vector.load %arg6[%swap3A, %swap3A_29] : memref<2000x128xf32, #tpu.memory_space<vmem>>, vector<2000x128xf32>
    tpu.vector_store %arg6[%swap3A, %swap3A_29], %add3A_28 {strides = array<i32>} : memref<2000x128xf32, #tpu.memory_space<vmem>>, vector<2000x128xf32>,
    return
  }
  func.func @transform_0(%arg0: i32) -> (i32, i32, i32) {
    %c0_i32 = arith.constant 0 : i32
    %c0_i32_0 = arith.constant 0 : i32
    %c0_i32_1 = arith.constant 0 : i32
    return %c0_i32, %arg0, %c0_i32_0 : i32, i32, i32
  }
  func.func @transform_1(%arg0: i32) -> (i32, i32) {
    %c0_i32 = arith.constant 0 : i32
    %c0_i32_0 = arith.constant 0 : i32
    return %arg0, %c0_i32 : i32, i32
  }
  func.func @transform_2(%arg0: i32) -> (i32, i32) {
    %c0_i32 = arith.constant 0 : i32
    %c0_i32_0 = arith.constant 0 : i32
    %c0_i32_1 = arith.constant 0 : i32
    return %c0_i32, %c0_i32_0 : i32, i32
  }
  func.func @transform_3(%arg0: i32) -> (i32, i32) {
    %c0_i32 = arith.constant 0 : i32
    %c0_i32_0 = arith.constant 0 : i32
    %c0_i32_1 = arith.constant 0 : i32
    return %c0_i32, %c0_i32_0 : i32, i32
  }
  func.func @transform_4(%arg0: i32) -> (i32, i32) {
    %c0_i32 = arith.constant 0 : i32
    %c0_i32_0 = arith.constant 0 : i32
    %c0_i32_1 = arith.constant 0 : i32
    return %c0_i32, %c0_i32_0 : i32, i32
  }
  func.func @transform_5(%arg0: i32) -> (i32, i32) {
    %c0_i32 = arith.constant 0 : i32
    %c0_i32_0 = arith.constant 0 : i32
    return %arg0, %c0_i32 : i32, i32
  }
}

module attributes {stable_mosaic.version = 14 : i64} {
  func.func @prep(%arg0: memref<10000x128xf32, #tpu.memory_space<vmem>>, %arg1: memref<8x64xf32, #tpu.memory_space<vmem>>, %arg2: memref<10000x1xi32, #tpu.memory_space<vmem>>, %arg3: memref<128x128xf32, #tpu.memory_space<vmem>>, %arg4: memref<128x128xf32, #tpu.memory_space<vmem>>, %arg5: memref<128x64xf32, #tpu.memory_space<vmem>>, %arg6: memref<1x128xf32, #tpu.memory_space<vmem>>, %arg7: memref<128x128xf32, #tpu.memory_space<vmem>>, %arg8: memref<128x64xf32, #tpu.memory_space<vmem>>, %arg9: memref<1x128xf32, #tpu.memory_space<vmem>>, %arg10: memref<10000x128xf32, #tpu.memory_space<vmem>>, %arg11: memref<10000x128xf32, #tpu.memory_space<vmem>>, %arg12: memref<10000x128xf32, #tpu.memory_space<vmem>>) attributes {dimension_semantics = [], scalar_prefetch = 0 : i64, scratch_operands = 0 : i64, tpu.core_type = #tpu.core_type<tc>} {
    %get3A = arith.constant 0 : index
    %get3A_0 = arith.constant 0 : index
    %get3A_1 = vector.load %arg0[%get3A, %get3A_0] : memref<10000x128xf32, #tpu.memory_space<vmem>>, vector<10000x128xf32>
    %get3A_2 = arith.constant 0 : index
    %get3A_3 = arith.constant 0 : index
    %get3A_4 = vector.load %arg1[%get3A_2, %get3A_3] : memref<8x64xf32, #tpu.memory_space<vmem>>, vector<8x64xf32>
    %get3A_5 = arith.constant 0 : index
    %get3A_6 = arith.constant 0 : index
    %get3A_7 = vector.load %arg2[%get3A_5, %get3A_6] : memref<10000x1xi32, #tpu.memory_space<vmem>>, vector<10000x1xi32>
    %iota3A = tpu.iota {dimensions = array<i32: 1>} : vector<10000x8xi32>
    %eq3A = vector.broadcast %get3A_7 : vector<10000x1xi32> to vector<10000x8xi32>
    %eq3A_8 = arith.cmpi eq, %eq3A, %iota3A : vector<10000x8xi32>
    %convert_element_type3A = arith.extui %eq3A_8 : vector<10000x8xi1> to vector<10000x8xi32>
    %convert_element_type3A_9 = arith.sitofp %convert_element_type3A : vector<10000x8xi32> to vector<10000x8xf32>
    %get3A_10 = arith.constant 0 : index
    %get3A_11 = arith.constant 0 : index
    %get3A_12 = vector.load %arg5[%get3A_10, %get3A_11] : memref<128x64xf32, #tpu.memory_space<vmem>>, vector<128x64xf32>
    %dot_general3A = arith.constant dense<0.000000e+00> : vector<8x128xf32>
    %dot_general3A_13 = tpu.matmul %get3A_4, %get3A_12, %dot_general3A {dimension_numbers = #tpu.dot_dimension_numbers<[1], [1], [0], [0], [0, 0, 1, 0], [], []>, transpose_lhs_hint = false} : vector<8x64xf32>, vector<128x64xf32>, vector<8x128xf32> -> vector<8x128xf32>
    %get3A_14 = arith.constant 0 : index
    %get3A_15 = arith.constant 0 : index
    %get3A_16 = vector.load %arg6[%get3A_14, %get3A_15] : memref<1x128xf32, #tpu.memory_space<vmem>>, vector<1x128xf32>
    %add3A = vector.broadcast %get3A_16 : vector<1x128xf32> to vector<8x128xf32>
    %add3A_17 = arith.addf %dot_general3A_13, %add3A : vector<8x128xf32>
    %get3A_18 = arith.constant 0 : index
    %get3A_19 = arith.constant 0 : index
    %get3A_20 = vector.load %arg8[%get3A_18, %get3A_19] : memref<128x64xf32, #tpu.memory_space<vmem>>, vector<128x64xf32>
    %dot_general3A_21 = arith.constant dense<0.000000e+00> : vector<8x128xf32>
    %dot_general3A_22 = tpu.matmul %get3A_4, %get3A_20, %dot_general3A_21 {dimension_numbers = #tpu.dot_dimension_numbers<[1], [1], [0], [0], [0, 0, 1, 0], [], []>, transpose_lhs_hint = false} : vector<8x64xf32>, vector<128x64xf32>, vector<8x128xf32> -> vector<8x128xf32>
    %get3A_23 = arith.constant 0 : index
    %get3A_24 = arith.constant 0 : index
    %get3A_25 = vector.load %arg9[%get3A_23, %get3A_24] : memref<1x128xf32, #tpu.memory_space<vmem>>, vector<1x128xf32>
    %add3A_26 = vector.broadcast %get3A_25 : vector<1x128xf32> to vector<8x128xf32>
    %add3A_27 = arith.addf %dot_general3A_22, %add3A_26 : vector<8x128xf32>
    %get3A_28 = arith.constant 0 : index
    %get3A_29 = arith.constant 0 : index
    %get3A_30 = vector.load %arg3[%get3A_28, %get3A_29] : memref<128x128xf32, #tpu.memory_space<vmem>>, vector<128x128xf32>
    %dot_general3A_31 = arith.constant dense<0.000000e+00> : vector<10000x128xf32>
    %dot_general3A_32 = tpu.matmul %get3A_1, %get3A_30, %dot_general3A_31 {dimension_numbers = #tpu.dot_dimension_numbers<[1], [1], [0], [0], [0, 0, 1, 0], [], []>, transpose_lhs_hint = false} : vector<10000x128xf32>, vector<128x128xf32>, vector<10000x128xf32> -> vector<10000x128xf32>
    %dot_general3A_33 = arith.constant dense<0.000000e+00> : vector<10000x128xf32>
    %dot_general3A_34 = tpu.matmul %convert_element_type3A_9, %add3A_17, %dot_general3A_33 {dimension_numbers = #tpu.dot_dimension_numbers<[1], [0], [0], [1], [0, 0, 1, 1], [], []>, transpose_lhs_hint = false} : vector<10000x8xf32>, vector<8x128xf32>, vector<10000x128xf32> -> vector<10000x128xf32>
    %add3A_35 = arith.addf %dot_general3A_32, %dot_general3A_34 : vector<10000x128xf32>
    %swap3A = arith.constant 0 : index
    %swap3A_36 = arith.constant 0 : index
    %swap3A_37 = vector.load %arg10[%swap3A, %swap3A_36] : memref<10000x128xf32, #tpu.memory_space<vmem>>, vector<10000x128xf32>
    tpu.vector_store %arg10[%swap3A, %swap3A_36], %add3A_35 {strides = array<i32>} : memref<10000x128xf32, #tpu.memory_space<vmem>>, vector<10000x128xf32>,
    %get3A_38 = arith.constant 0 : index
    %get3A_39 = arith.constant 0 : index
    %get3A_40 = vector.load %arg4[%get3A_38, %get3A_39] : memref<128x128xf32, #tpu.memory_space<vmem>>, vector<128x128xf32>
    %dot_general3A_41 = arith.constant dense<0.000000e+00> : vector<10000x128xf32>
    %dot_general3A_42 = tpu.matmul %get3A_1, %get3A_40, %dot_general3A_41 {dimension_numbers = #tpu.dot_dimension_numbers<[1], [1], [0], [0], [0, 0, 1, 0], [], []>, transpose_lhs_hint = false} : vector<10000x128xf32>, vector<128x128xf32>, vector<10000x128xf32> -> vector<10000x128xf32>
    %swap3A_43 = arith.constant 0 : index
    %swap3A_44 = arith.constant 0 : index
    %swap3A_45 = vector.load %arg11[%swap3A_43, %swap3A_44] : memref<10000x128xf32, #tpu.memory_space<vmem>>, vector<10000x128xf32>
    tpu.vector_store %arg11[%swap3A_43, %swap3A_44], %dot_general3A_42 {strides = array<i32>} : memref<10000x128xf32, #tpu.memory_space<vmem>>, vector<10000x128xf32>,
    %get3A_46 = arith.constant 0 : index
    %get3A_47 = arith.constant 0 : index
    %get3A_48 = vector.load %arg7[%get3A_46, %get3A_47] : memref<128x128xf32, #tpu.memory_space<vmem>>, vector<128x128xf32>
    %dot_general3A_49 = arith.constant dense<0.000000e+00> : vector<10000x128xf32>
    %dot_general3A_50 = tpu.matmul %get3A_1, %get3A_48, %dot_general3A_49 {dimension_numbers = #tpu.dot_dimension_numbers<[1], [1], [0], [0], [0, 0, 1, 0], [], []>, transpose_lhs_hint = false} : vector<10000x128xf32>, vector<128x128xf32>, vector<10000x128xf32> -> vector<10000x128xf32>
    %dot_general3A_51 = arith.constant dense<0.000000e+00> : vector<10000x128xf32>
    %dot_general3A_52 = tpu.matmul %convert_element_type3A_9, %add3A_27, %dot_general3A_51 {dimension_numbers = #tpu.dot_dimension_numbers<[1], [0], [0], [1], [0, 0, 1, 1], [], []>, transpose_lhs_hint = false} : vector<10000x8xf32>, vector<8x128xf32>, vector<10000x128xf32> -> vector<10000x128xf32>
    %add3A_53 = arith.addf %dot_general3A_50, %dot_general3A_52 : vector<10000x128xf32>
    %swap3A_54 = arith.constant 0 : index
    %swap3A_55 = arith.constant 0 : index
    %swap3A_56 = vector.load %arg12[%swap3A_54, %swap3A_55] : memref<10000x128xf32, #tpu.memory_space<vmem>>, vector<10000x128xf32>
    tpu.vector_store %arg12[%swap3A_54, %swap3A_55], %add3A_53 {strides = array<i32>} : memref<10000x128xf32, #tpu.memory_space<vmem>>, vector<10000x128xf32>,
    return
  }
}

module attributes {stable_mosaic.version = 14 : i64} {
  func.func @node_mlp(%arg0: i32, %arg1: memref<1280x128xf32, #tpu.memory_space<vmem>>, %arg2: memref<2x1280x128xf32, #tpu.memory_space<vmem>>, %arg3: memref<2x1280x128xf32, #tpu.memory_space<vmem>>, %arg4: memref<2x1280x128xf32, #tpu.memory_space<vmem>>, %arg5: memref<2x1280x128xf32, #tpu.memory_space<vmem>>, %arg6: memref<128x128xf32, #tpu.memory_space<vmem>>, %arg7: memref<128x128xf32, #tpu.memory_space<vmem>>, %arg8: memref<128x128xf32, #tpu.memory_space<vmem>>, %arg9: memref<1x128xf32, #tpu.memory_space<vmem>>, %arg10: memref<1280x128xf32, #tpu.memory_space<vmem>>) attributes {dimension_semantics = [#tpu.dimension_semantics<arbitrary>], iteration_bounds = array<i64: 8>, scalar_prefetch = 0 : i64, scratch_operands = 0 : i64, tpu.core_type = #tpu.core_type<tc>, window_params = [{transform_indices = @transform_0, window_bounds = array<i64: 1280, 128>}, {transform_indices = @transform_1, window_bounds = array<i64: 2, 1280, 128>}, {transform_indices = @transform_2, window_bounds = array<i64: 2, 1280, 128>}, {transform_indices = @transform_3, window_bounds = array<i64: 2, 1280, 128>}, {transform_indices = @transform_4, window_bounds = array<i64: 2, 1280, 128>}, {pipeline_mode = #tpu.pipeline_mode<synchronous>, transform_indices = @transform_5, window_bounds = array<i64: 128, 128>}, {pipeline_mode = #tpu.pipeline_mode<synchronous>, transform_indices = @transform_6, window_bounds = array<i64: 128, 128>}, {pipeline_mode = #tpu.pipeline_mode<synchronous>, transform_indices = @transform_7, window_bounds = array<i64: 128, 128>}, {pipeline_mode = #tpu.pipeline_mode<synchronous>, transform_indices = @transform_8, window_bounds = array<i64: 1, 128>}, {transform_indices = @transform_9, window_bounds = array<i64: 1280, 128>}]} {
    %get3A = arith.constant 0 : index
    %get3A_0 = arith.constant 0 : index
    %get3A_1 = arith.constant 0 : index
    %get3A_2 = vector.load %arg3[%get3A, %get3A_0, %get3A_1] : memref<2x1280x128xf32, #tpu.memory_space<vmem>>, vector<1x1280x1xf32>
    %get3A_3 = vector.shape_cast %get3A_2 : vector<1x1280x1xf32> to vector<1280x1xf32>
    %get3A_4 = arith.constant 1 : index
    %get3A_5 = arith.constant 0 : index
    %get3A_6 = arith.constant 0 : index
    %get3A_7 = vector.load %arg3[%get3A_4, %get3A_5, %get3A_6] : memref<2x1280x128xf32, #tpu.memory_space<vmem>>, vector<1x1280x1xf32>
    %get3A_8 = vector.shape_cast %get3A_7 : vector<1x1280x1xf32> to vector<1280x1xf32>
    %add3A = arith.addf %get3A_3, %get3A_8 : vector<1280x1xf32>
    %max3A = arith.constant 1.000000e+00 : f32
    %max3A_9 = vector.broadcast %max3A : f32 to vector<1280x1xf32>
    %max3A_10 = arith.maximumf %add3A, %max3A_9 : vector<1280x1xf32>
    %get3A_11 = arith.constant 0 : index
    %get3A_12 = arith.constant 0 : index
    %get3A_13 = arith.constant 0 : index
    %get3A_14 = vector.load %arg5[%get3A_11, %get3A_12, %get3A_13] : memref<2x1280x128xf32, #tpu.memory_space<vmem>>, vector<1x1280x1xf32>
    %get3A_15 = vector.shape_cast %get3A_14 : vector<1x1280x1xf32> to vector<1280x1xf32>
    %get3A_16 = arith.constant 1 : index
    %get3A_17 = arith.constant 0 : index
    %get3A_18 = arith.constant 0 : index
    %get3A_19 = vector.load %arg5[%get3A_16, %get3A_17, %get3A_18] : memref<2x1280x128xf32, #tpu.memory_space<vmem>>, vector<1x1280x1xf32>
    %get3A_20 = vector.shape_cast %get3A_19 : vector<1x1280x1xf32> to vector<1280x1xf32>
    %add3A_21 = arith.addf %get3A_15, %get3A_20 : vector<1280x1xf32>
    %max3A_22 = arith.constant 1.000000e+00 : f32
    %max3A_23 = vector.broadcast %max3A_22 : f32 to vector<1280x1xf32>
    %max3A_24 = arith.maximumf %add3A_21, %max3A_23 : vector<1280x1xf32>
    %get3A_25 = arith.constant 0 : index
    %get3A_26 = arith.constant 0 : index
    %get3A_27 = arith.constant 0 : index
    %get3A_28 = vector.load %arg2[%get3A_25, %get3A_26, %get3A_27] : memref<2x1280x128xf32, #tpu.memory_space<vmem>>, vector<1x1280x128xf32>
    %get3A_29 = vector.shape_cast %get3A_28 : vector<1x1280x128xf32> to vector<1280x128xf32>
    %get3A_30 = arith.constant 1 : index
    %get3A_31 = arith.constant 0 : index
    %get3A_32 = arith.constant 0 : index
    %get3A_33 = vector.load %arg2[%get3A_30, %get3A_31, %get3A_32] : memref<2x1280x128xf32, #tpu.memory_space<vmem>>, vector<1x1280x128xf32>
    %get3A_34 = vector.shape_cast %get3A_33 : vector<1x1280x128xf32> to vector<1280x128xf32>
    %add3A_35 = arith.addf %get3A_29, %get3A_34 : vector<1280x128xf32>
    %div3A = vector.broadcast %max3A_10 : vector<1280x1xf32> to vector<1280x128xf32>
    %div3A_36 = arith.divf %add3A_35, %div3A : vector<1280x128xf32>
    %get3A_37 = arith.constant 0 : index
    %get3A_38 = arith.constant 0 : index
    %get3A_39 = arith.constant 0 : index
    %get3A_40 = vector.load %arg4[%get3A_37, %get3A_38, %get3A_39] : memref<2x1280x128xf32, #tpu.memory_space<vmem>>, vector<1x1280x128xf32>
    %get3A_41 = vector.shape_cast %get3A_40 : vector<1x1280x128xf32> to vector<1280x128xf32>
    %get3A_42 = arith.constant 1 : index
    %get3A_43 = arith.constant 0 : index
    %get3A_44 = arith.constant 0 : index
    %get3A_45 = vector.load %arg4[%get3A_42, %get3A_43, %get3A_44] : memref<2x1280x128xf32, #tpu.memory_space<vmem>>, vector<1x1280x128xf32>
    %get3A_46 = vector.shape_cast %get3A_45 : vector<1x1280x128xf32> to vector<1280x128xf32>
    %add3A_47 = arith.addf %get3A_41, %get3A_46 : vector<1280x128xf32>
    %div3A_48 = vector.broadcast %max3A_24 : vector<1280x1xf32> to vector<1280x128xf32>
    %div3A_49 = arith.divf %add3A_47, %div3A_48 : vector<1280x128xf32>
    %get3A_50 = arith.constant 0 : index
    %get3A_51 = arith.constant 0 : index
    %get3A_52 = vector.load %arg1[%get3A_50, %get3A_51] : memref<1280x128xf32, #tpu.memory_space<vmem>>, vector<1280x128xf32>
    %get3A_53 = arith.constant 0 : index
    %get3A_54 = arith.constant 0 : index
    %get3A_55 = vector.load %arg6[%get3A_53, %get3A_54] : memref<128x128xf32, #tpu.memory_space<vmem>>, vector<128x128xf32>
    %dot_general3A = arith.constant dense<0.000000e+00> : vector<1280x128xf32>
    %dot_general3A_56 = tpu.matmul %div3A_36, %get3A_55, %dot_general3A {dimension_numbers = #tpu.dot_dimension_numbers<[1], [1], [0], [0], [0, 0, 1, 0], [], []>, transpose_lhs_hint = false} : vector<1280x128xf32>, vector<128x128xf32>, vector<1280x128xf32> -> vector<1280x128xf32>
    %add3A_57 = arith.addf %get3A_52, %dot_general3A_56 : vector<1280x128xf32>
    %get3A_58 = arith.constant 0 : index
    %get3A_59 = arith.constant 0 : index
    %get3A_60 = vector.load %arg7[%get3A_58, %get3A_59] : memref<128x128xf32, #tpu.memory_space<vmem>>, vector<128x128xf32>
    %dot_general3A_61 = arith.constant dense<0.000000e+00> : vector<1280x128xf32>
    %dot_general3A_62 = tpu.matmul %div3A_49, %get3A_60, %dot_general3A_61 {dimension_numbers = #tpu.dot_dimension_numbers<[1], [1], [0], [0], [0, 0, 1, 0], [], []>, transpose_lhs_hint = false} : vector<1280x128xf32>, vector<128x128xf32>, vector<1280x128xf32> -> vector<1280x128xf32>
    %add3A_63 = arith.addf %add3A_57, %dot_general3A_62 : vector<1280x128xf32>
    %max3A_64 = arith.constant 0.000000e+00 : f32
    %max3A_65 = vector.broadcast %max3A_64 : f32 to vector<1280x128xf32>
    %max3A_66 = arith.maximumf %add3A_63, %max3A_65 : vector<1280x128xf32>
    %get3A_67 = arith.constant 0 : index
    %get3A_68 = arith.constant 0 : index
    %get3A_69 = vector.load %arg8[%get3A_67, %get3A_68] : memref<128x128xf32, #tpu.memory_space<vmem>>, vector<128x128xf32>
    %dot_general3A_70 = arith.constant dense<0.000000e+00> : vector<1280x128xf32>
    %dot_general3A_71 = tpu.matmul %max3A_66, %get3A_69, %dot_general3A_70 {dimension_numbers = #tpu.dot_dimension_numbers<[1], [1], [0], [0], [0, 0, 1, 0], [], []>, transpose_lhs_hint = false} : vector<1280x128xf32>, vector<128x128xf32>, vector<1280x128xf32> -> vector<1280x128xf32>
    %get3A_72 = arith.constant 0 : index
    %get3A_73 = arith.constant 0 : index
    %get3A_74 = vector.load %arg9[%get3A_72, %get3A_73] : memref<1x128xf32, #tpu.memory_space<vmem>>, vector<1x128xf32>
    %add3A_75 = vector.broadcast %get3A_74 : vector<1x128xf32> to vector<1280x128xf32>
    %add3A_76 = arith.addf %dot_general3A_71, %add3A_75 : vector<1280x128xf32>
    %swap3A = arith.constant 0 : index
    %swap3A_77 = arith.constant 0 : index
    %swap3A_78 = vector.load %arg10[%swap3A, %swap3A_77] : memref<1280x128xf32, #tpu.memory_space<vmem>>, vector<1280x128xf32>
    tpu.vector_store %arg10[%swap3A, %swap3A_77], %add3A_76 {strides = array<i32>} : memref<1280x128xf32, #tpu.memory_space<vmem>>, vector<1280x128xf32>,
    return
  }
  func.func @transform_0(%arg0: i32) -> (i32, i32) {
    %c0_i32 = arith.constant 0 : i32
    %c0_i32_0 = arith.constant 0 : i32
    return %arg0, %c0_i32 : i32, i32
  }
  func.func @transform_1(%arg0: i32) -> (i32, i32, i32) {
    %c0_i32 = arith.constant 0 : i32
    %c0_i32_0 = arith.constant 0 : i32
    %c0_i32_1 = arith.constant 0 : i32
    return %c0_i32, %arg0, %c0_i32_0 : i32, i32, i32
  }
  func.func @transform_2(%arg0: i32) -> (i32, i32, i32) {
    %c0_i32 = arith.constant 0 : i32
    %c0_i32_0 = arith.constant 0 : i32
    %c0_i32_1 = arith.constant 0 : i32
    return %c0_i32, %arg0, %c0_i32_0 : i32, i32, i32
  }
  func.func @transform_3(%arg0: i32) -> (i32, i32, i32) {
    %c0_i32 = arith.constant 0 : i32
    %c0_i32_0 = arith.constant 0 : i32
    %c0_i32_1 = arith.constant 0 : i32
    return %c0_i32, %arg0, %c0_i32_0 : i32, i32, i32
  }
  func.func @transform_4(%arg0: i32) -> (i32, i32, i32) {
    %c0_i32 = arith.constant 0 : i32
    %c0_i32_0 = arith.constant 0 : i32
    %c0_i32_1 = arith.constant 0 : i32
    return %c0_i32, %arg0, %c0_i32_0 : i32, i32, i32
  }
  func.func @transform_5(%arg0: i32) -> (i32, i32) {
    %c0_i32 = arith.constant 0 : i32
    %c0_i32_0 = arith.constant 0 : i32
    %c0_i32_1 = arith.constant 0 : i32
    return %c0_i32, %c0_i32_0 : i32, i32
  }
  func.func @transform_6(%arg0: i32) -> (i32, i32) {
    %c0_i32 = arith.constant 0 : i32
    %c0_i32_0 = arith.constant 0 : i32
    %c0_i32_1 = arith.constant 0 : i32
    return %c0_i32, %c0_i32_0 : i32, i32
  }
  func.func @transform_7(%arg0: i32) -> (i32, i32) {
    %c0_i32 = arith.constant 0 : i32
    %c0_i32_0 = arith.constant 0 : i32
    %c0_i32_1 = arith.constant 0 : i32
    return %c0_i32, %c0_i32_0 : i32, i32
  }
  func.func @transform_8(%arg0: i32) -> (i32, i32) {
    %c0_i32 = arith.constant 0 : i32
    %c0_i32_0 = arith.constant 0 : i32
    %c0_i32_1 = arith.constant 0 : i32
    return %c0_i32, %c0_i32_0 : i32, i32
  }
  func.func @transform_9(%arg0: i32) -> (i32, i32) {
    %c0_i32 = arith.constant 0 : i32
    %c0_i32_0 = arith.constant 0 : i32
    return %arg0, %c0_i32 : i32, i32
  }
}

module attributes {stable_mosaic.version = 14 : i64} {
  func.func @global_mlp(%arg0: memref<10000x128xf32, #tpu.memory_space<vmem>>, %arg1: memref<10000x1xi32, #tpu.memory_space<vmem>>, %arg2: memref<8x64xf32, #tpu.memory_space<vmem>>, %arg3: memref<128x64xf32, #tpu.memory_space<vmem>>, %arg4: memref<128x128xf32, #tpu.memory_space<vmem>>, %arg5: memref<128x128xf32, #tpu.memory_space<vmem>>, %arg6: memref<1x128xf32, #tpu.memory_space<vmem>>, %arg7: memref<128x128xf32, #tpu.memory_space<vmem>>, %arg8: memref<1x128xf32, #tpu.memory_space<vmem>>, %arg9: memref<8x128xf32, #tpu.memory_space<vmem>>) attributes {dimension_semantics = [], scalar_prefetch = 0 : i64, scratch_operands = 0 : i64, tpu.core_type = #tpu.core_type<tc>} {
    %get3A = arith.constant 0 : index
    %get3A_0 = arith.constant 0 : index
    %get3A_1 = vector.load %arg0[%get3A, %get3A_0] : memref<10000x128xf32, #tpu.memory_space<vmem>>, vector<10000x128xf32>
    %get3A_2 = arith.constant 0 : index
    %get3A_3 = arith.constant 0 : index
    %get3A_4 = vector.load %arg1[%get3A_2, %get3A_3] : memref<10000x1xi32, #tpu.memory_space<vmem>>, vector<10000x1xi32>
    %iota3A = tpu.iota {dimensions = array<i32: 1>} : vector<10000x8xi32>
    %eq3A = vector.broadcast %get3A_4 : vector<10000x1xi32> to vector<10000x8xi32>
    %eq3A_5 = arith.cmpi eq, %eq3A, %iota3A : vector<10000x8xi32>
    %convert_element_type3A = arith.extui %eq3A_5 : vector<10000x8xi1> to vector<10000x8xi32>
    %convert_element_type3A_6 = arith.sitofp %convert_element_type3A : vector<10000x8xi32> to vector<10000x8xf32>
    %dot_general3A = arith.constant dense<0.000000e+00> : vector<8x128xf32>
    %dot_general3A_7 = tpu.matmul %convert_element_type3A_6, %get3A_1, %dot_general3A {dimension_numbers = #tpu.dot_dimension_numbers<[0], [0], [1], [1], [0, 1, 1, 1], [], []>, transpose_lhs_hint = false} : vector<10000x8xf32>, vector<10000x128xf32>, vector<8x128xf32> -> vector<8x128xf32>
    %broadcast_in_dim3A = arith.constant 1.000000e+00 : f32
    %broadcast_in_dim3A_8 = vector.broadcast %broadcast_in_dim3A : f32 to vector<10000x1xf32>
    %dot_general3A_9 = arith.constant dense<0.000000e+00> : vector<8x1xf32>
    %dot_general3A_10 = tpu.matmul %convert_element_type3A_6, %broadcast_in_dim3A_8, %dot_general3A_9 {dimension_numbers = #tpu.dot_dimension_numbers<[0], [0], [1], [1], [0, 1, 1, 1], [], []>, transpose_lhs_hint = false} : vector<10000x8xf32>, vector<10000x1xf32>, vector<8x1xf32> -> vector<8x1xf32>
    %max3A = arith.constant 1.000000e+00 : f32
    %max3A_11 = vector.broadcast %max3A : f32 to vector<8x1xf32>
    %max3A_12 = arith.maximumf %dot_general3A_10, %max3A_11 : vector<8x1xf32>
    %div3A = vector.broadcast %max3A_12 : vector<8x1xf32> to vector<8x128xf32>
    %div3A_13 = arith.divf %dot_general3A_7, %div3A : vector<8x128xf32>
    %eq3A_14 = arith.constant 0 : i32
    %eq3A_15 = vector.broadcast %eq3A_14 : i32 to vector<10000x1xi32>
    %eq3A_16 = arith.cmpi eq, %get3A_4, %eq3A_15 : vector<10000x1xi32>
    %jit3A = arith.constant 0xFF800000 : f32
    %broadcast_in_dim3A_17 = vector.shape_cast %eq3A_16 : vector<10000x1xi1> to vector<10000x1xi1>
    %broadcast_in_dim3A_18 = vector.broadcast %broadcast_in_dim3A_17 : vector<10000x1xi1> to vector<10000x128xi1>
    %broadcast_in_dim3A_19 = vector.broadcast %jit3A : f32 to vector<10000x128xf32>
    %select_n3A = arith.select %broadcast_in_dim3A_18, %get3A_1, %broadcast_in_dim3A_19 : vector<10000x128xi1>, vector<10000x128xf32>
    %reduce_max3A = arith.constant dense<0xFF800000> : vector<128xf32>
    %reduce_max3A_20 = vector.multi_reduction <maximumf>, %select_n3A, %reduce_max3A [0] : vector<10000x128xf32> to vector<128xf32>
    %broadcast_in_dim3A_21 = vector.shape_cast %reduce_max3A_20 : vector<128xf32> to vector<1x128xf32>
    %eq3A_22 = arith.constant 1 : i32
    %eq3A_23 = vector.broadcast %eq3A_22 : i32 to vector<10000x1xi32>
    %eq3A_24 = arith.cmpi eq, %get3A_4, %eq3A_23 : vector<10000x1xi32>
    %jit3A_25 = arith.constant 0xFF800000 : f32
    %broadcast_in_dim3A_26 = vector.shape_cast %eq3A_24 : vector<10000x1xi1> to vector<10000x1xi1>
    %broadcast_in_dim3A_27 = vector.broadcast %broadcast_in_dim3A_26 : vector<10000x1xi1> to vector<10000x128xi1>
    %broadcast_in_dim3A_28 = vector.broadcast %jit3A_25 : f32 to vector<10000x128xf32>
    %select_n3A_29 = arith.select %broadcast_in_dim3A_27, %get3A_1, %broadcast_in_dim3A_28 : vector<10000x128xi1>, vector<10000x128xf32>
    %reduce_max3A_30 = arith.constant dense<0xFF800000> : vector<128xf32>
    %reduce_max3A_31 = vector.multi_reduction <maximumf>, %select_n3A_29, %reduce_max3A_30 [0] : vector<10000x128xf32> to vector<128xf32>
    %broadcast_in_dim3A_32 = vector.shape_cast %reduce_max3A_31 : vector<128xf32> to vector<1x128xf32>
    %eq3A_33 = arith.constant 2 : i32
    %eq3A_34 = vector.broadcast %eq3A_33 : i32 to vector<10000x1xi32>
    %eq3A_35 = arith.cmpi eq, %get3A_4, %eq3A_34 : vector<10000x1xi32>
    %jit3A_36 = arith.constant 0xFF800000 : f32
    %broadcast_in_dim3A_37 = vector.shape_cast %eq3A_35 : vector<10000x1xi1> to vector<10000x1xi1>
    %broadcast_in_dim3A_38 = vector.broadcast %broadcast_in_dim3A_37 : vector<10000x1xi1> to vector<10000x128xi1>
    %broadcast_in_dim3A_39 = vector.broadcast %jit3A_36 : f32 to vector<10000x128xf32>
    %select_n3A_40 = arith.select %broadcast_in_dim3A_38, %get3A_1, %broadcast_in_dim3A_39 : vector<10000x128xi1>, vector<10000x128xf32>
    %reduce_max3A_41 = arith.constant dense<0xFF800000> : vector<128xf32>
    %reduce_max3A_42 = vector.multi_reduction <maximumf>, %select_n3A_40, %reduce_max3A_41 [0] : vector<10000x128xf32> to vector<128xf32>
    %broadcast_in_dim3A_43 = vector.shape_cast %reduce_max3A_42 : vector<128xf32> to vector<1x128xf32>
    %eq3A_44 = arith.constant 3 : i32
    %eq3A_45 = vector.broadcast %eq3A_44 : i32 to vector<10000x1xi32>
    %eq3A_46 = arith.cmpi eq, %get3A_4, %eq3A_45 : vector<10000x1xi32>
    %jit3A_47 = arith.constant 0xFF800000 : f32
    %broadcast_in_dim3A_48 = vector.shape_cast %eq3A_46 : vector<10000x1xi1> to vector<10000x1xi1>
    %broadcast_in_dim3A_49 = vector.broadcast %broadcast_in_dim3A_48 : vector<10000x1xi1> to vector<10000x128xi1>
    %broadcast_in_dim3A_50 = vector.broadcast %jit3A_47 : f32 to vector<10000x128xf32>
    %select_n3A_51 = arith.select %broadcast_in_dim3A_49, %get3A_1, %broadcast_in_dim3A_50 : vector<10000x128xi1>, vector<10000x128xf32>
    %reduce_max3A_52 = arith.constant dense<0xFF800000> : vector<128xf32>
    %reduce_max3A_53 = vector.multi_reduction <maximumf>, %select_n3A_51, %reduce_max3A_52 [0] : vector<10000x128xf32> to vector<128xf32>
    %broadcast_in_dim3A_54 = vector.shape_cast %reduce_max3A_53 : vector<128xf32> to vector<1x128xf32>
    %eq3A_55 = arith.constant 4 : i32
    %eq3A_56 = vector.broadcast %eq3A_55 : i32 to vector<10000x1xi32>
    %eq3A_57 = arith.cmpi eq, %get3A_4, %eq3A_56 : vector<10000x1xi32>
    %jit3A_58 = arith.constant 0xFF800000 : f32
    %broadcast_in_dim3A_59 = vector.shape_cast %eq3A_57 : vector<10000x1xi1> to vector<10000x1xi1>
    %broadcast_in_dim3A_60 = vector.broadcast %broadcast_in_dim3A_59 : vector<10000x1xi1> to vector<10000x128xi1>
    %broadcast_in_dim3A_61 = vector.broadcast %jit3A_58 : f32 to vector<10000x128xf32>
    %select_n3A_62 = arith.select %broadcast_in_dim3A_60, %get3A_1, %broadcast_in_dim3A_61 : vector<10000x128xi1>, vector<10000x128xf32>
    %reduce_max3A_63 = arith.constant dense<0xFF800000> : vector<128xf32>
    %reduce_max3A_64 = vector.multi_reduction <maximumf>, %select_n3A_62, %reduce_max3A_63 [0] : vector<10000x128xf32> to vector<128xf32>
    %broadcast_in_dim3A_65 = vector.shape_cast %reduce_max3A_64 : vector<128xf32> to vector<1x128xf32>
    %eq3A_66 = arith.constant 5 : i32
    %eq3A_67 = vector.broadcast %eq3A_66 : i32 to vector<10000x1xi32>
    %eq3A_68 = arith.cmpi eq, %get3A_4, %eq3A_67 : vector<10000x1xi32>
    %jit3A_69 = arith.constant 0xFF800000 : f32
    %broadcast_in_dim3A_70 = vector.shape_cast %eq3A_68 : vector<10000x1xi1> to vector<10000x1xi1>
    %broadcast_in_dim3A_71 = vector.broadcast %broadcast_in_dim3A_70 : vector<10000x1xi1> to vector<10000x128xi1>
    %broadcast_in_dim3A_72 = vector.broadcast %jit3A_69 : f32 to vector<10000x128xf32>
    %select_n3A_73 = arith.select %broadcast_in_dim3A_71, %get3A_1, %broadcast_in_dim3A_72 : vector<10000x128xi1>, vector<10000x128xf32>
    %reduce_max3A_74 = arith.constant dense<0xFF800000> : vector<128xf32>
    %reduce_max3A_75 = vector.multi_reduction <maximumf>, %select_n3A_73, %reduce_max3A_74 [0] : vector<10000x128xf32> to vector<128xf32>
    %broadcast_in_dim3A_76 = vector.shape_cast %reduce_max3A_75 : vector<128xf32> to vector<1x128xf32>
    %eq3A_77 = arith.constant 6 : i32
    %eq3A_78 = vector.broadcast %eq3A_77 : i32 to vector<10000x1xi32>
    %eq3A_79 = arith.cmpi eq, %get3A_4, %eq3A_78 : vector<10000x1xi32>
    %jit3A_80 = arith.constant 0xFF800000 : f32
    %broadcast_in_dim3A_81 = vector.shape_cast %eq3A_79 : vector<10000x1xi1> to vector<10000x1xi1>
    %broadcast_in_dim3A_82 = vector.broadcast %broadcast_in_dim3A_81 : vector<10000x1xi1> to vector<10000x128xi1>
    %broadcast_in_dim3A_83 = vector.broadcast %jit3A_80 : f32 to vector<10000x128xf32>
    %select_n3A_84 = arith.select %broadcast_in_dim3A_82, %get3A_1, %broadcast_in_dim3A_83 : vector<10000x128xi1>, vector<10000x128xf32>
    %reduce_max3A_85 = arith.constant dense<0xFF800000> : vector<128xf32>
    %reduce_max3A_86 = vector.multi_reduction <maximumf>, %select_n3A_84, %reduce_max3A_85 [0] : vector<10000x128xf32> to vector<128xf32>
    %broadcast_in_dim3A_87 = vector.shape_cast %reduce_max3A_86 : vector<128xf32> to vector<1x128xf32>
    %eq3A_88 = arith.constant 7 : i32
    %eq3A_89 = vector.broadcast %eq3A_88 : i32 to vector<10000x1xi32>
    %eq3A_90 = arith.cmpi eq, %get3A_4, %eq3A_89 : vector<10000x1xi32>
    %jit3A_91 = arith.constant 0xFF800000 : f32
    %broadcast_in_dim3A_92 = vector.shape_cast %eq3A_90 : vector<10000x1xi1> to vector<10000x1xi1>
    %broadcast_in_dim3A_93 = vector.broadcast %broadcast_in_dim3A_92 : vector<10000x1xi1> to vector<10000x128xi1>
    %broadcast_in_dim3A_94 = vector.broadcast %jit3A_91 : f32 to vector<10000x128xf32>
    %select_n3A_95 = arith.select %broadcast_in_dim3A_93, %get3A_1, %broadcast_in_dim3A_94 : vector<10000x128xi1>, vector<10000x128xf32>
    %reduce_max3A_96 = arith.constant dense<0xFF800000> : vector<128xf32>
    %reduce_max3A_97 = vector.multi_reduction <maximumf>, %select_n3A_95, %reduce_max3A_96 [0] : vector<10000x128xf32> to vector<128xf32>
    %broadcast_in_dim3A_98 = vector.shape_cast %reduce_max3A_97 : vector<128xf32> to vector<1x128xf32>
    %concatenate3A = tpu.concatenate %broadcast_in_dim3A_21, %broadcast_in_dim3A_32, %broadcast_in_dim3A_43, %broadcast_in_dim3A_54, %broadcast_in_dim3A_65, %broadcast_in_dim3A_76, %broadcast_in_dim3A_87, %broadcast_in_dim3A_98 in 0 : vector<1x128xf32>, vector<1x128xf32>, vector<1x128xf32>, vector<1x128xf32>, vector<1x128xf32>, vector<1x128xf32>, vector<1x128xf32>, vector<1x128xf32> -> vector<8x128xf32>
    %get3A_99 = arith.constant 0 : index
    %get3A_100 = arith.constant 0 : index
    %get3A_101 = vector.load %arg2[%get3A_99, %get3A_100] : memref<8x64xf32, #tpu.memory_space<vmem>>, vector<8x64xf32>
    %get3A_102 = arith.constant 0 : index
    %get3A_103 = arith.constant 0 : index
    %get3A_104 = vector.load %arg3[%get3A_102, %get3A_103] : memref<128x64xf32, #tpu.memory_space<vmem>>, vector<128x64xf32>
    %dot_general3A_105 = arith.constant dense<0.000000e+00> : vector<8x128xf32>
    %dot_general3A_106 = tpu.matmul %get3A_101, %get3A_104, %dot_general3A_105 {dimension_numbers = #tpu.dot_dimension_numbers<[1], [1], [0], [0], [0, 0, 1, 0], [], []>, transpose_lhs_hint = false} : vector<8x64xf32>, vector<128x64xf32>, vector<8x128xf32> -> vector<8x128xf32>
    %get3A_107 = arith.constant 0 : index
    %get3A_108 = arith.constant 0 : index
    %get3A_109 = vector.load %arg4[%get3A_107, %get3A_108] : memref<128x128xf32, #tpu.memory_space<vmem>>, vector<128x128xf32>
    %dot_general3A_110 = arith.constant dense<0.000000e+00> : vector<8x128xf32>
    %dot_general3A_111 = tpu.matmul %concatenate3A, %get3A_109, %dot_general3A_110 {dimension_numbers = #tpu.dot_dimension_numbers<[1], [1], [0], [0], [0, 0, 1, 0], [], []>, transpose_lhs_hint = false} : vector<8x128xf32>, vector<128x128xf32>, vector<8x128xf32> -> vector<8x128xf32>
    %add3A = arith.addf %dot_general3A_106, %dot_general3A_111 : vector<8x128xf32>
    %get3A_112 = arith.constant 0 : index
    %get3A_113 = arith.constant 0 : index
    %get3A_114 = vector.load %arg5[%get3A_112, %get3A_113] : memref<128x128xf32, #tpu.memory_space<vmem>>, vector<128x128xf32>
    %dot_general3A_115 = arith.constant dense<0.000000e+00> : vector<8x128xf32>
    %dot_general3A_116 = tpu.matmul %div3A_13, %get3A_114, %dot_general3A_115 {dimension_numbers = #tpu.dot_dimension_numbers<[1], [1], [0], [0], [0, 0, 1, 0], [], []>, transpose_lhs_hint = false} : vector<8x128xf32>, vector<128x128xf32>, vector<8x128xf32> -> vector<8x128xf32>
    %add3A_117 = arith.addf %add3A, %dot_general3A_116 : vector<8x128xf32>
    %get3A_118 = arith.constant 0 : index
    %get3A_119 = arith.constant 0 : index
    %get3A_120 = vector.load %arg6[%get3A_118, %get3A_119] : memref<1x128xf32, #tpu.memory_space<vmem>>, vector<1x128xf32>
    %add3A_121 = vector.broadcast %get3A_120 : vector<1x128xf32> to vector<8x128xf32>
    %add3A_122 = arith.addf %add3A_117, %add3A_121 : vector<8x128xf32>
    %max3A_123 = arith.constant 0.000000e+00 : f32
    %max3A_124 = vector.broadcast %max3A_123 : f32 to vector<8x128xf32>
    %max3A_125 = arith.maximumf %add3A_122, %max3A_124 : vector<8x128xf32>
    %get3A_126 = arith.constant 0 : index
    %get3A_127 = arith.constant 0 : index
    %get3A_128 = vector.load %arg7[%get3A_126, %get3A_127] : memref<128x128xf32, #tpu.memory_space<vmem>>, vector<128x128xf32>
    %dot_general3A_129 = arith.constant dense<0.000000e+00> : vector<8x128xf32>
    %dot_general3A_130 = tpu.matmul %max3A_125, %get3A_128, %dot_general3A_129 {dimension_numbers = #tpu.dot_dimension_numbers<[1], [1], [0], [0], [0, 0, 1, 0], [], []>, transpose_lhs_hint = false} : vector<8x128xf32>, vector<128x128xf32>, vector<8x128xf32> -> vector<8x128xf32>
    %get3A_131 = arith.constant 0 : index
    %get3A_132 = arith.constant 0 : index
    %get3A_133 = vector.load %arg8[%get3A_131, %get3A_132] : memref<1x128xf32, #tpu.memory_space<vmem>>, vector<1x128xf32>
    %add3A_134 = vector.broadcast %get3A_133 : vector<1x128xf32> to vector<8x128xf32>
    %add3A_135 = arith.addf %dot_general3A_130, %add3A_134 : vector<8x128xf32>
    %swap3A = arith.constant 0 : index
    %swap3A_136 = arith.constant 0 : index
    %swap3A_137 = vector.load %arg9[%swap3A, %swap3A_136] : memref<8x128xf32, #tpu.memory_space<vmem>>, vector<8x128xf32>
    tpu.vector_store %arg9[%swap3A, %swap3A_136], %add3A_135 {strides = array<i32>} : memref<8x128xf32, #tpu.memory_space<vmem>>, vector<8x128xf32>,
    return
  }
}

</mosaic_0001>

<sc_bundles>
// kernel: edge_gather.4.cloned.1.call-start
scs
__scs_entry_jumppad:
0x0: {  	(pc) =	sbr.rel $0x88, $3  }
0x1: {  	(tag) =	ssettag $0x0;
	lr =	simm.s32 $0x1  }
0x2: {  	[smem:$0x3F8E] =	sst lr;
	_ =	strace $0xD0000000  }
0x3: {  	_ = 	snop  }
0x4: {  	_ = 	snop  }
0x5: {  	_ = 	snop  }
0x6: {  	_ = 	snop  }
0x7: {  	_ = 	snop  }
__scs_overlays_trampoline_lowered:
0x8: {  	[smem:$0x3F9D] =	sst s0  }
0x9: {  	[smem:$0x3F9E] =	sst s1  }
0xa: {  	[smem:$0x3F9F] =	sst s2  }
0xb: {  	[smem:$0x3FA0] =	sst s3  }
0xc: {  	[smem:$0x3FA1] =	sst s4  }
0xd: {  	[smem:$0x3FA2] =	sst s5  }
0xe: {  	[smem:$0x3FA3] =	sst s6  }
0xf: {  	[smem:$0x3FA4] =	sst s7  }
0x10: {  	[smem:$0x3FA5] =	sst s8  }
0x11: {  	[smem:$0x3FA6] =	sst s9;
	s0 =	simm.s32 @!p0 $0x0  }
0x12: {  	s1 =	sld [smem:$0x3F8C];
	s0 =	simm.s32 @p0 $0x1  }
0x13: {  	[smem:$0x3FA7] =	sst s0;
	s0 =	simm.s32 @!p1 $0x0  }
0x14: {  	s2 =	sld [smem:$0x3F8B];
	s0 =	simm.s32 @p1 $0x1  }
0x15: {  	[smem:$0x3FA8] =	sst s0;
	s0 =	simm.s32 @!p2 $0x0  }
0x16: {  	s3 =	sld [smem:$0x3FDB];
	s0 =	simm.s32 @p2 $0x1  }
0x17: {  	s4 =	simm.s32 $0x1BF5;
	[smem:$0x3FAA] =	sst s0  }
0x18: {  	s0 =	sld [smem:$0x3F8D];
	_ =	swait.ge [sflag:s4], $0x0  }
0x19: {  	s7 =	sld [smem:$0x3F8E]  }
0x1a: {  	s8 =	sadd.s32 $0xFFFFE003, lr  }
0x1b: {  	s9 =	sadd.s32 $0xFFFFFEF7, lr;
	s5 =	simm.s32 $0xFFFFFFFF;
	p2 =	slt.u32 s8, $0xFFFFF086  }
0x1c: {  	p1 =	slt.u32 s9, $0xF7A;
	s5 =	simm.s32 @!p2 $0x0  }
0x1d: {  	s5 =	simm.s32 @p1 $0x1;
	p0 =	seq.s32 s7, s2  }
0x1e: {  	s7 =	smul.u32 @!p0 $0xF7A, s2;
	p2 =	seq.s32 @!p0 s5, $0x0  }
0x1f: {  	s9 =	smul.u32 $0xF7A, s1;
	s8 =	simm.s32 @!p0 $0x1BF5;
	p2 =	por !p2, p0  }
0x20: {  	[sflag:s8] =	ssyncset.s32 @!p0 $0xFFFFF086;
	s6 =	sadd.s32 @!p0 s3, s7;
	s7 =	simm.s32 @!p0 $0x108  }
0x21: {  	s3 =	sadd.s32 s3, s9;
	s6 =	sadd.s32 @!p0 $0x88, s6;
	s7 =	simm.s32 @p2 $0x1082  }
0x22: {  	[simem:s7], [sflag:s8] =	dma.local @!p0 [hbm:s6], $0xF7A  }
0x23: {  	s9 =	sor.u32 $0xD0000000, s2;
	s6 =	simm.s32 $0x108;
	_ =	swait.ge @!p0 [sflag:s8], $0x0  }
0x24: {  	s3 =	sadd.s32 $0x88, s3;
	s6 =	simm.s32 @!p1 $0x1082;
	[sflag:s4] =	ssyncset.s32 $0xFFFFF086  }
0x25: {  	[simem:s6], [sflag:s4] =	dma.local [hbm:s3], $0xF7A  }
0x26: {  	[smem:$0x3F8E] =	sst s1;
	(tag) =	ssettag s2;
	_ =	strace s9  }
0x27: {  	s1 =	sld [smem:$0x3F9E]  }
0x28: {  	s2 =	sld [smem:$0x3F9F]  }
0x29: {  	s4 =	sld [smem:$0x3FA1]  }
0x2a: {  	p0 =	seq.s32 s5, $0x0;
	s5 =	sld [smem:$0x3FA2]  }
0x2b: {  	s6 =	sld [smem:$0x3FA3]  }
0x2c: {  	s7 =	sld [smem:$0x3FA4]  }
0x2d: {  	s3 =	simm.s32 $0x108;
	s8 =	sld [smem:$0x3FA5]  }
0x2e: {  	s3 =	simm.s32 @!p0 $0x1082;
	s9 =	sld [smem:$0x3FA6]  }
0x2f: {  	lr =	sadd.s32 s0, s3;
	s0 =	sld [smem:$0x3F9D]  }
0x30: {  	s3 =	sld [smem:$0x3FA0]  }
0x31: {  	[smem:$0x3FA9] =	sst s10  }
0x32: {  	s10 =	sld [smem:$0x3FA7];
	_ =	sdelay $0x3  }
0x33: {  	p0 =	seq.s32 s10, $0x1;
	s10 =	sld [smem:$0x3FA9];
	_ =	sdelay $0x3  }
0x34: {  	[smem:$0x3FA9] =	sst s10  }
0x35: {  	s10 =	sld [smem:$0x3FA8];
	_ =	sdelay $0x3  }
0x36: {  	p1 =	seq.s32 s10, $0x1;
	s10 =	sld [smem:$0x3FA9];
	_ =	sdelay $0x3  }
0x37: {  	[smem:$0x3FA9] =	sst s10  }
0x38: {  	s10 =	sld [smem:$0x3FAA]  }
0x39: {  	_ = 	snop;
	(pc) =	sbr.ind lr, $3  }
0x3a: {  	_ = 	snop  }
0x3b: {  	_ = 	snop  }
0x3c: {  	p2 =	seq.s32 s10, $0x1;
	s10 =	sld [smem:$0x3FA9]  }
0x3d: {  	_ =	shalt  }
0x3e: {  	_ =	shalt  }
0x3f: {  	_ =	shalt  }
0x40: {  	_ =	shalt  }
0x41: {  	_ =	shalt  }
0x42: {  	_ =	shalt  }
0x43: {  	_ =	shalt  }
0x44: {  	_ =	shalt  }
0x45: {  	_ =	shalt  }
0x46: {  	_ =	shalt  }
0x47: {  	_ =	shalt  }
0x48: {  	_ =	shalt  }
0x49: {  	_ =	shalt  }
0x4a: {  	_ =	shalt  }
0x4b: {  	_ =	shalt  }
0x4c: {  	_ =	shalt  }
0x4d: {  	_ =	shalt  }
0x4e: {  	_ =	shalt  }
0x4f: {  	_ =	shalt  }
0x50: {  	_ =	shalt  }
0x51: {  	_ =	shalt  }
0x52: {  	_ =	shalt  }
0x53: {  	_ =	shalt  }
0x54: {  	_ =	shalt  }
0x55: {  	_ =	shalt  }
0x56: {  	_ =	shalt  }
0x57: {  	_ =	shalt  }
0x58: {  	_ =	shalt  }
0x59: {  	_ =	shalt  }
0x5a: {  	_ =	shalt  }
0x5b: {  	_ =	shalt  }
0x5c: {  	_ =	shalt  }
0x5d: {  	_ =	shalt  }
0x5e: {  	_ =	shalt  }
0x5f: {  	_ =	shalt  }
0x60: {  	_ =	shalt  }
0x61: {  	_ =	shalt  }
0x62: {  	_ =	shalt  }
0x63: {  	_ =	shalt  }
0x64: {  	_ =	shalt  }
0x65: {  	_ =	shalt  }
0x66: {  	_ =	shalt  }
0x67: {  	_ =	shalt  }
0x68: {  	_ =	shalt  }
0x69: {  	_ =	shalt  }
0x6a: {  	_ =	shalt  }
0x6b: {  	_ =	shalt  }
0x6c: {  	_ =	shalt  }
0x6d: {  	_ =	shalt  }
0x6e: {  	_ =	shalt  }
0x6f: {  	_ =	shalt  }
0x70: {  	_ =	shalt  }
0x71: {  	_ =	shalt  }
0x72: {  	_ =	shalt  }
0x73: {  	_ =	shalt  }
0x74: {  	_ =	shalt  }
0x75: {  	_ =	shalt  }
0x76: {  	_ =	shalt  }
0x77: {  	_ =	shalt  }
0x78: {  	_ =	shalt  }
0x79: {  	_ =	shalt  }
0x7a: {  	_ =	shalt  }
0x7b: {  	_ =	shalt  }
0x7c: {  	_ =	shalt  }
0x7d: {  	_ =	shalt  }
0x7e: {  	_ =	shalt  }
0x7f: {  	_ =	shalt  }
0x80: {  	_ =	shalt  }
0x81: {  	_ =	shalt  }
0x82: {  	_ =	shalt  }
0x83: {  	_ =	shalt  }
0x84: {  	_ =	shalt  }
0x85: {  	_ =	shalt  }
0x86: {  	_ =	shalt  }
0x87: {  	_ =	shalt  }
.Lfunc_end0:
.L_simem_size_0:
called_computation_lowered:
.L_overlay_start_0:
0x88: {  	s2 =	sld [smem:$0x3FD9]  }
0x89: {  	s3 =	sld [smem:$0x3FFE];
	_ =	sdelay $0x1  }
0x8a: {  	s1 =	srdreg.scid  }
0x8b: {  	s0 =	sand.u32 $0x1, s1  }
0x8c: {  	s14 =	sshll.u32 s0, $0xA;
	s2 =	sadd.s32 s3, s2  }
0x8d: {  	s2 =	sadd.s32 s2, s14  }
0x8e: {  	[smem:$0x3FB5] =	sst s2  }
0x8f: {  	_ = 	snop  }
0x90: {  	s2 =	sld [smem:$0x3FD0];
	_ =	sdelay $0x2  }
0x91: {  	s15 =	simm.s32 $0xB;
	s4 =	simm.s32 $0x10  }
0x92: {  	[smem:s4], [sflag:s15] =	dma.local [hbm:s2], $0x1  }
0x93: {  	_ =	swait.eq [sflag:s15], $0x1  }
0x94: {  	[sflag:s15] =	ssyncset.done $0x0  }
0x95: {  	[sflag:s15] =	ssyncadd.s32 $0xFFFFFFFF  }
0x96: {  	s16 =	sld [smem:$0x11];
	(tm) =	ssettm $0x1  }
0x97: {  	s17 =	sld [smem:$0x3FFB];
	_ =	sdelay $0x3  }
0x98: {  	_ =	strace s17  }
0x99: {  	s3 =	sld [smem:$0x3FFC];
	_ =	sdelay $0x3  }
0x9a: {  	_ =	strace s3  }
0x9b: {  	s3 =	sld [smem:$0x3FFD];
	_ =	sdelay $0x3  }
0x9c: {  	_ =	strace s3  }
0x9d: {  	_ =	strace $0x8FFFFFFF  }
0x9e: {  	s18 =	sld [smem:$0x3FDB];
	_ =	sdelay $0x1  }
0x9f: {  	s19 =	simm.s32 $_scs_section_size  }
0xa0: {  	s5 =	simm.s32 $_size__tile_overlayer_lowered;
	s6 =	simm.s32 $_tile_overlayer_lowered  }
0xa1: {  	s22 =	simm.s32 $0x1BFF;
	s21 =	sshll.u32 s6, $0x1;
	s3 =	sadd.s32 s19, s18  }
0xa2: {  	s7 =	simm.s32 $0x0;
	s20 =	sshll.u32 s5, $0x1;
	s5 =	sadd.s32 s21, s3  }
0xa3: {  	[timem:s7], [sflag:s22] =	dma.local [hbm:s5], s20  }
0xa4: {  	_ =	swait.ge [sflag:s22], s20  }
0xa5: {  	s4 =	ssub.s32 $0x0, s20;
	[sflag:s22] =	ssyncset.done $0x0  }
0xa6: {  	[sflag:s22] =	ssyncadd.s32 s4;
	_ =	sdelay $0x1  }
0xa7: {  	s23 =	simm.s32 $0x1B8B  }
0xa8: {  	_ =	swait.ge [sflag:s23], $0x1  }
0xa9: {  	[sflag:s23] =	ssyncset.done $0x0  }
0xaa: {  	s25 =	simm.s32 $0x1B8E;
	s24 =	sld [smem:$0x3FFE];
	[sflag:s23] =	ssyncadd.s32 $0xFFFFFFFF  }
0xab: {  	s26 =	simm.s32 $execute0_lowered;
	[smem:$0x3FD2] =	sst s25  }
0xac: {  	s5 =	sshll.u32 s26, $0x1;
	_ =	strace $0x80000046;
	[dreg:$0x1] =	wrdreg $0xFFFFFFFF  }
0xad: {  	s28 =	simm.s32 $_size_execute0_lowered;
	s3 =	sadd.s32 s3, s5;
	[dreg:$0x0] =	wrdreg $0x0  }
0xae: {  	s5 =	sshll.u32 s28, $0x1;
	[dreg:$0x2] =	wrdreg s3  }
0xaf: {  	[dreg:$0x3] =	wrdreg s5  }
0xb0: {  	[dreg:$0x4] =	wrdreg $0xC0  }
0xb1: {  	_ =	task [dreg:s7], $0x5FFFF  }
0xb2: {  	[dreg:$0x1] =	wrdreg $0xFFFFFFFF  }
0xb3: {  	[dreg:$0x0] =	wrdreg $0x60  }
0xb4: {  	[dreg:$0x2] =	wrdreg s24  }
0xb5: {  	[dreg:$0x3] =	wrdreg s16  }
0xb6: {  	[dreg:$0x4] =	wrdreg $0x9  }
0xb7: {  	_ =	task.clear_ibuf [dreg:s7], $0x5FFFF;
	_ =	strace $0x90000046  }
0xb8: {  	s29 =	simm.s32 $0x9;
	_ =	strace $0x80000048  }
0xb9: {  	_ =	swait.ge [sflag:s29], $0x1  }
0xba: {  	[sflag:s29] =	ssyncadd.s32 $0xFFFFFFFF  }
0xbb: {  	_ =	strace $0x90000048  }
0xbc: {  	_ =	sfence  }
0xbd: {  	s30 =	sld [smem:$0x0];
	_ =	sdelay $0x2  }
0xbe: {  	s31 =	sshll.u32 s1, $0xD;
	s1 =	sshrl.u32 s1, $0x2  }
0xbf: {  	s3 =	sand.u32 $0x4000, s31;
	s1 =	sadd.s32 s1, s30  }
0xc0: {  	s0 =	sor.u32 s3, s0;
	s1 =	sshll.u32 s1, $0x11  }
0xc1: {  	s0 =	sor.u32 s1, s0  }
0xc2: {  	s0 =	sadd.s32 $0x8F2B, s0  }
0xc3: {  	[sflag:s0] =	ssyncadd.remote.s32 $0x1  }
0xc4: {  	_ =	sfence.sel $0xFFFF  }
0xc5: {  	[dreg:$0x0] =	wrdreg $0xFFFFFFFF;
	(pc) =	sbr.abs _section_cstart, $3  }
0xc6: {  	[dreg:$0x1] =	wrdreg $0xFFFFFFFF  }
0xc7: {  	_ =	task.clear_ibuf [dreg:s7], $0x2FFFF;
	_ =	strace $0x9FFFFFFF  }
0xc8: {  	(tm) =	ssettm $0x7FFFFFFF  }
0xc9: {  	_ =	shalt  }
tec
execute0_lowered:
.L_overlay_start_1:
0x0: {  	(tag) =	ssettag $0x1  }
0x1: {  	s5 =	rddreg [dreg:$0x0]  }
0x2: {  	s12 =	rddreg [dreg:$0x1];
	s1 =	srdreg.scid  }
0x3: {  	s0 =	rddreg [dreg:$0x2];
	s2 =	simm.s32 $0x0;
	s16 =	simm.s32 $0x4100  }
0x4: {  	s17 =	simm.s32 $0x1;
	s18 =	simm.s32 $0x2;
	s19 =	simm.s32 $0x0  }
0x5: {  	s6 =	sand.u32 $0x1, s1;
	[smem:$0x7FF] =	sst s2;
	s1 =	stileid.u32  }
0x6: {  	s3 =	sadd.s32 $0x32400, s5;
	s11 =	sadd.s32 $0x2D400, s5;
	s9 =	smul.u32 $0x138800, s6  }
0x7: {  	s8 =	sadd.s32 $0x80800, s5;
	s4 =	sshll.u32 s6, $0x4;
	s14 =	smul.u32 $0x13880, s1  }
0x8: {  	_ =	strace $0x80000047;
	s26 =	ssub.s32 $0x2, s6;
	s28 =	smul.u32 $0x13880, s6  }
0x9: {  	s15 =	smul.u32 $0x1388, s1;
	s7 =	sor.u32 s1, s4;
	s10 =	sshrl.u32 s26, $0x1  }
0xa: {  	s4 =	sadd.s32 $0x59600, s5;
	s7 =	smul.u32 $0x1388, s7;
	s5 =	ssub.s32 s26, s10  }
0xb: {  	s9 =	sadd.s32 s9, s8;
	s30 =	sadd.s32 s15, s28;
	s15 =	simm.s32 $0x100  }
0xc: {  	s5 =	smax.u32 s5, $0x1;
	s29 =	sadd.s32 s14, s9;
	s13 =	sadd.s32 $0x1308, s7  }
0xd: {  	s31 =	sshrl.u32 s30, $0x3;
	s14 =	simm.s32 $0x80;
	s7 =	sshrl.u32 s13, $0x3  }
0xe: {  	s10 =	sadd.s32 $0x271000, s29;
	s13 =	sshll.u32 s13, $0x4;
	s6 =	sadd.s32 s12, s7  }
0xf: {  	s7 =	sadd.s32 s11, s7;
	s8 =	sadd.s32 s8, s13;
	s11 =	sadd.s32 s31, s11  }
0x10: {  	s12 =	sadd.s32 s31, s12;
	s13 =	simm.s32 $0x3;
	s9 =	sadd.s32 $0x271000, s8  }
.LBB2_1:
0x11: {  	s20 =	sadd.s32 $0x0, s12  }
0x12: {  	[tilespmem:s2], [sflag:$0x3] =	stream.linear.gather [hbm4b:s20+s2], $0x80, $0x38;
	[tilespmem:$0x8100] =	vst v63  }
0x13: {  	_ =	swait.ge [sflag:s13], $0x80  }
0x14: {  	[sflag:s13] =	ssyncset.done $0x0  }
0x15: {  	s30 =	sadd.s32 $0x0, s11;
	[sflag:s13] =	ssyncadd.s32 $0xFFFFFF80  }
0x16: {  	[tilespmem:s14], [sflag:$0x3] =	stream.linear.gather [hbm4b:s30+s2], $0x80, $0x38;
	[tilespmem:$0x8100] =	vst v63  }
0x17: {  	_ =	swait.ge [sflag:s13], $0x80  }
0x18: {  	[sflag:s13] =	ssyncset.done $0x0  }
0x19: {  	[sflag:s13] =	ssyncadd.s32 $0xFFFFFF80  }
0x1a: {  	[tilespmem:s15], [sflag:$0x1] =	stream.indirect.gather [hbm4b:s3+s14], $0x80, s2, s14, $0xb8;
	[tilespmem:$0x8100] =	vst v63  }
0x1b: {  	_ = 	snop  }
0x1c: {  	[tilespmem:s16], [sflag:$0x2] =	stream.indirect.gather [hbm4b:s4+s14], $0x80, s14, s14, $0xb8;
	[tilespmem:$0x8100] =	vst v63  }
0x1d: {  	_ =	swait.ge [sflag:s17], $0x4000  }
0x1e: {  	[sflag:s17] =	ssyncset.done $0x0  }
0x1f: {  	[sflag:s17] =	ssyncadd.s32 $0xFFFFC000  }
0x20: {  	_ =	swait.ge [sflag:s18], $0x4000  }
0x21: {  	[sflag:s18] =	ssyncset.done $0x0  }
0x22: {  	s31 =	sadd.s32 $0xFFD8F000, s10;
	[sflag:s18] =	ssyncadd.s32 $0xFFFFC000  }
0x23: {  	[hbm4b:s31+s2] =	stream.linear.scatter [tilespmem:s15], [sflag:$0x3], $0x4000, $0x38;
	[tilespmem:$0x8100] =	vst v63  }
0x24: {  	_ =	swait.ge [sflag:s13], $0x4000  }
0x25: {  	[sflag:s13] =	ssyncset.done $0x0  }
0x26: {  	[sflag:s13] =	ssyncadd.s32 $0xFFFFC000  }
0x27: {  	[hbm4b:s10+s2] =	stream.linear.scatter [tilespmem:s16], [sflag:$0x3], $0x4000, $0x38;
	[tilespmem:$0x8100] =	vst v63  }
0x28: {  	s21 =	simm.s32 $0x10;
	_ =	swait.ge [sflag:s13], $0x4000  }
0x29: {  	s22 =	simm.s32 $0x20;
	s20 =	sadd.s32 $0x800, s10;
	[sflag:s13] =	ssyncset.done $0x0  }
.LBB2_2:
0x2a: {  	s23 =	sadd.s32 s21, s12  }
0x2b: {  	[sflag:s13] =	ssyncadd.s32 $0xFFFFC000;
	s24 =	smov.u32 s22;
	s25 =	sadd.s32 $0x10, s22  }
0x2c: {  	[tilespmem:s2], [sflag:$0x3] =	stream.linear.gather [hbm4b:s23+s2], $0x80, $0x38;
	[tilespmem:$0x8100] =	vst v63  }
0x2d: {  	p0 =	sne.s32 s22, $0x260;
	_ =	swait.ge [sflag:s13], $0x80  }
0x2e: {  	[sflag:s13] =	ssyncset.done $0x0  }
0x2f: {  	s22 =	sadd.s32 s21, s11;
	s21 =	smov.u32 s24;
	[sflag:s13] =	ssyncadd.s32 $0xFFFFFF80  }
0x30: {  	[tilespmem:s14], [sflag:$0x3] =	stream.linear.gather [hbm4b:s22+s2], $0x80, $0x38;
	[tilespmem:$0x8100] =	vst v63  }
0x31: {  	_ =	swait.ge [sflag:s13], $0x80  }
0x32: {  	[sflag:s13] =	ssyncset.done $0x0  }
0x33: {  	[sflag:s13] =	ssyncadd.s32 $0xFFFFFF80  }
0x34: {  	[tilespmem:s15], [sflag:$0x1] =	stream.indirect.gather [hbm4b:s3+s14], $0x80, s2, s14, $0xb8;
	[tilespmem:$0x8100] =	vst v63  }
0x35: {  	_ = 	snop  }
0x36: {  	[tilespmem:s16], [sflag:$0x2] =	stream.indirect.gather [hbm4b:s4+s14], $0x80, s14, s14, $0xb8;
	[tilespmem:$0x8100] =	vst v63  }
0x37: {  	_ =	swait.ge [sflag:s17], $0x4000  }
0x38: {  	[sflag:s17] =	ssyncset.done $0x0  }
0x39: {  	[sflag:s17] =	ssyncadd.s32 $0xFFFFC000  }
0x3a: {  	_ =	swait.ge [sflag:s18], $0x4000  }
0x3b: {  	[sflag:s18] =	ssyncset.done $0x0  }
0x3c: {  	s22 =	sadd.s32 $0xFFD8F000, s20;
	[sflag:s18] =	ssyncadd.s32 $0xFFFFC000  }
0x3d: {  	[hbm4b:s22+s2] =	stream.linear.scatter [tilespmem:s15], [sflag:$0x3], $0x4000, $0x38;
	[tilespmem:$0x8100] =	vst v63  }
0x3e: {  	_ =	swait.ge [sflag:s13], $0x4000  }
.Ltmp0:
0x3f: {  	[sflag:s13] =	ssyncset.done $0x0;
	(pc) =	sbr.rel @p0 .LBB2_2-.Ltmp0, $4  }
0x40: {  	[sflag:s13] =	ssyncadd.s32 $0xFFFFC000  }
0x41: {  	[hbm4b:s20+s2] =	stream.linear.scatter [tilespmem:s16], [sflag:$0x3], $0x4000, $0x38;
	[tilespmem:$0x8100] =	vst v63  }
0x42: {  	_ =	swait.ge [sflag:s13], $0x4000  }
0x43: {  	s22 =	smov.u32 s25;
	s20 =	sadd.s32 $0x800, s20;
	[sflag:s13] =	ssyncset.done $0x0  }
0x44: {  	s22 =	sadd.s32 s21, s12;
	[sflag:s13] =	ssyncadd.s32 $0xFFFFC000  }
0x45: {  	[tilespmem:s2], [sflag:$0x3] =	stream.linear.gather [hbm4b:s22+s2], $0x80, $0x38;
	[tilespmem:$0x8100] =	vst v63  }
0x46: {  	_ =	swait.ge [sflag:s13], $0x80  }
0x47: {  	[sflag:s13] =	ssyncset.done $0x0  }
0x48: {  	s30 =	sadd.s32 s21, s11;
	[sflag:s13] =	ssyncadd.s32 $0xFFFFFF80  }
0x49: {  	[tilespmem:s14], [sflag:$0x3] =	stream.linear.gather [hbm4b:s30+s2], $0x80, $0x38;
	[tilespmem:$0x8100] =	vst v63  }
0x4a: {  	_ =	swait.ge [sflag:s13], $0x80  }
0x4b: {  	[sflag:s13] =	ssyncset.done $0x0  }
0x4c: {  	[sflag:s13] =	ssyncadd.s32 $0xFFFFFF80  }
0x4d: {  	[tilespmem:s15], [sflag:$0x1] =	stream.indirect.gather [hbm4b:s3+s14], $0x80, s2, s14, $0xb8;
	[tilespmem:$0x8100] =	vst v63  }
0x4e: {  	_ = 	snop  }
0x4f: {  	[tilespmem:s16], [sflag:$0x2] =	stream.indirect.gather [hbm4b:s4+s14], $0x80, s14, s14, $0xb8;
	[tilespmem:$0x8100] =	vst v63  }
0x50: {  	_ =	swait.ge [sflag:s17], $0x4000  }
0x51: {  	[sflag:s17] =	ssyncset.done $0x0  }
0x52: {  	[sflag:s17] =	ssyncadd.s32 $0xFFFFC000  }
0x53: {  	_ =	swait.ge [sflag:s18], $0x4000  }
0x54: {  	[sflag:s18] =	ssyncset.done $0x0  }
0x55: {  	s31 =	sadd.s32 $0xFFD8F000, s20;
	[sflag:s18] =	ssyncadd.s32 $0xFFFFC000  }
0x56: {  	[hbm4b:s31+s2] =	stream.linear.scatter [tilespmem:s15], [sflag:$0x3], $0x4000, $0x38;
	[tilespmem:$0x8100] =	vst v63  }
0x57: {  	_ =	swait.ge [sflag:s13], $0x4000  }
0x58: {  	[sflag:s13] =	ssyncset.done $0x0  }
0x59: {  	[sflag:s13] =	ssyncadd.s32 $0xFFFFC000  }
0x5a: {  	[hbm4b:s20+s2] =	stream.linear.scatter [tilespmem:s16], [sflag:$0x3], $0x4000, $0x38;
	[tilespmem:$0x8100] =	vst v63  }
0x5b: {  	_ =	swait.ge [sflag:s13], $0x4000  }
0x5c: {  	[sflag:s13] =	ssyncset.done $0x0  }
0x5d: {  	[sflag:s13] =	ssyncadd.s32 $0xFFFFC000  }
0x5e: {  	[tilespmem:s2], [sflag:$0x3] =	stream.linear.gather [hbm4b:s6+s2], $0x80, $0x38;
	[tilespmem:$0x8100] =	vst v63  }
0x5f: {  	_ =	swait.ge [sflag:s13], $0x80  }
0x60: {  	[sflag:s13] =	ssyncset.done $0x0  }
0x61: {  	[sflag:s13] =	ssyncadd.s32 $0xFFFFFF80  }
0x62: {  	[tilespmem:s14], [sflag:$0x3] =	stream.linear.gather [hbm4b:s7+s2], $0x80, $0x38;
	[tilespmem:$0x8100] =	vst v63  }
0x63: {  	_ =	swait.ge [sflag:s13], $0x80  }
0x64: {  	[sflag:s13] =	ssyncset.done $0x0  }
0x65: {  	[sflag:s13] =	ssyncadd.s32 $0xFFFFFF80  }
0x66: {  	[tilespmem:s15], [sflag:$0x1] =	stream.indirect.gather [hbm4b:s3+s14], $0x80, s2, s14, $0xb8;
	[tilespmem:$0x8100] =	vst v63  }
0x67: {  	_ = 	snop  }
0x68: {  	[tilespmem:s16], [sflag:$0x2] =	stream.indirect.gather [hbm4b:s4+s14], $0x80, s14, s14, $0xb8;
	[tilespmem:$0x8100] =	vst v63  }
0x69: {  	_ =	swait.ge [sflag:s17], $0x4000  }
0x6a: {  	[sflag:s17] =	ssyncset.done $0x0  }
0x6b: {  	[sflag:s17] =	ssyncadd.s32 $0xFFFFC000  }
0x6c: {  	_ =	swait.ge [sflag:s18], $0x4000  }
0x6d: {  	[sflag:s18] =	ssyncset.done $0x0  }
0x6e: {  	[sflag:s18] =	ssyncadd.s32 $0xFFFFC000  }
0x6f: {  	[hbm4b:s8+s2] =	stream.linear.scatter [tilespmem:s15], [sflag:$0x3], $0x4000, $0x38;
	[tilespmem:$0x8100] =	vst v63  }
0x70: {  	s19 =	sadd.s32 $0x1, s19;
	_ =	swait.ge [sflag:s13], $0x4000  }
0x71: {  	p0 =	sne.s32 s19, s5;
	[sflag:s13] =	ssyncset.done $0x0  }
.Ltmp1:
0x72: {  	[sflag:s13] =	ssyncadd.s32 $0xFFFFC000;
	(pc) =	sbr.rel @p0 .LBB2_1-.Ltmp1, $4  }
0x73: {  	[hbm4b:s9+s2] =	stream.linear.scatter [tilespmem:s16], [sflag:$0x3], $0x4000, $0x38;
	[tilespmem:$0x8100] =	vst v63  }
0x74: {  	_ =	swait.ge [sflag:s13], $0x4000  }
0x75: {  	[sflag:s13] =	ssyncset.done $0x0  }
0x76: {  	[sflag:s13] =	ssyncadd.s32 $0xFFFFC000  }
0x77: {  	_ =	sfence.sel $0x180000  }
0x78: {  	[bflag:$0x0] =	sbarrier.arrive $0xFFFF  }
0x79: {  	p0 =	sne.s32 s1, $0x0;
	_ =	strace $0x90000047  }
0x7a: {  	s0 =	sadd.s32 @!p0 $0x100000, s0;
	[bflag:$0x2] =	sbarrier.arrive $0xFFFF  }
0x7b: {  	[sflag:s0] =	ssyncadd.tile.s32 @!p0 $0x1;
	_ =	shalt  }
.Lfunc_end2:
_tile_overlayer_lowered:
.L_overlay_start_2:
0x7c: {  	(tag) =	ssettag $0x2  }
0x7d: {  	s0 =	rddreg [dreg:$0x0];
	s2 =	stileid.u32  }
0x7e: {  	s1 =	rddreg [dreg:$0x1];
	p0 =	sne.s32 s2, $0x0  }
0x7f: {  	s3 =	rddreg [dreg:$0x2];
	[bflag:$0x3] =	sbarrier.arrive $0xFFFF;
	s2 =	simm.s32 @!p0 $0x1C03  }
0x80: {  	[timem:s3], [sflag:s2] =	dma.local @!p0 [hbm:s0], s1  }
0x81: {  	s0 =	simm.s32 @!p0 $0x3  }
0x82: {  	_ =	swait.ge @!p0 [sflag:s0], s1  }
0x83: {  	s1 =	ssub.s32 @!p0 $0x0, s1;
	[sflag:s0] =	ssyncset.done @!p0 $0x0  }
0x84: {  	[sflag:s0] =	ssyncadd.s32 @!p0 s1  }
0x85: {  	[bflag:$0x3] =	sbarrier.arrive $0xFFFF  }
0x86: {  	_ =	shalt  }

// kernel: edge_gather.7.cloned.1.call-start
scs
__scs_entry_jumppad:
0x0: {  	(pc) =	sbr.rel $0x88, $3  }
0x1: {  	(tag) =	ssettag $0x0;
	lr =	simm.s32 $0x1  }
0x2: {  	[smem:$0x3F8E] =	sst lr;
	_ =	strace $0xD0000000  }
0x3: {  	_ = 	snop  }
0x4: {  	_ = 	snop  }
0x5: {  	_ = 	snop  }
0x6: {  	_ = 	snop  }
0x7: {  	_ = 	snop  }
__scs_overlays_trampoline_lowered:
0x8: {  	[smem:$0x3F9D] =	sst s0  }
0x9: {  	[smem:$0x3F9E] =	sst s1  }
0xa: {  	[smem:$0x3F9F] =	sst s2  }
0xb: {  	[smem:$0x3FA0] =	sst s3  }
0xc: {  	[smem:$0x3FA1] =	sst s4  }
0xd: {  	[smem:$0x3FA2] =	sst s5  }
0xe: {  	[smem:$0x3FA3] =	sst s6  }
0xf: {  	[smem:$0x3FA4] =	sst s7  }
0x10: {  	[smem:$0x3FA5] =	sst s8  }
0x11: {  	[smem:$0x3FA6] =	sst s9;
	s0 =	simm.s32 @!p0 $0x0  }
0x12: {  	s1 =	sld [smem:$0x3F8C];
	s0 =	simm.s32 @p0 $0x1  }
0x13: {  	[smem:$0x3FA7] =	sst s0;
	s0 =	simm.s32 @!p1 $0x0  }
0x14: {  	s2 =	sld [smem:$0x3F8B];
	s0 =	simm.s32 @p1 $0x1  }
0x15: {  	[smem:$0x3FA8] =	sst s0;
	s0 =	simm.s32 @!p2 $0x0  }
0x16: {  	s3 =	sld [smem:$0x3FDB];
	s0 =	simm.s32 @p2 $0x1  }
0x17: {  	s4 =	simm.s32 $0x1BF5;
	[smem:$0x3FAA] =	sst s0  }
0x18: {  	s0 =	sld [smem:$0x3F8D];
	_ =	swait.ge [sflag:s4], $0x0  }
0x19: {  	s7 =	sld [smem:$0x3F8E]  }
0x1a: {  	s8 =	sadd.s32 $0xFFFFE003, lr  }
0x1b: {  	s9 =	sadd.s32 $0xFFFFFEF7, lr;
	s5 =	simm.s32 $0xFFFFFFFF;
	p2 =	slt.u32 s8, $0xFFFFF086  }
0x1c: {  	p1 =	slt.u32 s9, $0xF7A;
	s5 =	simm.s32 @!p2 $0x0  }
0x1d: {  	s5 =	simm.s32 @p1 $0x1;
	p0 =	seq.s32 s7, s2  }
0x1e: {  	s7 =	smul.u32 @!p0 $0xF7A, s2;
	p2 =	seq.s32 @!p0 s5, $0x0  }
0x1f: {  	s9 =	smul.u32 $0xF7A, s1;
	s8 =	simm.s32 @!p0 $0x1BF5;
	p2 =	por !p2, p0  }
0x20: {  	[sflag:s8] =	ssyncset.s32 @!p0 $0xFFFFF086;
	s6 =	sadd.s32 @!p0 s3, s7;
	s7 =	simm.s32 @!p0 $0x108  }
0x21: {  	s3 =	sadd.s32 s3, s9;
	s6 =	sadd.s32 @!p0 $0x88, s6;
	s7 =	simm.s32 @p2 $0x1082  }
0x22: {  	[simem:s7], [sflag:s8] =	dma.local @!p0 [hbm:s6], $0xF7A  }
0x23: {  	s9 =	sor.u32 $0xD0000000, s2;
	s6 =	simm.s32 $0x108;
	_ =	swait.ge @!p0 [sflag:s8], $0x0  }
0x24: {  	s3 =	sadd.s32 $0x88, s3;
	s6 =	simm.s32 @!p1 $0x1082;
	[sflag:s4] =	ssyncset.s32 $0xFFFFF086  }
0x25: {  	[simem:s6], [sflag:s4] =	dma.local [hbm:s3], $0xF7A  }
0x26: {  	[smem:$0x3F8E] =	sst s1;
	(tag) =	ssettag s2;
	_ =	strace s9  }
0x27: {  	s1 =	sld [smem:$0x3F9E]  }
0x28: {  	s2 =	sld [smem:$0x3F9F]  }
0x29: {  	s4 =	sld [smem:$0x3FA1]  }
0x2a: {  	p0 =	seq.s32 s5, $0x0;
	s5 =	sld [smem:$0x3FA2]  }
0x2b: {  	s6 =	sld [smem:$0x3FA3]  }
0x2c: {  	s7 =	sld [smem:$0x3FA4]  }
0x2d: {  	s3 =	simm.s32 $0x108;
	s8 =	sld [smem:$0x3FA5]  }
0x2e: {  	s3 =	simm.s32 @!p0 $0x1082;
	s9 =	sld [smem:$0x3FA6]  }
0x2f: {  	lr =	sadd.s32 s0, s3;
	s0 =	sld [smem:$0x3F9D]  }
0x30: {  	s3 =	sld [smem:$0x3FA0]  }
0x31: {  	[smem:$0x3FA9] =	sst s10  }
0x32: {  	s10 =	sld [smem:$0x3FA7];
	_ =	sdelay $0x3  }
0x33: {  	p0 =	seq.s32 s10, $0x1;
	s10 =	sld [smem:$0x3FA9];
	_ =	sdelay $0x3  }
0x34: {  	[smem:$0x3FA9] =	sst s10  }
0x35: {  	s10 =	sld [smem:$0x3FA8];
	_ =	sdelay $0x3  }
0x36: {  	p1 =	seq.s32 s10, $0x1;
	s10 =	sld [smem:$0x3FA9];
	_ =	sdelay $0x3  }
0x37: {  	[smem:$0x3FA9] =	sst s10  }
0x38: {  	s10 =	sld [smem:$0x3FAA]  }
0x39: {  	_ = 	snop;
	(pc) =	sbr.ind lr, $3  }
0x3a: {  	_ = 	snop  }
0x3b: {  	_ = 	snop  }
0x3c: {  	p2 =	seq.s32 s10, $0x1;
	s10 =	sld [smem:$0x3FA9]  }
0x3d: {  	_ =	shalt  }
0x3e: {  	_ =	shalt  }
0x3f: {  	_ =	shalt  }
0x40: {  	_ =	shalt  }
0x41: {  	_ =	shalt  }
0x42: {  	_ =	shalt  }
0x43: {  	_ =	shalt  }
0x44: {  	_ =	shalt  }
0x45: {  	_ =	shalt  }
0x46: {  	_ =	shalt  }
0x47: {  	_ =	shalt  }
0x48: {  	_ =	shalt  }
0x49: {  	_ =	shalt  }
0x4a: {  	_ =	shalt  }
0x4b: {  	_ =	shalt  }
0x4c: {  	_ =	shalt  }
0x4d: {  	_ =	shalt  }
0x4e: {  	_ =	shalt  }
0x4f: {  	_ =	shalt  }
0x50: {  	_ =	shalt  }
0x51: {  	_ =	shalt  }
0x52: {  	_ =	shalt  }
0x53: {  	_ =	shalt  }
0x54: {  	_ =	shalt  }
0x55: {  	_ =	shalt  }
0x56: {  	_ =	shalt  }
0x57: {  	_ =	shalt  }
0x58: {  	_ =	shalt  }
0x59: {  	_ =	shalt  }
0x5a: {  	_ =	shalt  }
0x5b: {  	_ =	shalt  }
0x5c: {  	_ =	shalt  }
0x5d: {  	_ =	shalt  }
0x5e: {  	_ =	shalt  }
0x5f: {  	_ =	shalt  }
0x60: {  	_ =	shalt  }
0x61: {  	_ =	shalt  }
0x62: {  	_ =	shalt  }
0x63: {  	_ =	shalt  }
0x64: {  	_ =	shalt  }
0x65: {  	_ =	shalt  }
0x66: {  	_ =	shalt  }
0x67: {  	_ =	shalt  }
0x68: {  	_ =	shalt  }
0x69: {  	_ =	shalt  }
0x6a: {  	_ =	shalt  }
0x6b: {  	_ =	shalt  }
0x6c: {  	_ =	shalt  }
0x6d: {  	_ =	shalt  }
0x6e: {  	_ =	shalt  }
0x6f: {  	_ =	shalt  }
0x70: {  	_ =	shalt  }
0x71: {  	_ =	shalt  }
0x72: {  	_ =	shalt  }
0x73: {  	_ =	shalt  }
0x74: {  	_ =	shalt  }
0x75: {  	_ =	shalt  }
0x76: {  	_ =	shalt  }
0x77: {  	_ =	shalt  }
0x78: {  	_ =	shalt  }
0x79: {  	_ =	shalt  }
0x7a: {  	_ =	shalt  }
0x7b: {  	_ =	shalt  }
0x7c: {  	_ =	shalt  }
0x7d: {  	_ =	shalt  }
0x7e: {  	_ =	shalt  }
0x7f: {  	_ =	shalt  }
0x80: {  	_ =	shalt  }
0x81: {  	_ =	shalt  }
0x82: {  	_ =	shalt  }
0x83: {  	_ =	shalt  }
0x84: {  	_ =	shalt  }
0x85: {  	_ =	shalt  }
0x86: {  	_ =	shalt  }
0x87: {  	_ =	shalt  }
.Lfunc_end0:
.L_simem_size_0:
called_computation.2_lowered:
.L_overlay_start_0:
0x88: {  	s2 =	sld [smem:$0x3FD9]  }
0x89: {  	s3 =	sld [smem:$0x3FFE];
	_ =	sdelay $0x1  }
0x8a: {  	s1 =	srdreg.scid  }
0x8b: {  	s0 =	sand.u32 $0x1, s1  }
0x8c: {  	s17 =	sshll.u32 s0, $0xA;
	s2 =	sadd.s32 s3, s2  }
0x8d: {  	s2 =	sadd.s32 s2, s17  }
0x8e: {  	[smem:$0x3FB5] =	sst s2  }
0x8f: {  	_ = 	snop  }
0x90: {  	(tm) =	ssettm $0x1  }
0x91: {  	s18 =	sld [smem:$0x3FFB];
	_ =	sdelay $0x3  }
0x92: {  	_ =	strace s18  }
0x93: {  	s2 =	sld [smem:$0x3FFC];
	_ =	sdelay $0x3  }
0x94: {  	_ =	strace s2  }
0x95: {  	s2 =	sld [smem:$0x3FFD];
	_ =	sdelay $0x3  }
0x96: {  	_ =	strace s2  }
0x97: {  	_ =	strace $0x8FFFFFFF  }
0x98: {  	s19 =	sld [smem:$0x3FDB];
	_ =	sdelay $0x1  }
0x99: {  	s20 =	simm.s32 $_scs_section_size  }
0x9a: {  	s4 =	simm.s32 $_size__tile_overlayer_lowered;
	s5 =	simm.s32 $_tile_overlayer_lowered  }
0x9b: {  	s6 =	simm.s32 $0x1BFF;
	s21 =	sshll.u32 s5, $0x1;
	s3 =	sadd.s32 s20, s19  }
0x9c: {  	s22 =	simm.s32 $0x0;
	s4 =	sshll.u32 s4, $0x1;
	s5 =	sadd.s32 s21, s3  }
0x9d: {  	[timem:s22], [sflag:s6] =	dma.local [hbm:s5], s4  }
0x9e: {  	_ =	swait.ge [sflag:s6], s4  }
0x9f: {  	s4 =	ssub.s32 $0x0, s4;
	[sflag:s6] =	ssyncset.done $0x0  }
0xa0: {  	[sflag:s6] =	ssyncadd.s32 s4;
	_ =	sdelay $0x1  }
0xa1: {  	s23 =	simm.s32 $0x1B8B  }
0xa2: {  	_ =	swait.ge [sflag:s23], $0x1  }
0xa3: {  	[sflag:s23] =	ssyncset.done $0x0  }
0xa4: {  	[sflag:s23] =	ssyncadd.s32 $0xFFFFFFFF  }
0xa5: {  	s4 =	sld [smem:$0x0]  }
0xa6: {  	s5 =	sand.u32 $0xFFFFFFFE, s1  }
0xa7: {  	p0 =	sne.s32 s1, s5  }
0xa8: {  	s5 =	sshll.u32 @p0 s5, $0xE  }
0xa9: {  	s5 =	sadd.s32 @p0 $0x11B8D, s5;
	s6 =	sshll.u32 @p0 s4, $0x11  }
0xaa: {  	s5 =	sor.u32 @p0 s6, s5  }
0xab: {  	[sflag:s5] =	ssyncadd.remote.s32 @p0 $0x1;
	_ =	sdelay $0x1  }
0xac: {  	s5 =	simm.s32 @p0 $0x1B8D  }
0xad: {  	_ =	swait.eq @p0 [sflag:s5], $0x1  }
0xae: {  	[sflag:s5] =	ssyncadd.s32 @p0 $0xFFFFFFFF  }
0xaf: {  	s6 =	sshll.u32 @!p0 s1, $0xE  }
0xb0: {  	s6 =	sor.u32 @!p0 $0x4000, s6;
	s5 =	simm.s32 @!p0 $0x1B8D  }
0xb1: {  	s4 =	sshll.u32 @!p0 s4, $0x11;
	s6 =	sadd.s32 @!p0 $0x11B8D, s6;
	_ =	swait.eq @!p0 [sflag:s5], $0x1  }
0xb2: {  	s4 =	sor.u32 @!p0 s4, s6;
	[sflag:s5] =	ssyncadd.s32 @!p0 $0xFFFFFFFF  }
0xb3: {  	s25 =	simm.s32 $0x1B8E;
	s24 =	sld [smem:$0x3FFE];
	[sflag:s4] =	ssyncadd.remote.s32 @!p0 $0x1  }
0xb4: {  	s26 =	simm.s32 $execute0_lowered;
	[smem:$0x3FD2] =	sst s25  }
0xb5: {  	s5 =	sshll.u32 s26, $0x1;
	_ =	strace $0x80000049;
	[dreg:$0x1] =	wrdreg $0xFFFFFFFF  }
0xb6: {  	s28 =	simm.s32 $_size_execute0_lowered;
	s3 =	sadd.s32 s3, s5;
	[dreg:$0x0] =	wrdreg $0x0  }
0xb7: {  	s5 =	sshll.u32 s28, $0x1;
	[dreg:$0x2] =	wrdreg s3  }
0xb8: {  	[dreg:$0x3] =	wrdreg s5  }
0xb9: {  	[dreg:$0x4] =	wrdreg $0xC0  }
0xba: {  	_ =	task [dreg:s22], $0x5FFFF  }
0xbb: {  	[dreg:$0x1] =	wrdreg $0xFFFFFFFF  }
0xbc: {  	[dreg:$0x0] =	wrdreg $0x60  }
0xbd: {  	[dreg:$0x2] =	wrdreg s24  }
0xbe: {  	[dreg:$0x3] =	wrdreg $0xA  }
0xbf: {  	_ =	task.clear_ibuf [dreg:s22], $0x4FFFF;
	_ =	strace $0x90000049  }
0xc0: {  	s29 =	simm.s32 $0xA;
	_ =	strace $0x8000004B  }
0xc1: {  	_ =	swait.ge [sflag:s29], $0x1  }
0xc2: {  	[sflag:s29] =	ssyncadd.s32 $0xFFFFFFFF  }
0xc3: {  	_ =	strace $0x9000004B  }
0xc4: {  	_ =	sfence  }
0xc5: {  	s30 =	sld [smem:$0x0];
	_ =	sdelay $0x2  }
0xc6: {  	s31 =	sshll.u32 s1, $0xD;
	s1 =	sshrl.u32 s1, $0x2  }
0xc7: {  	s4 =	sand.u32 $0x4000, s31;
	s1 =	sadd.s32 s1, s30  }
0xc8: {  	s0 =	sor.u32 s4, s0;
	s1 =	sshll.u32 s1, $0x11  }
0xc9: {  	s0 =	sor.u32 s1, s0  }
0xca: {  	s0 =	sadd.s32 $0x8F2B, s0  }
0xcb: {  	[sflag:s0] =	ssyncadd.remote.s32 $0x1  }
0xcc: {  	_ =	sfence.sel $0xFFFF  }
0xcd: {  	[dreg:$0x0] =	wrdreg $0xFFFFFFFF;
	(pc) =	sbr.abs _section_cstart, $3  }
0xce: {  	[dreg:$0x1] =	wrdreg $0xFFFFFFFF  }
0xcf: {  	_ =	task.clear_ibuf [dreg:s22], $0x2FFFF;
	_ =	strace $0x9FFFFFFF  }
0xd0: {  	(tm) =	ssettm $0x7FFFFFFF  }
0xd1: {  	_ =	shalt  }
tec
execute0_lowered:
.L_overlay_start_1:
0x0: {  	(tag) =	ssettag $0x1  }
0x1: {  	s5 =	rddreg [dreg:$0x0]  }
0x2: {  	s0 =	rddreg [dreg:$0x1];
	s1 =	simm.s32 $0x0  }
0x3: {  	s2 =	srdreg.scid;
	s16 =	simm.s32 $0x4100;
	s17 =	simm.s32 $0x1  }
0x4: {  	s18 =	simm.s32 $0x2;
	s19 =	simm.s32 $0x0;
	[smem:$0x7FF] =	sst s1  }
0x5: {  	s6 =	sand.u32 $0x1, s2;
	s12 =	sadd.s32 $0x562800, s5;
	s11 =	sadd.s32 $0x567800, s5  }
0x6: {  	s2 =	stileid.u32;
	s8 =	sadd.s32 $0x56C800, s5;
	s9 =	smul.u32 $0x138800, s6  }
0x7: {  	s3 =	sadd.s32 $0x32400, s5;
	_ =	strace $0x8000004A;
	s14 =	smul.u32 $0x13880, s2  }
0x8: {  	s4 =	sshll.u32 s6, $0x4;
	s26 =	ssub.s32 $0x2, s6;
	s28 =	smul.u32 $0x13880, s6  }
0x9: {  	s15 =	smul.u32 $0x1388, s2;
	s7 =	sor.u32 s2, s4;
	s10 =	sshrl.u32 s26, $0x1  }
0xa: {  	s4 =	sadd.s32 $0x59600, s5;
	s7 =	smul.u32 $0x1388, s7;
	s5 =	ssub.s32 s26, s10  }
0xb: {  	s9 =	sadd.s32 s9, s8;
	s30 =	sadd.s32 s15, s28;
	s15 =	simm.s32 $0x100  }
0xc: {  	s5 =	smax.u32 s5, $0x1;
	s29 =	sadd.s32 s14, s9;
	s13 =	sadd.s32 $0x1308, s7  }
0xd: {  	s31 =	sshrl.u32 s30, $0x3;
	s14 =	simm.s32 $0x80;
	s7 =	sshrl.u32 s13, $0x3  }
0xe: {  	s10 =	sadd.s32 $0x271000, s29;
	s13 =	sshll.u32 s13, $0x4;
	s6 =	sadd.s32 s12, s7  }
0xf: {  	s7 =	sadd.s32 s11, s7;
	s8 =	sadd.s32 s8, s13;
	s11 =	sadd.s32 s31, s11  }
0x10: {  	s12 =	sadd.s32 s31, s12;
	s13 =	simm.s32 $0x3;
	s9 =	sadd.s32 $0x271000, s8  }
.LBB2_1:
0x11: {  	s20 =	sadd.s32 $0x0, s12  }
0x12: {  	[tilespmem:s1], [sflag:$0x3] =	stream.linear.gather [hbm4b:s20+s1], $0x80, $0x38;
	[tilespmem:$0x8100] =	vst v63  }
0x13: {  	_ =	swait.ge [sflag:s13], $0x80  }
0x14: {  	[sflag:s13] =	ssyncset.done $0x0  }
0x15: {  	s30 =	sadd.s32 $0x0, s11;
	[sflag:s13] =	ssyncadd.s32 $0xFFFFFF80  }
0x16: {  	[tilespmem:s14], [sflag:$0x3] =	stream.linear.gather [hbm4b:s30+s1], $0x80, $0x38;
	[tilespmem:$0x8100] =	vst v63  }
0x17: {  	_ =	swait.ge [sflag:s13], $0x80  }
0x18: {  	[sflag:s13] =	ssyncset.done $0x0  }
0x19: {  	[sflag:s13] =	ssyncadd.s32 $0xFFFFFF80  }
0x1a: {  	[tilespmem:s15], [sflag:$0x1] =	stream.indirect.gather [hbm4b:s3+s14], $0x80, s1, s14, $0xb8;
	[tilespmem:$0x8100] =	vst v63  }
0x1b: {  	_ = 	snop  }
0x1c: {  	[tilespmem:s16], [sflag:$0x2] =	stream.indirect.gather [hbm4b:s4+s14], $0x80, s14, s14, $0xb8;
	[tilespmem:$0x8100] =	vst v63  }
0x1d: {  	_ =	swait.ge [sflag:s17], $0x4000  }
0x1e: {  	[sflag:s17] =	ssyncset.done $0x0  }
0x1f: {  	[sflag:s17] =	ssyncadd.s32 $0xFFFFC000  }
0x20: {  	_ =	swait.ge [sflag:s18], $0x4000  }
0x21: {  	[sflag:s18] =	ssyncset.done $0x0  }
0x22: {  	s31 =	sadd.s32 $0xFFD8F000, s10;
	[sflag:s18] =	ssyncadd.s32 $0xFFFFC000  }
0x23: {  	[hbm4b:s31+s1] =	stream.linear.scatter [tilespmem:s15], [sflag:$0x3], $0x4000, $0x38;
	[tilespmem:$0x8100] =	vst v63  }
0x24: {  	_ =	swait.ge [sflag:s13], $0x4000  }
0x25: {  	[sflag:s13] =	ssyncset.done $0x0  }
0x26: {  	[sflag:s13] =	ssyncadd.s32 $0xFFFFC000  }
0x27: {  	[hbm4b:s10+s1] =	stream.linear.scatter [tilespmem:s16], [sflag:$0x3], $0x4000, $0x38;
	[tilespmem:$0x8100] =	vst v63  }
0x28: {  	s21 =	simm.s32 $0x10;
	_ =	swait.ge [sflag:s13], $0x4000  }
0x29: {  	s22 =	simm.s32 $0x20;
	s20 =	sadd.s32 $0x800, s10;
	[sflag:s13] =	ssyncset.done $0x0  }
.LBB2_2:
0x2a: {  	s23 =	sadd.s32 s21, s12  }
0x2b: {  	[sflag:s13] =	ssyncadd.s32 $0xFFFFC000;
	s24 =	smov.u32 s22;
	s25 =	sadd.s32 $0x10, s22  }
0x2c: {  	[tilespmem:s1], [sflag:$0x3] =	stream.linear.gather [hbm4b:s23+s1], $0x80, $0x38;
	[tilespmem:$0x8100] =	vst v63  }
0x2d: {  	p0 =	sne.s32 s22, $0x260;
	_ =	swait.ge [sflag:s13], $0x80  }
0x2e: {  	[sflag:s13] =	ssyncset.done $0x0  }
0x2f: {  	s22 =	sadd.s32 s21, s11;
	s21 =	smov.u32 s24;
	[sflag:s13] =	ssyncadd.s32 $0xFFFFFF80  }
0x30: {  	[tilespmem:s14], [sflag:$0x3] =	stream.linear.gather [hbm4b:s22+s1], $0x80, $0x38;
	[tilespmem:$0x8100] =	vst v63  }
0x31: {  	_ =	swait.ge [sflag:s13], $0x80  }
0x32: {  	[sflag:s13] =	ssyncset.done $0x0  }
0x33: {  	[sflag:s13] =	ssyncadd.s32 $0xFFFFFF80  }
0x34: {  	[tilespmem:s15], [sflag:$0x1] =	stream.indirect.gather [hbm4b:s3+s14], $0x80, s1, s14, $0xb8;
	[tilespmem:$0x8100] =	vst v63  }
0x35: {  	_ = 	snop  }
0x36: {  	[tilespmem:s16], [sflag:$0x2] =	stream.indirect.gather [hbm4b:s4+s14], $0x80, s14, s14, $0xb8;
	[tilespmem:$0x8100] =	vst v63  }
0x37: {  	_ =	swait.ge [sflag:s17], $0x4000  }
0x38: {  	[sflag:s17] =	ssyncset.done $0x0  }
0x39: {  	[sflag:s17] =	ssyncadd.s32 $0xFFFFC000  }
0x3a: {  	_ =	swait.ge [sflag:s18], $0x4000  }
0x3b: {  	[sflag:s18] =	ssyncset.done $0x0  }
0x3c: {  	s22 =	sadd.s32 $0xFFD8F000, s20;
	[sflag:s18] =	ssyncadd.s32 $0xFFFFC000  }
0x3d: {  	[hbm4b:s22+s1] =	stream.linear.scatter [tilespmem:s15], [sflag:$0x3], $0x4000, $0x38;
	[tilespmem:$0x8100] =	vst v63  }
0x3e: {  	_ =	swait.ge [sflag:s13], $0x4000  }
.Ltmp0:
0x3f: {  	[sflag:s13] =	ssyncset.done $0x0;
	(pc) =	sbr.rel @p0 .LBB2_2-.Ltmp0, $4  }
0x40: {  	[sflag:s13] =	ssyncadd.s32 $0xFFFFC000  }
0x41: {  	[hbm4b:s20+s1] =	stream.linear.scatter [tilespmem:s16], [sflag:$0x3], $0x4000, $0x38;
	[tilespmem:$0x8100] =	vst v63  }
0x42: {  	_ =	swait.ge [sflag:s13], $0x4000  }
0x43: {  	s22 =	smov.u32 s25;
	s20 =	sadd.s32 $0x800, s20;
	[sflag:s13] =	ssyncset.done $0x0  }
0x44: {  	s22 =	sadd.s32 s21, s12;
	[sflag:s13] =	ssyncadd.s32 $0xFFFFC000  }
0x45: {  	[tilespmem:s1], [sflag:$0x3] =	stream.linear.gather [hbm4b:s22+s1], $0x80, $0x38;
	[tilespmem:$0x8100] =	vst v63  }
0x46: {  	_ =	swait.ge [sflag:s13], $0x80  }
0x47: {  	[sflag:s13] =	ssyncset.done $0x0  }
0x48: {  	s30 =	sadd.s32 s21, s11;
	[sflag:s13] =	ssyncadd.s32 $0xFFFFFF80  }
0x49: {  	[tilespmem:s14], [sflag:$0x3] =	stream.linear.gather [hbm4b:s30+s1], $0x80, $0x38;
	[tilespmem:$0x8100] =	vst v63  }
0x4a: {  	_ =	swait.ge [sflag:s13], $0x80  }
0x4b: {  	[sflag:s13] =	ssyncset.done $0x0  }
0x4c: {  	[sflag:s13] =	ssyncadd.s32 $0xFFFFFF80  }
0x4d: {  	[tilespmem:s15], [sflag:$0x1] =	stream.indirect.gather [hbm4b:s3+s14], $0x80, s1, s14, $0xb8;
	[tilespmem:$0x8100] =	vst v63  }
0x4e: {  	_ = 	snop  }
0x4f: {  	[tilespmem:s16], [sflag:$0x2] =	stream.indirect.gather [hbm4b:s4+s14], $0x80, s14, s14, $0xb8;
	[tilespmem:$0x8100] =	vst v63  }
0x50: {  	_ =	swait.ge [sflag:s17], $0x4000  }
0x51: {  	[sflag:s17] =	ssyncset.done $0x0  }
0x52: {  	[sflag:s17] =	ssyncadd.s32 $0xFFFFC000  }
0x53: {  	_ =	swait.ge [sflag:s18], $0x4000  }
0x54: {  	[sflag:s18] =	ssyncset.done $0x0  }
0x55: {  	s31 =	sadd.s32 $0xFFD8F000, s20;
	[sflag:s18] =	ssyncadd.s32 $0xFFFFC000  }
0x56: {  	[hbm4b:s31+s1] =	stream.linear.scatter [tilespmem:s15], [sflag:$0x3], $0x4000, $0x38;
	[tilespmem:$0x8100] =	vst v63  }
0x57: {  	_ =	swait.ge [sflag:s13], $0x4000  }
0x58: {  	[sflag:s13] =	ssyncset.done $0x0  }
0x59: {  	[sflag:s13] =	ssyncadd.s32 $0xFFFFC000  }
0x5a: {  	[hbm4b:s20+s1] =	stream.linear.scatter [tilespmem:s16], [sflag:$0x3], $0x4000, $0x38;
	[tilespmem:$0x8100] =	vst v63  }
0x5b: {  	_ =	swait.ge [sflag:s13], $0x4000  }
0x5c: {  	[sflag:s13] =	ssyncset.done $0x0  }
0x5d: {  	[sflag:s13] =	ssyncadd.s32 $0xFFFFC000  }
0x5e: {  	[tilespmem:s1], [sflag:$0x3] =	stream.linear.gather [hbm4b:s6+s1], $0x80, $0x38;
	[tilespmem:$0x8100] =	vst v63  }
0x5f: {  	_ =	swait.ge [sflag:s13], $0x80  }
0x60: {  	[sflag:s13] =	ssyncset.done $0x0  }
0x61: {  	[sflag:s13] =	ssyncadd.s32 $0xFFFFFF80  }
0x62: {  	[tilespmem:s14], [sflag:$0x3] =	stream.linear.gather [hbm4b:s7+s1], $0x80, $0x38;
	[tilespmem:$0x8100] =	vst v63  }
0x63: {  	_ =	swait.ge [sflag:s13], $0x80  }
0x64: {  	[sflag:s13] =	ssyncset.done $0x0  }
0x65: {  	[sflag:s13] =	ssyncadd.s32 $0xFFFFFF80  }
0x66: {  	[tilespmem:s15], [sflag:$0x1] =	stream.indirect.gather [hbm4b:s3+s14], $0x80, s1, s14, $0xb8;
	[tilespmem:$0x8100] =	vst v63  }
0x67: {  	_ = 	snop  }
0x68: {  	[tilespmem:s16], [sflag:$0x2] =	stream.indirect.gather [hbm4b:s4+s14], $0x80, s14, s14, $0xb8;
	[tilespmem:$0x8100] =	vst v63  }
0x69: {  	_ =	swait.ge [sflag:s17], $0x4000  }
0x6a: {  	[sflag:s17] =	ssyncset.done $0x0  }
0x6b: {  	[sflag:s17] =	ssyncadd.s32 $0xFFFFC000  }
0x6c: {  	_ =	swait.ge [sflag:s18], $0x4000  }
0x6d: {  	[sflag:s18] =	ssyncset.done $0x0  }
0x6e: {  	[sflag:s18] =	ssyncadd.s32 $0xFFFFC000  }
0x6f: {  	[hbm4b:s8+s1] =	stream.linear.scatter [tilespmem:s15], [sflag:$0x3], $0x4000, $0x38;
	[tilespmem:$0x8100] =	vst v63  }
0x70: {  	s19 =	sadd.s32 $0x1, s19;
	_ =	swait.ge [sflag:s13], $0x4000  }
0x71: {  	p0 =	sne.s32 s19, s5;
	[sflag:s13] =	ssyncset.done $0x0  }
.Ltmp1:
0x72: {  	[sflag:s13] =	ssyncadd.s32 $0xFFFFC000;
	(pc) =	sbr.rel @p0 .LBB2_1-.Ltmp1, $4  }
0x73: {  	[hbm4b:s9+s1] =	stream.linear.scatter [tilespmem:s16], [sflag:$0x3], $0x4000, $0x38;
	[tilespmem:$0x8100] =	vst v63  }
0x74: {  	_ =	swait.ge [sflag:s13], $0x4000  }
0x75: {  	[sflag:s13] =	ssyncset.done $0x0  }
0x76: {  	[sflag:s13] =	ssyncadd.s32 $0xFFFFC000  }
0x77: {  	_ =	sfence.sel $0x180000  }
0x78: {  	[bflag:$0x0] =	sbarrier.arrive $0xFFFF  }
0x79: {  	p0 =	sne.s32 s2, $0x0;
	_ =	strace $0x9000004A  }
0x7a: {  	s0 =	sadd.s32 @!p0 $0x100000, s0;
	[bflag:$0x2] =	sbarrier.arrive $0xFFFF  }
0x7b: {  	[sflag:s0] =	ssyncadd.tile.s32 @!p0 $0x1;
	_ =	shalt  }
.Lfunc_end2:
_tile_overlayer_lowered:
.L_overlay_start_2:
0x7c: {  	(tag) =	ssettag $0x2  }
0x7d: {  	s0 =	rddreg [dreg:$0x0];
	s2 =	stileid.u32  }
0x7e: {  	s1 =	rddreg [dreg:$0x1];
	p0 =	sne.s32 s2, $0x0  }
0x7f: {  	s3 =	rddreg [dreg:$0x2];
	[bflag:$0x3] =	sbarrier.arrive $0xFFFF;
	s2 =	simm.s32 @!p0 $0x1C03  }
0x80: {  	[timem:s3], [sflag:s2] =	dma.local @!p0 [hbm:s0], s1  }
0x81: {  	s0 =	simm.s32 @!p0 $0x3  }
0x82: {  	_ =	swait.ge @!p0 [sflag:s0], s1  }
0x83: {  	s1 =	ssub.s32 @!p0 $0x0, s1;
	[sflag:s0] =	ssyncset.done @!p0 $0x0  }
0x84: {  	[sflag:s0] =	ssyncadd.s32 @!p0 s1  }
0x85: {  	[bflag:$0x3] =	sbarrier.arrive $0xFFFF  }
0x86: {  	_ =	shalt  }

// kernel: edge_scatter.4.cloned.1.call-start
scs
__scs_entry_jumppad:
0x0: {  	(pc) =	sbr.rel $0x88, $3  }
0x1: {  	(tag) =	ssettag $0x0;
	lr =	simm.s32 $0x1  }
0x2: {  	[smem:$0x3F8E] =	sst lr;
	_ =	strace $0xD0000000  }
0x3: {  	_ = 	snop  }
0x4: {  	_ = 	snop  }
0x5: {  	_ = 	snop  }
0x6: {  	_ = 	snop  }
0x7: {  	_ = 	snop  }
__scs_overlays_trampoline_lowered:
0x8: {  	[smem:$0x3F9D] =	sst s0  }
0x9: {  	[smem:$0x3F9E] =	sst s1  }
0xa: {  	[smem:$0x3F9F] =	sst s2  }
0xb: {  	[smem:$0x3FA0] =	sst s3  }
0xc: {  	[smem:$0x3FA1] =	sst s4  }
0xd: {  	[smem:$0x3FA2] =	sst s5  }
0xe: {  	[smem:$0x3FA3] =	sst s6  }
0xf: {  	[smem:$0x3FA4] =	sst s7  }
0x10: {  	[smem:$0x3FA5] =	sst s8  }
0x11: {  	[smem:$0x3FA6] =	sst s9;
	s0 =	simm.s32 @!p0 $0x0  }
0x12: {  	s1 =	sld [smem:$0x3F8C];
	s0 =	simm.s32 @p0 $0x1  }
0x13: {  	[smem:$0x3FA7] =	sst s0;
	s0 =	simm.s32 @!p1 $0x0  }
0x14: {  	s2 =	sld [smem:$0x3F8B];
	s0 =	simm.s32 @p1 $0x1  }
0x15: {  	[smem:$0x3FA8] =	sst s0;
	s0 =	simm.s32 @!p2 $0x0  }
0x16: {  	s3 =	sld [smem:$0x3FDB];
	s0 =	simm.s32 @p2 $0x1  }
0x17: {  	s4 =	simm.s32 $0x1BF5;
	[smem:$0x3FAA] =	sst s0  }
0x18: {  	s0 =	sld [smem:$0x3F8D];
	_ =	swait.ge [sflag:s4], $0x0  }
0x19: {  	s7 =	sld [smem:$0x3F8E]  }
0x1a: {  	s8 =	sadd.s32 $0xFFFFE003, lr  }
0x1b: {  	s9 =	sadd.s32 $0xFFFFFEF7, lr;
	s5 =	simm.s32 $0xFFFFFFFF;
	p2 =	slt.u32 s8, $0xFFFFF086  }
0x1c: {  	p1 =	slt.u32 s9, $0xF7A;
	s5 =	simm.s32 @!p2 $0x0  }
0x1d: {  	s5 =	simm.s32 @p1 $0x1;
	p0 =	seq.s32 s7, s2  }
0x1e: {  	s7 =	smul.u32 @!p0 $0xF7A, s2;
	p2 =	seq.s32 @!p0 s5, $0x0  }
0x1f: {  	s9 =	smul.u32 $0xF7A, s1;
	s8 =	simm.s32 @!p0 $0x1BF5;
	p2 =	por !p2, p0  }
0x20: {  	[sflag:s8] =	ssyncset.s32 @!p0 $0xFFFFF086;
	s6 =	sadd.s32 @!p0 s3, s7;
	s7 =	simm.s32 @!p0 $0x108  }
0x21: {  	s3 =	sadd.s32 s3, s9;
	s6 =	sadd.s32 @!p0 $0x88, s6;
	s7 =	simm.s32 @p2 $0x1082  }
0x22: {  	[simem:s7], [sflag:s8] =	dma.local @!p0 [hbm:s6], $0xF7A  }
0x23: {  	s9 =	sor.u32 $0xD0000000, s2;
	s6 =	simm.s32 $0x108;
	_ =	swait.ge @!p0 [sflag:s8], $0x0  }
0x24: {  	s3 =	sadd.s32 $0x88, s3;
	s6 =	simm.s32 @!p1 $0x1082;
	[sflag:s4] =	ssyncset.s32 $0xFFFFF086  }
0x25: {  	[simem:s6], [sflag:s4] =	dma.local [hbm:s3], $0xF7A  }
0x26: {  	[smem:$0x3F8E] =	sst s1;
	(tag) =	ssettag s2;
	_ =	strace s9  }
0x27: {  	s1 =	sld [smem:$0x3F9E]  }
0x28: {  	s2 =	sld [smem:$0x3F9F]  }
0x29: {  	s4 =	sld [smem:$0x3FA1]  }
0x2a: {  	p0 =	seq.s32 s5, $0x0;
	s5 =	sld [smem:$0x3FA2]  }
0x2b: {  	s6 =	sld [smem:$0x3FA3]  }
0x2c: {  	s7 =	sld [smem:$0x3FA4]  }
0x2d: {  	s3 =	simm.s32 $0x108;
	s8 =	sld [smem:$0x3FA5]  }
0x2e: {  	s3 =	simm.s32 @!p0 $0x1082;
	s9 =	sld [smem:$0x3FA6]  }
0x2f: {  	lr =	sadd.s32 s0, s3;
	s0 =	sld [smem:$0x3F9D]  }
0x30: {  	s3 =	sld [smem:$0x3FA0]  }
0x31: {  	[smem:$0x3FA9] =	sst s10  }
0x32: {  	s10 =	sld [smem:$0x3FA7];
	_ =	sdelay $0x3  }
0x33: {  	p0 =	seq.s32 s10, $0x1;
	s10 =	sld [smem:$0x3FA9];
	_ =	sdelay $0x3  }
0x34: {  	[smem:$0x3FA9] =	sst s10  }
0x35: {  	s10 =	sld [smem:$0x3FA8];
	_ =	sdelay $0x3  }
0x36: {  	p1 =	seq.s32 s10, $0x1;
	s10 =	sld [smem:$0x3FA9];
	_ =	sdelay $0x3  }
0x37: {  	[smem:$0x3FA9] =	sst s10  }
0x38: {  	s10 =	sld [smem:$0x3FAA]  }
0x39: {  	_ = 	snop;
	(pc) =	sbr.ind lr, $3  }
0x3a: {  	_ = 	snop  }
0x3b: {  	_ = 	snop  }
0x3c: {  	p2 =	seq.s32 s10, $0x1;
	s10 =	sld [smem:$0x3FA9]  }
0x3d: {  	_ =	shalt  }
0x3e: {  	_ =	shalt  }
0x3f: {  	_ =	shalt  }
0x40: {  	_ =	shalt  }
0x41: {  	_ =	shalt  }
0x42: {  	_ =	shalt  }
0x43: {  	_ =	shalt  }
0x44: {  	_ =	shalt  }
0x45: {  	_ =	shalt  }
0x46: {  	_ =	shalt  }
0x47: {  	_ =	shalt  }
0x48: {  	_ =	shalt  }
0x49: {  	_ =	shalt  }
0x4a: {  	_ =	shalt  }
0x4b: {  	_ =	shalt  }
0x4c: {  	_ =	shalt  }
0x4d: {  	_ =	shalt  }
0x4e: {  	_ =	shalt  }
0x4f: {  	_ =	shalt  }
0x50: {  	_ =	shalt  }
0x51: {  	_ =	shalt  }
0x52: {  	_ =	shalt  }
0x53: {  	_ =	shalt  }
0x54: {  	_ =	shalt  }
0x55: {  	_ =	shalt  }
0x56: {  	_ =	shalt  }
0x57: {  	_ =	shalt  }
0x58: {  	_ =	shalt  }
0x59: {  	_ =	shalt  }
0x5a: {  	_ =	shalt  }
0x5b: {  	_ =	shalt  }
0x5c: {  	_ =	shalt  }
0x5d: {  	_ =	shalt  }
0x5e: {  	_ =	shalt  }
0x5f: {  	_ =	shalt  }
0x60: {  	_ =	shalt  }
0x61: {  	_ =	shalt  }
0x62: {  	_ =	shalt  }
0x63: {  	_ =	shalt  }
0x64: {  	_ =	shalt  }
0x65: {  	_ =	shalt  }
0x66: {  	_ =	shalt  }
0x67: {  	_ =	shalt  }
0x68: {  	_ =	shalt  }
0x69: {  	_ =	shalt  }
0x6a: {  	_ =	shalt  }
0x6b: {  	_ =	shalt  }
0x6c: {  	_ =	shalt  }
0x6d: {  	_ =	shalt  }
0x6e: {  	_ =	shalt  }
0x6f: {  	_ =	shalt  }
0x70: {  	_ =	shalt  }
0x71: {  	_ =	shalt  }
0x72: {  	_ =	shalt  }
0x73: {  	_ =	shalt  }
0x74: {  	_ =	shalt  }
0x75: {  	_ =	shalt  }
0x76: {  	_ =	shalt  }
0x77: {  	_ =	shalt  }
0x78: {  	_ =	shalt  }
0x79: {  	_ =	shalt  }
0x7a: {  	_ =	shalt  }
0x7b: {  	_ =	shalt  }
0x7c: {  	_ =	shalt  }
0x7d: {  	_ =	shalt  }
0x7e: {  	_ =	shalt  }
0x7f: {  	_ =	shalt  }
0x80: {  	_ =	shalt  }
0x81: {  	_ =	shalt  }
0x82: {  	_ =	shalt  }
0x83: {  	_ =	shalt  }
0x84: {  	_ =	shalt  }
0x85: {  	_ =	shalt  }
0x86: {  	_ =	shalt  }
0x87: {  	_ =	shalt  }
.Lfunc_end0:
.L_simem_size_0:
called_computation.1_lowered:
.L_overlay_start_0:
0x88: {  	s2 =	sld [smem:$0x3FD9]  }
0x89: {  	s3 =	sld [smem:$0x3FFE];
	_ =	sdelay $0x1  }
0x8a: {  	s1 =	srdreg.scid  }
0x8b: {  	s0 =	sand.u32 $0x1, s1  }
0x8c: {  	s15 =	sshll.u32 s0, $0xA;
	s2 =	sadd.s32 s3, s2  }
0x8d: {  	s2 =	sadd.s32 s2, s15  }
0x8e: {  	[smem:$0x3FB5] =	sst s2  }
0x8f: {  	_ = 	snop  }
0x90: {  	s2 =	sld [smem:$0x3FD0];
	_ =	sdelay $0x2  }
0x91: {  	s16 =	simm.s32 $0xB;
	s4 =	simm.s32 $0x10  }
0x92: {  	[smem:s4], [sflag:s16] =	dma.local [hbm:s2], $0x1  }
0x93: {  	_ =	swait.eq [sflag:s16], $0x1  }
0x94: {  	[sflag:s16] =	ssyncset.done $0x0  }
0x95: {  	[sflag:s16] =	ssyncadd.s32 $0xFFFFFFFF  }
0x96: {  	s17 =	sld [smem:$0x11];
	(tm) =	ssettm $0x1  }
0x97: {  	s18 =	sld [smem:$0x3FFB];
	_ =	sdelay $0x3  }
0x98: {  	_ =	strace s18  }
0x99: {  	s2 =	sld [smem:$0x3FFC];
	_ =	sdelay $0x3  }
0x9a: {  	_ =	strace s2  }
0x9b: {  	s2 =	sld [smem:$0x3FFD];
	_ =	sdelay $0x3  }
0x9c: {  	_ =	strace s2  }
0x9d: {  	_ =	strace $0x8FFFFFFF  }
0x9e: {  	s19 =	sld [smem:$0x3FDB];
	_ =	sdelay $0x1  }
0x9f: {  	s20 =	simm.s32 $_scs_section_size  }
0xa0: {  	s5 =	simm.s32 $_size__tile_overlayer_lowered;
	s6 =	simm.s32 $_tile_overlayer_lowered  }
0xa1: {  	s7 =	simm.s32 $0x1BFF;
	s21 =	sshll.u32 s6, $0x1;
	s4 =	sadd.s32 s20, s19  }
0xa2: {  	s22 =	simm.s32 $0x0;
	s5 =	sshll.u32 s5, $0x1;
	s6 =	sadd.s32 s21, s4  }
0xa3: {  	[timem:s22], [sflag:s7] =	dma.local [hbm:s6], s5  }
0xa4: {  	_ =	swait.ge [sflag:s7], s5  }
0xa5: {  	s5 =	ssub.s32 $0x0, s5;
	[sflag:s7] =	ssyncset.done $0x0  }
0xa6: {  	[sflag:s7] =	ssyncadd.s32 s5;
	_ =	sdelay $0x1  }
0xa7: {  	s23 =	simm.s32 $0x1B8B  }
0xa8: {  	_ =	swait.ge [sflag:s23], $0x1  }
0xa9: {  	[sflag:s23] =	ssyncset.done $0x0  }
0xaa: {  	[sflag:s23] =	ssyncadd.s32 $0xFFFFFFFF  }
0xab: {  	s5 =	sld [smem:$0x0]  }
0xac: {  	s6 =	sand.u32 $0xFFFFFFFE, s1  }
0xad: {  	p0 =	sne.s32 s1, s6  }
0xae: {  	s6 =	sshll.u32 @p0 s6, $0xE  }
0xaf: {  	s6 =	sadd.s32 @p0 $0x11B8D, s6;
	s7 =	sshll.u32 @p0 s5, $0x11  }
0xb0: {  	s6 =	sor.u32 @p0 s7, s6  }
0xb1: {  	[sflag:s6] =	ssyncadd.remote.s32 @p0 $0x1;
	_ =	sdelay $0x1  }
0xb2: {  	s6 =	simm.s32 @p0 $0x1B8D  }
0xb3: {  	_ =	swait.eq @p0 [sflag:s6], $0x1  }
0xb4: {  	[sflag:s6] =	ssyncadd.s32 @p0 $0xFFFFFFFF  }
0xb5: {  	s7 =	sshll.u32 @!p0 s1, $0xE  }
0xb6: {  	s7 =	sor.u32 @!p0 $0x4000, s7;
	s6 =	simm.s32 @!p0 $0x1B8D  }
0xb7: {  	s5 =	sshll.u32 @!p0 s5, $0x11;
	s7 =	sadd.s32 @!p0 $0x11B8D, s7;
	_ =	swait.eq @!p0 [sflag:s6], $0x1  }
0xb8: {  	s5 =	sor.u32 @!p0 s5, s7;
	[sflag:s6] =	ssyncadd.s32 @!p0 $0xFFFFFFFF  }
0xb9: {  	s25 =	simm.s32 $0x1B8E;
	s24 =	sld [smem:$0x3FFE];
	[sflag:s5] =	ssyncadd.remote.s32 @!p0 $0x1  }
0xba: {  	s26 =	simm.s32 $execute0_lowered;
	[smem:$0x3FD2] =	sst s25  }
0xbb: {  	s6 =	sshll.u32 s26, $0x1;
	_ =	strace $0x8000004C;
	[dreg:$0x1] =	wrdreg $0xFFFFFFFF  }
0xbc: {  	s28 =	simm.s32 $_size_execute0_lowered;
	s4 =	sadd.s32 s4, s6;
	[dreg:$0x0] =	wrdreg $0x0  }
0xbd: {  	s6 =	sshll.u32 s28, $0x1;
	[dreg:$0x2] =	wrdreg s4  }
0xbe: {  	[dreg:$0x3] =	wrdreg s6  }
0xbf: {  	[dreg:$0x4] =	wrdreg $0xC0  }
0xc0: {  	_ =	task [dreg:s22], $0x5FFFF  }
0xc1: {  	[dreg:$0x1] =	wrdreg $0xFFFFFFFF  }
0xc2: {  	[dreg:$0x0] =	wrdreg $0x60  }
0xc3: {  	[dreg:$0x2] =	wrdreg s17  }
0xc4: {  	[dreg:$0x3] =	wrdreg s24  }
0xc5: {  	[dreg:$0x4] =	wrdreg $0x80800  }
0xc6: {  	[dreg:$0x5] =	wrdreg $0x9  }
0xc7: {  	_ =	task.clear_ibuf [dreg:s22], $0x6FFFF;
	_ =	strace $0x9000004C  }
0xc8: {  	s29 =	simm.s32 $0x9;
	_ =	strace $0x8000004E  }
0xc9: {  	_ =	swait.ge [sflag:s29], $0x1  }
0xca: {  	[sflag:s29] =	ssyncadd.s32 $0xFFFFFFFF  }
0xcb: {  	_ =	strace $0x9000004E  }
0xcc: {  	_ =	sfence  }
0xcd: {  	s30 =	sld [smem:$0x0];
	_ =	sdelay $0x2  }
0xce: {  	s31 =	sshll.u32 s1, $0xD;
	s1 =	sshrl.u32 s1, $0x2  }
0xcf: {  	s4 =	sand.u32 $0x4000, s31;
	s1 =	sadd.s32 s1, s30  }
0xd0: {  	s0 =	sor.u32 s4, s0;
	s1 =	sshll.u32 s1, $0x11  }
0xd1: {  	s0 =	sor.u32 s1, s0  }
0xd2: {  	s0 =	sadd.s32 $0x8F2B, s0  }
0xd3: {  	[sflag:s0] =	ssyncadd.remote.s32 $0x1  }
0xd4: {  	_ =	sfence.sel $0xFFFF  }
0xd5: {  	[dreg:$0x0] =	wrdreg $0xFFFFFFFF;
	(pc) =	sbr.abs _section_cstart, $3  }
0xd6: {  	[dreg:$0x1] =	wrdreg $0xFFFFFFFF  }
0xd7: {  	_ =	task.clear_ibuf [dreg:s22], $0x2FFFF;
	_ =	strace $0x9FFFFFFF  }
0xd8: {  	(tm) =	ssettm $0x7FFFFFFF  }
0xd9: {  	_ =	shalt  }
tec
execute0_lowered:
.L_overlay_start_1:
0x0: {  	(tag) =	ssettag $0x1  }
0x1: {  	s22 =	stileid.u32  }
0x2: {  	s0 =	srdreg.scid;
	s4 =	smul.u32 $0x280, s22  }
0x3: {  	s31 =	simm.s32 $0x4080;
	s8 =	sand.u32 $0x1, s0;
	s21 =	smul.u32 $0x2800, s22  }
0x4: {  	s0 =	rddreg [dreg:$0x1];
	s18 =	smul.u32 $0x14000, s22;
	s1 =	sshll.u32 s8, $0x4  }
0x5: {  	s5 =	sadd.s32 $0x80800, s0;
	s9 =	sadd.s32 $0xA9000, s0;
	s10 =	smul.u32 $0x140000, s8  }
0x6: {  	s19 =	ssub.s32 $0x2, s8;
	s15 =	sadd.s32 $0xF9000, s0;
	s8 =	smul.u32 $0x270, s8  }
0x7: {  	s6 =	sor.u32 s22, s1;
	s3 =	sshrl.u32 s19, $0x1;
	s23 =	sadd.s32 $0x80, s4  }
0x8: {  	s11 =	sadd.s32 $0x100, s4;
	s1 =	sadd.s32 s5, s21;
	s25 =	sadd.s32 $0x180, s4  }
0x9: {  	s14 =	sadd.s32 $0x200, s4;
	s2 =	smul.u32 $0x27, s6;
	s16 =	smin.u32 s6, $0x2  }
0xa: {  	s7 =	ssub.s32 s19, s3;
	s24 =	sshll.u32 s23, $0x4;
	s12 =	sshll.u32 s11, $0x4  }
0xb: {  	s19 =	sshll.u32 s23, $0x7;
	s13 =	sshll.u32 s25, $0x4;
	s28 =	sshll.u32 s11, $0x7  }
0xc: {  	s26 =	sshll.u32 s14, $0x4;
	s29 =	sshll.u32 s25, $0x7;
	s30 =	sshll.u32 s14, $0x7  }
0xd: {  	p0 =	sgt.u32 s6, $0x1;
	s6 =	simm.s32 $0x0;
	s3 =	sadd.s32 s5, s12  }
0xe: {  	s4 =	sadd.s32 s5, s13;
	s13 =	sadd.s32 s10, s18;
	s14 =	sadd.s32 s10, s19  }
0xf: {  	s23 =	sadd.s32 s10, s29;
	s20 =	sadd.s32 s16, s2;
	s2 =	sadd.s32 s5, s24  }
0x10: {  	s5 =	sadd.s32 s5, s26;
	s11 =	sshrl.u32 s13, $0x3;
	s12 =	sshrl.u32 s14, $0x3  }
0x11: {  	s14 =	sshrl.u32 s23, $0x3;
	s17 =	sshll.u32 s20, $0x7;
	s18 =	sadd.s32 s9, s11  }
0x12: {  	s20 =	sadd.s32 s10, s28;
	s21 =	sadd.s32 s9, s12;
	s10 =	sadd.s32 s10, s30  }
0x13: {  	s26 =	sadd.s32 s9, s14;
	s12 =	sadd.s32 s15, s12;
	[dreg:$0x4] =	wrdreg s18  }
0x14: {  	s14 =	sadd.s32 s15, s14;
	[dreg:$0x5] =	wrdreg s21;
	s13 =	sshrl.u32 s20, $0x3  }
0x15: {  	s25 =	sshrl.u32 s10, $0x3;
	[dreg:$0x7] =	wrdreg s26;
	s20 =	sadd.s32 s15, s11  }
0x16: {  	s23 =	sadd.s32 $0x1380, s17;
	s17 =	simm.s32 $0x0;
	[dreg:$0x9] =	wrdreg s20  }
0x17: {  	s21 =	smul.u32 $0x27, s22;
	s24 =	sadd.s32 s9, s13;
	[smem:$0x7FF] =	sst s17  }
0x18: {  	s9 =	sadd.s32 s9, s25;
	s13 =	sadd.s32 s15, s13;
	[dreg:$0x6] =	wrdreg s24  }
0x19: {  	s15 =	sadd.s32 s15, s25;
	s25 =	sshll.u32 s23, $0x4;
	[dreg:$0x8] =	wrdreg s9  }
0x1a: {  	s8 =	sadd.s32 s21, s8;
	s24 =	rddreg [dreg:$0x0];
	s9 =	sshrl.u32 s23, $0x3  }
0x1b: {  	s21 =	sadd.s32 $0x2D400, s0;
	s23 =	smul.u32 $0x50000, s22;
	s22 =	rddreg [dreg:$0x2]  }
0x1c: {  	s8 =	sadd.s32 s16, s8;
	s16 =	sadd.s32 s24, s25;
	_ =	strace $0x8000004D  }
0x1d: {  	s25 =	smax.u32 s7, $0x1;
	s28 =	sadd.s32 s28, s22;
	s29 =	sadd.s32 s29, s22  }
0x1e: {  	s30 =	sadd.s32 s30, s22;
	s20 =	sshll.u32 s8, $0xB;
	s8 =	sshll.u32 s8, $0x4  }
0x1f: {  	s26 =	sshrl.u32 s23, $0x2;
	s23 =	sadd.s32 $0xA8800, s0;
	s0 =	simm.s32 $0x80  }
0x20: {  	s18 =	sadd.s32 s20, s24;
	s20 =	sadd.s32 s21, s9;
	s21 =	sadd.s32 s8, s21  }
0x21: {  	s24 =	sadd.s32 s26, s22;
	s26 =	sadd.s32 s19, s22;
	s19 =	simm.s32 $0x1  }
.LBB2_1:
0x22: {  	[tilespmem:s31], [sflag:$0x1] =	stream.linear.gather [hbm4b:s23+s17], $0x4000, $0x38;
	[tilespmem:$0x1C080] =	vst v63  }
0x23: {  	_ =	swait.ge [sflag:s19], $0x4000  }
0x24: {  	[sflag:s19] =	ssyncset.done $0x0  }
0x25: {  	[sflag:s19] =	ssyncadd.s32 $0xFFFFC000  }
0x26: {  	[tilespmem:s0], [sflag:$0x1] =	stream.linear.gather [hbm4b:s1+s17], $0x4000, $0x38;
	[tilespmem:$0x1C080] =	vst v63  }
0x27: {  	_ =	swait.ge [sflag:s19], $0x4000  }
0x28: {  	[sflag:s19] =	ssyncset.done $0x0  }
0x29: {  	[sflag:s19] =	ssyncadd.s32 $0xFFFFC000  }
0x2a: {  	[spmem:s24] =	stream.linear.scatter [tilespmem:s0], [sflag:$0x1], $0x4000, $0x38;
	[tilespmem:$0x1C080] =	vst v63  }
0x2b: {  	_ =	swait.ge [sflag:s19], $0x4000  }
0x2c: {  	[sflag:s19] =	ssyncset.done $0x0  }
0x2d: {  	[sflag:s19] =	ssyncadd.s32 $0xFFFFC000  }
0x2e: {  	[tilespmem:s0], [sflag:$0x1] =	stream.linear.gather [hbm4b:s2+s17], $0x4000, $0x38;
	[tilespmem:$0x1C080] =	vst v63  }
0x2f: {  	_ =	swait.ge [sflag:s19], $0x4000  }
0x30: {  	[sflag:s19] =	ssyncset.done $0x0  }
0x31: {  	[sflag:s19] =	ssyncadd.s32 $0xFFFFC000  }
0x32: {  	[spmem:s26] =	stream.linear.scatter [tilespmem:s0], [sflag:$0x1], $0x4000, $0x38;
	[tilespmem:$0x1C080] =	vst v63  }
0x33: {  	_ =	swait.ge [sflag:s19], $0x4000  }
0x34: {  	[sflag:s19] =	ssyncset.done $0x0  }
0x35: {  	[sflag:s19] =	ssyncadd.s32 $0xFFFFC000  }
0x36: {  	[tilespmem:s0], [sflag:$0x1] =	stream.linear.gather [hbm4b:s3+s17], $0x4000, $0x38;
	[tilespmem:$0x1C080] =	vst v63  }
0x37: {  	_ =	swait.ge [sflag:s19], $0x4000  }
0x38: {  	[sflag:s19] =	ssyncset.done $0x0  }
0x39: {  	[sflag:s19] =	ssyncadd.s32 $0xFFFFC000  }
0x3a: {  	[spmem:s28] =	stream.linear.scatter [tilespmem:s0], [sflag:$0x1], $0x4000, $0x38;
	[tilespmem:$0x1C080] =	vst v63  }
0x3b: {  	_ =	swait.ge [sflag:s19], $0x4000  }
0x3c: {  	[sflag:s19] =	ssyncset.done $0x0  }
0x3d: {  	[sflag:s19] =	ssyncadd.s32 $0xFFFFC000  }
0x3e: {  	[tilespmem:s0], [sflag:$0x1] =	stream.linear.gather [hbm4b:s4+s17], $0x4000, $0x38;
	[tilespmem:$0x1C080] =	vst v63  }
0x3f: {  	_ =	swait.ge [sflag:s19], $0x4000  }
0x40: {  	[sflag:s19] =	ssyncset.done $0x0  }
0x41: {  	[sflag:s19] =	ssyncadd.s32 $0xFFFFC000  }
0x42: {  	[spmem:s29] =	stream.linear.scatter [tilespmem:s0], [sflag:$0x1], $0x4000, $0x38;
	[tilespmem:$0x1C080] =	vst v63  }
0x43: {  	_ =	swait.ge [sflag:s19], $0x4000  }
0x44: {  	[sflag:s19] =	ssyncset.done $0x0  }
0x45: {  	[sflag:s19] =	ssyncadd.s32 $0xFFFFC000  }
0x46: {  	[tilespmem:s0], [sflag:$0x1] =	stream.linear.gather [hbm4b:s5+s17], $0x4000, $0x38;
	[tilespmem:$0x1C080] =	vst v63  }
0x47: {  	_ =	swait.ge [sflag:s19], $0x4000  }
0x48: {  	[sflag:s19] =	ssyncset.done $0x0  }
0x49: {  	[sflag:s19] =	ssyncadd.s32 $0xFFFFC000  }
0x4a: {  	[spmem:s30] =	stream.linear.scatter [tilespmem:s0], [sflag:$0x1], $0x4000, $0x38;
	[tilespmem:$0x1C080] =	vst v63  }
0x4b: {  	_ =	swait.ge [sflag:s19], $0x4000  }
0x4c: {  	[sflag:s19] =	ssyncset.done $0x0  }
0x4d: {  	[sflag:s19] =	ssyncadd.s32 $0xFFFFC000  }
0x4e: {  	s7 =	sadd.s32 $0x0, s21;
	[bflag:$0x0] =	sbarrier.arrive $0xFFFF  }
0x4f: {  	[tilespmem:s17], [sflag:$0x1] =	stream.linear.gather [hbm4b:s7+s17], $0x80, $0x38;
	[tilespmem:$0x1C080] =	vst v63  }
0x50: {  	_ =	swait.ge [sflag:s19], $0x80  }
0x51: {  	[sflag:s19] =	ssyncset.done $0x0  }
0x52: {  	[sflag:s19] =	ssyncadd.s32 $0xFFFFFF80  }
0x53: {  	[tilespmem:s0], [sflag:$0x1] =	stream.linear.gather [hbm4b:s18+s17], $0x4000, $0x38;
	[tilespmem:$0x1C080] =	vst v63  }
0x54: {  	_ =	swait.ge [sflag:s19], $0x4000  }
0x55: {  	[sflag:s19] =	ssyncset.done $0x0  }
0x56: {  	[sflag:s19] =	ssyncadd.s32 $0xFFFFC000  }
0x57: {  	[spmem:s22] =	stream.indirect.scatter.add.f32 [tilespmem:s0], [sflag:$0x1], $0x80, s17, s0, $0xb8;
	[tilespmem:$0x1C080] =	vst v63  }
0x58: {  	s8 =	simm.s32 $0x10;
	_ =	swait.ge [sflag:s19], $0x4000  }
0x59: {  	s9 =	simm.s32 $0x20;
	s7 =	sadd.s32 $0x800, s18;
	[sflag:s19] =	ssyncset.done $0x0  }
.LBB2_2:
0x5a: {  	s10 =	sadd.s32 s8, s21  }
0x5b: {  	[sflag:s19] =	ssyncadd.s32 $0xFFFFC000;
	s8 =	smov.u32 s9;
	s11 =	sadd.s32 $0x10, s9  }
0x5c: {  	[tilespmem:s17], [sflag:$0x1] =	stream.linear.gather [hbm4b:s10+s17], $0x80, $0x38;
	[tilespmem:$0x1C080] =	vst v63  }
0x5d: {  	p1 =	sne.s32 s9, $0x260;
	_ =	swait.ge [sflag:s19], $0x80  }
0x5e: {  	[sflag:s19] =	ssyncset.done $0x0  }
0x5f: {  	[sflag:s19] =	ssyncadd.s32 $0xFFFFFF80  }
0x60: {  	[tilespmem:s0], [sflag:$0x1] =	stream.linear.gather [hbm4b:s7+s17], $0x4000, $0x38;
	[tilespmem:$0x1C080] =	vst v63  }
0x61: {  	_ =	swait.ge [sflag:s19], $0x4000  }
.Ltmp0:
0x62: {  	[sflag:s19] =	ssyncset.done $0x0;
	(pc) =	sbr.rel @p1 .LBB2_2-.Ltmp0, $4  }
0x63: {  	[sflag:s19] =	ssyncadd.s32 $0xFFFFC000  }
0x64: {  	[spmem:s22] =	stream.indirect.scatter.add.f32 [tilespmem:s0], [sflag:$0x1], $0x80, s17, s0, $0xb8;
	[tilespmem:$0x1C080] =	vst v63  }
0x65: {  	_ =	swait.ge [sflag:s19], $0x4000  }
0x66: {  	s9 =	smov.u32 s11;
	s7 =	sadd.s32 $0x800, s7;
	[sflag:s19] =	ssyncset.done $0x0  }
0x67: {  	s8 =	sadd.s32 s8, s21;
	[sflag:s19] =	ssyncadd.s32 $0xFFFFC000  }
0x68: {  	[tilespmem:s17], [sflag:$0x1] =	stream.linear.gather [hbm4b:s8+s17], $0x80, $0x38;
	[tilespmem:$0x1C080] =	vst v63  }
0x69: {  	_ =	swait.ge [sflag:s19], $0x80  }
0x6a: {  	[sflag:s19] =	ssyncset.done $0x0  }
0x6b: {  	[sflag:s19] =	ssyncadd.s32 $0xFFFFFF80  }
0x6c: {  	[tilespmem:s0], [sflag:$0x1] =	stream.linear.gather [hbm4b:s7+s17], $0x4000, $0x38;
	[tilespmem:$0x1C080] =	vst v63  }
0x6d: {  	_ =	swait.ge [sflag:s19], $0x4000  }
0x6e: {  	[sflag:s19] =	ssyncset.done $0x0  }
0x6f: {  	[sflag:s19] =	ssyncadd.s32 $0xFFFFC000  }
0x70: {  	[spmem:s22] =	stream.indirect.scatter.add.f32 [tilespmem:s0], [sflag:$0x1], $0x80, s17, s0, $0xb8;
	[tilespmem:$0x1C080] =	vst v63  }
0x71: {  	_ =	swait.ge [sflag:s19], $0x4000  }
0x72: {  	[sflag:s19] =	ssyncset.done $0x0  }
0x73: {  	s8 =	simm.s32 @!p0 $0x1;
	s7 =	simm.s32 @!p0 $0x0;
	[sflag:s19] =	ssyncadd.s32 $0xFFFFC000  }
0x74: {  	[tilespmem:s7], [sflag:$0x1] =	stream.linear.gather @!p0 [hbm4b:s20+s7], $0x80, $0x38;
	[tilespmem:$0x1C080] =	vst v63  }
0x75: {  	_ =	swait.ge @!p0 [sflag:s8], $0x80  }
0x76: {  	[sflag:s8] =	ssyncset.done @!p0 $0x0  }
0x77: {  	s9 =	simm.s32 @!p0 $0x80;
	[sflag:s8] =	ssyncadd.s32 @!p0 $0xFFFFFF80  }
0x78: {  	[tilespmem:s9], [sflag:$0x1] =	stream.linear.gather @!p0 [hbm4b:s16+s7], $0x4000, $0x38;
	[tilespmem:$0x1C080] =	vst v63  }
0x79: {  	_ =	swait.ge @!p0 [sflag:s8], $0x4000  }
0x7a: {  	[sflag:s8] =	ssyncset.done @!p0 $0x0  }
0x7b: {  	[sflag:s8] =	ssyncadd.s32 @!p0 $0xFFFFC000  }
0x7c: {  	[spmem:s22] =	stream.indirect.scatter.add.f32 @!p0 [tilespmem:s9], [sflag:$0x1], $0x80, s7, s9, $0xb8;
	[tilespmem:$0x1C080] =	vst v63  }
0x7d: {  	_ =	swait.ge @!p0 [sflag:s8], $0x4000  }
0x7e: {  	[sflag:s8] =	ssyncset.done @!p0 $0x0  }
0x7f: {  	[sflag:s8] =	ssyncadd.s32 @!p0 $0xFFFFC000  }
0x80: {  	[bflag:$0x0] =	sbarrier.arrive $0xFFFF  }
0x81: {  	[tilespmem:s0], [sflag:$0x1] =	stream.linear.gather [spmem:s24], $0x4000, $0x38;
	[tilespmem:$0x1C080] =	vst v63  }
0x82: {  	_ =	swait.ge [sflag:s19], $0x4000  }
0x83: {  	[sflag:s19] =	ssyncset.done $0x0  }
0x84: {  	s7 =	simm.s32 $0x0;
	s9 =	rddreg [dreg:$0x4];
	[sflag:s19] =	ssyncadd.s32 $0xFFFFC000  }
0x85: {  	[hbm4b:s9+s7] =	stream.linear.scatter [tilespmem:s0], [sflag:$0x1], $0x4000, $0x38;
	[tilespmem:$0x1C080] =	vst v63  }
0x86: {  	_ =	swait.ge [sflag:s19], $0x4000  }
0x87: {  	[sflag:s19] =	ssyncset.done $0x0  }
0x88: {  	[sflag:s19] =	ssyncadd.s32 $0xFFFFC000  }
0x89: {  	[tilespmem:s0], [sflag:$0x1] =	stream.linear.gather [spmem:s26], $0x4000, $0x38;
	[tilespmem:$0x1C080] =	vst v63  }
0x8a: {  	_ =	swait.ge [sflag:s19], $0x4000  }
0x8b: {  	[sflag:s19] =	ssyncset.done $0x0  }
0x8c: {  	s10 =	rddreg [dreg:$0x5];
	[sflag:s19] =	ssyncadd.s32 $0xFFFFC000  }
0x8d: {  	[hbm4b:s10+s7] =	stream.linear.scatter [tilespmem:s0], [sflag:$0x1], $0x4000, $0x38;
	[tilespmem:$0x1C080] =	vst v63  }
0x8e: {  	_ =	swait.ge [sflag:s19], $0x4000  }
0x8f: {  	[sflag:s19] =	ssyncset.done $0x0  }
0x90: {  	[sflag:s19] =	ssyncadd.s32 $0xFFFFC000  }
0x91: {  	[tilespmem:s0], [sflag:$0x1] =	stream.linear.gather [spmem:s28], $0x4000, $0x38;
	[tilespmem:$0x1C080] =	vst v63  }
0x92: {  	_ =	swait.ge [sflag:s19], $0x4000  }
0x93: {  	[sflag:s19] =	ssyncset.done $0x0  }
0x94: {  	s11 =	rddreg [dreg:$0x6];
	[sflag:s19] =	ssyncadd.s32 $0xFFFFC000  }
0x95: {  	[hbm4b:s11+s7] =	stream.linear.scatter [tilespmem:s0], [sflag:$0x1], $0x4000, $0x38;
	[tilespmem:$0x1C080] =	vst v63  }
0x96: {  	_ =	swait.ge [sflag:s19], $0x4000  }
0x97: {  	[sflag:s19] =	ssyncset.done $0x0  }
0x98: {  	[sflag:s19] =	ssyncadd.s32 $0xFFFFC000  }
0x99: {  	[tilespmem:s0], [sflag:$0x1] =	stream.linear.gather [spmem:s29], $0x4000, $0x38;
	[tilespmem:$0x1C080] =	vst v63  }
0x9a: {  	_ =	swait.ge [sflag:s19], $0x4000  }
0x9b: {  	[sflag:s19] =	ssyncset.done $0x0  }
0x9c: {  	s9 =	rddreg [dreg:$0x7];
	[sflag:s19] =	ssyncadd.s32 $0xFFFFC000  }
0x9d: {  	[hbm4b:s9+s7] =	stream.linear.scatter [tilespmem:s0], [sflag:$0x1], $0x4000, $0x38;
	[tilespmem:$0x1C080] =	vst v63  }
0x9e: {  	_ =	swait.ge [sflag:s19], $0x4000  }
0x9f: {  	[sflag:s19] =	ssyncset.done $0x0  }
0xa0: {  	[sflag:s19] =	ssyncadd.s32 $0xFFFFC000  }
0xa1: {  	[tilespmem:s0], [sflag:$0x1] =	stream.linear.gather [spmem:s30], $0x4000, $0x38;
	[tilespmem:$0x1C080] =	vst v63  }
0xa2: {  	_ =	swait.ge [sflag:s19], $0x4000  }
0xa3: {  	[sflag:s19] =	ssyncset.done $0x0  }
0xa4: {  	s10 =	rddreg [dreg:$0x8];
	[sflag:s19] =	ssyncadd.s32 $0xFFFFC000  }
0xa5: {  	[hbm4b:s10+s7] =	stream.linear.scatter [tilespmem:s0], [sflag:$0x1], $0x4000, $0x38;
	[tilespmem:$0x1C080] =	vst v63  }
0xa6: {  	_ =	swait.ge [sflag:s19], $0x4000  }
0xa7: {  	[sflag:s19] =	ssyncset.done $0x0  }
0xa8: {  	[sflag:s19] =	ssyncadd.s32 $0xFFFFC000  }
0xa9: {  	[bflag:$0x0] =	sbarrier.arrive $0xFFFF  }
0xaa: {  	[tilespmem:s0], [sflag:$0x1] =	stream.linear.gather [hbm4b:s1+s7], $0x4000, $0x38;
	[tilespmem:$0x1C080] =	vst v63  }
0xab: {  	_ =	swait.ge [sflag:s19], $0x4000  }
0xac: {  	[sflag:s19] =	ssyncset.done $0x0  }
0xad: {  	[sflag:s19] =	ssyncadd.s32 $0xFFFFC000  }
0xae: {  	[spmem:s24] =	stream.linear.scatter [tilespmem:s0], [sflag:$0x1], $0x4000, $0x38;
	[tilespmem:$0x1C080] =	vst v63  }
0xaf: {  	_ =	swait.ge [sflag:s19], $0x4000  }
0xb0: {  	[sflag:s19] =	ssyncset.done $0x0  }
0xb1: {  	[sflag:s19] =	ssyncadd.s32 $0xFFFFC000  }
0xb2: {  	[tilespmem:s0], [sflag:$0x1] =	stream.linear.gather [hbm4b:s2+s7], $0x4000, $0x38;
	[tilespmem:$0x1C080] =	vst v63  }
0xb3: {  	_ =	swait.ge [sflag:s19], $0x4000  }
0xb4: {  	[sflag:s19] =	ssyncset.done $0x0  }
0xb5: {  	[sflag:s19] =	ssyncadd.s32 $0xFFFFC000  }
0xb6: {  	[spmem:s26] =	stream.linear.scatter [tilespmem:s0], [sflag:$0x1], $0x4000, $0x38;
	[tilespmem:$0x1C080] =	vst v63  }
0xb7: {  	_ =	swait.ge [sflag:s19], $0x4000  }
0xb8: {  	[sflag:s19] =	ssyncset.done $0x0  }
0xb9: {  	[sflag:s19] =	ssyncadd.s32 $0xFFFFC000  }
0xba: {  	[tilespmem:s0], [sflag:$0x1] =	stream.linear.gather [hbm4b:s3+s7], $0x4000, $0x38;
	[tilespmem:$0x1C080] =	vst v63  }
0xbb: {  	_ =	swait.ge [sflag:s19], $0x4000  }
0xbc: {  	[sflag:s19] =	ssyncset.done $0x0  }
0xbd: {  	[sflag:s19] =	ssyncadd.s32 $0xFFFFC000  }
0xbe: {  	[spmem:s28] =	stream.linear.scatter [tilespmem:s0], [sflag:$0x1], $0x4000, $0x38;
	[tilespmem:$0x1C080] =	vst v63  }
0xbf: {  	_ =	swait.ge [sflag:s19], $0x4000  }
0xc0: {  	[sflag:s19] =	ssyncset.done $0x0  }
0xc1: {  	[sflag:s19] =	ssyncadd.s32 $0xFFFFC000  }
0xc2: {  	[tilespmem:s0], [sflag:$0x1] =	stream.linear.gather [hbm4b:s4+s7], $0x4000, $0x38;
	[tilespmem:$0x1C080] =	vst v63  }
0xc3: {  	_ =	swait.ge [sflag:s19], $0x4000  }
0xc4: {  	[sflag:s19] =	ssyncset.done $0x0  }
0xc5: {  	[sflag:s19] =	ssyncadd.s32 $0xFFFFC000  }
0xc6: {  	[spmem:s29] =	stream.linear.scatter [tilespmem:s0], [sflag:$0x1], $0x4000, $0x38;
	[tilespmem:$0x1C080] =	vst v63  }
0xc7: {  	_ =	swait.ge [sflag:s19], $0x4000  }
0xc8: {  	[sflag:s19] =	ssyncset.done $0x0  }
0xc9: {  	[sflag:s19] =	ssyncadd.s32 $0xFFFFC000  }
0xca: {  	[tilespmem:s0], [sflag:$0x1] =	stream.linear.gather [hbm4b:s5+s7], $0x4000, $0x38;
	[tilespmem:$0x1C080] =	vst v63  }
0xcb: {  	_ =	swait.ge [sflag:s19], $0x4000  }
0xcc: {  	[sflag:s19] =	ssyncset.done $0x0  }
0xcd: {  	[sflag:s19] =	ssyncadd.s32 $0xFFFFC000  }
0xce: {  	[spmem:s30] =	stream.linear.scatter [tilespmem:s0], [sflag:$0x1], $0x4000, $0x38;
	[tilespmem:$0x1C080] =	vst v63  }
0xcf: {  	_ =	swait.ge [sflag:s19], $0x4000  }
0xd0: {  	[sflag:s19] =	ssyncset.done $0x0  }
0xd1: {  	[sflag:s19] =	ssyncadd.s32 $0xFFFFC000  }
0xd2: {  	s11 =	sadd.s32 $0x0, s21;
	[bflag:$0x0] =	sbarrier.arrive $0xFFFF  }
0xd3: {  	[tilespmem:s17], [sflag:$0x1] =	stream.linear.gather [hbm4b:s11+s17], $0x80, $0x38;
	[tilespmem:$0x1C080] =	vst v63  }
0xd4: {  	_ =	swait.ge [sflag:s19], $0x80  }
0xd5: {  	[sflag:s19] =	ssyncset.done $0x0  }
0xd6: {  	[sflag:s19] =	ssyncadd.s32 $0xFFFFFF80  }
0xd7: {  	[spmem:s22] =	stream.indirect.scatter.add.f32 [tilespmem:s31], [sflag:$0x1], $0x80, s17, s0, $0xb8;
	[tilespmem:$0x1C080] =	vst v63  }
0xd8: {  	_ =	swait.ge [sflag:s19], $0x4000  }
0xd9: {  	s8 =	simm.s32 $0x20;
	s7 =	simm.s32 $0x10;
	[sflag:s19] =	ssyncset.done $0x0  }
.LBB2_4:
0xda: {  	s9 =	sadd.s32 s7, s21  }
0xdb: {  	[sflag:s19] =	ssyncadd.s32 $0xFFFFC000;
	s7 =	smov.u32 s8;
	s10 =	sadd.s32 $0x10, s8  }
0xdc: {  	[tilespmem:s17], [sflag:$0x1] =	stream.linear.gather [hbm4b:s9+s17], $0x80, $0x38;
	[tilespmem:$0x1C080] =	vst v63  }
0xdd: {  	p1 =	sne.s32 s8, $0x260;
	_ =	swait.ge [sflag:s19], $0x80  }
.Ltmp1:
0xde: {  	[sflag:s19] =	ssyncset.done $0x0;
	(pc) =	sbr.rel @p1 .LBB2_4-.Ltmp1, $4  }
0xdf: {  	[sflag:s19] =	ssyncadd.s32 $0xFFFFFF80  }
0xe0: {  	[spmem:s22] =	stream.indirect.scatter.add.f32 [tilespmem:s31], [sflag:$0x1], $0x80, s17, s0, $0xb8;
	[tilespmem:$0x1C080] =	vst v63  }
0xe1: {  	_ =	swait.ge [sflag:s19], $0x4000  }
0xe2: {  	s8 =	smov.u32 s10;
	[sflag:s19] =	ssyncset.done $0x0  }
0xe3: {  	s7 =	sadd.s32 s7, s21;
	[sflag:s19] =	ssyncadd.s32 $0xFFFFC000  }
0xe4: {  	[tilespmem:s17], [sflag:$0x1] =	stream.linear.gather [hbm4b:s7+s17], $0x80, $0x38;
	[tilespmem:$0x1C080] =	vst v63  }
0xe5: {  	_ =	swait.ge [sflag:s19], $0x80  }
0xe6: {  	[sflag:s19] =	ssyncset.done $0x0  }
0xe7: {  	[sflag:s19] =	ssyncadd.s32 $0xFFFFFF80  }
0xe8: {  	[spmem:s22] =	stream.indirect.scatter.add.f32 [tilespmem:s31], [sflag:$0x1], $0x80, s17, s0, $0xb8;
	[tilespmem:$0x1C080] =	vst v63  }
0xe9: {  	_ =	swait.ge [sflag:s19], $0x4000  }
0xea: {  	[sflag:s19] =	ssyncset.done $0x0  }
0xeb: {  	s8 =	simm.s32 @!p0 $0x1;
	s7 =	simm.s32 @!p0 $0x0;
	[sflag:s19] =	ssyncadd.s32 $0xFFFFC000  }
0xec: {  	[tilespmem:s7], [sflag:$0x1] =	stream.linear.gather @!p0 [hbm4b:s20+s7], $0x80, $0x38;
	[tilespmem:$0x1C080] =	vst v63  }
0xed: {  	_ =	swait.ge @!p0 [sflag:s8], $0x80  }
0xee: {  	[sflag:s8] =	ssyncset.done @!p0 $0x0  }
0xef: {  	s9 =	simm.s32 @!p0 $0x80;
	s10 =	simm.s32 @!p0 $0x4080;
	[sflag:s8] =	ssyncadd.s32 @!p0 $0xFFFFFF80  }
0xf0: {  	[spmem:s22] =	stream.indirect.scatter.add.f32 @!p0 [tilespmem:s10], [sflag:$0x1], $0x80, s7, s9, $0xb8;
	[tilespmem:$0x1C080] =	vst v63  }
0xf1: {  	_ =	swait.ge @!p0 [sflag:s8], $0x4000  }
0xf2: {  	[sflag:s8] =	ssyncset.done @!p0 $0x0  }
0xf3: {  	[sflag:s8] =	ssyncadd.s32 @!p0 $0xFFFFC000  }
0xf4: {  	[bflag:$0x0] =	sbarrier.arrive $0xFFFF  }
0xf5: {  	[tilespmem:s0], [sflag:$0x1] =	stream.linear.gather [spmem:s24], $0x4000, $0x38;
	[tilespmem:$0x1C080] =	vst v63  }
0xf6: {  	_ =	swait.ge [sflag:s19], $0x4000  }
0xf7: {  	[sflag:s19] =	ssyncset.done $0x0  }
0xf8: {  	s11 =	rddreg [dreg:$0x9];
	[sflag:s19] =	ssyncadd.s32 $0xFFFFC000  }
0xf9: {  	[hbm4b:s11+s17] =	stream.linear.scatter [tilespmem:s0], [sflag:$0x1], $0x4000, $0x38;
	[tilespmem:$0x1C080] =	vst v63  }
0xfa: {  	_ =	swait.ge [sflag:s19], $0x4000  }
0xfb: {  	[sflag:s19] =	ssyncset.done $0x0  }
0xfc: {  	[sflag:s19] =	ssyncadd.s32 $0xFFFFC000  }
0xfd: {  	[tilespmem:s0], [sflag:$0x1] =	stream.linear.gather [spmem:s26], $0x4000, $0x38;
	[tilespmem:$0x1C080] =	vst v63  }
0xfe: {  	_ =	swait.ge [sflag:s19], $0x4000  }
0xff: {  	[sflag:s19] =	ssyncset.done $0x0  }
0x100: {  	[sflag:s19] =	ssyncadd.s32 $0xFFFFC000  }
0x101: {  	[hbm4b:s12+s17] =	stream.linear.scatter [tilespmem:s0], [sflag:$0x1], $0x4000, $0x38;
	[tilespmem:$0x1C080] =	vst v63  }
0x102: {  	_ =	swait.ge [sflag:s19], $0x4000  }
0x103: {  	[sflag:s19] =	ssyncset.done $0x0  }
0x104: {  	[sflag:s19] =	ssyncadd.s32 $0xFFFFC000  }
0x105: {  	[tilespmem:s0], [sflag:$0x1] =	stream.linear.gather [spmem:s28], $0x4000, $0x38;
	[tilespmem:$0x1C080] =	vst v63  }
0x106: {  	_ =	swait.ge [sflag:s19], $0x4000  }
0x107: {  	[sflag:s19] =	ssyncset.done $0x0  }
0x108: {  	[sflag:s19] =	ssyncadd.s32 $0xFFFFC000  }
0x109: {  	[hbm4b:s13+s17] =	stream.linear.scatter [tilespmem:s0], [sflag:$0x1], $0x4000, $0x38;
	[tilespmem:$0x1C080] =	vst v63  }
0x10a: {  	_ =	swait.ge [sflag:s19], $0x4000  }
0x10b: {  	[sflag:s19] =	ssyncset.done $0x0  }
0x10c: {  	[sflag:s19] =	ssyncadd.s32 $0xFFFFC000  }
0x10d: {  	[tilespmem:s0], [sflag:$0x1] =	stream.linear.gather [spmem:s29], $0x4000, $0x38;
	[tilespmem:$0x1C080] =	vst v63  }
0x10e: {  	_ =	swait.ge [sflag:s19], $0x4000  }
0x10f: {  	[sflag:s19] =	ssyncset.done $0x0  }
0x110: {  	[sflag:s19] =	ssyncadd.s32 $0xFFFFC000  }
0x111: {  	[hbm4b:s14+s17] =	stream.linear.scatter [tilespmem:s0], [sflag:$0x1], $0x4000, $0x38;
	[tilespmem:$0x1C080] =	vst v63  }
0x112: {  	_ =	swait.ge [sflag:s19], $0x4000  }
0x113: {  	[sflag:s19] =	ssyncset.done $0x0  }
0x114: {  	[sflag:s19] =	ssyncadd.s32 $0xFFFFC000  }
0x115: {  	[tilespmem:s0], [sflag:$0x1] =	stream.linear.gather [spmem:s30], $0x4000, $0x38;
	[tilespmem:$0x1C080] =	vst v63  }
0x116: {  	s6 =	sadd.s32 $0x1, s6;
	_ =	swait.ge [sflag:s19], $0x4000  }
0x117: {  	p1 =	sne.s32 s6, s25;
	[sflag:s19] =	ssyncset.done $0x0  }
.Ltmp2:
0x118: {  	[sflag:s19] =	ssyncadd.s32 $0xFFFFC000;
	(pc) =	sbr.rel @p1 .LBB2_1-.Ltmp2, $4  }
0x119: {  	[hbm4b:s15+s17] =	stream.linear.scatter [tilespmem:s0], [sflag:$0x1], $0x4000, $0x38;
	[tilespmem:$0x1C080] =	vst v63  }
0x11a: {  	_ =	swait.ge [sflag:s19], $0x4000  }
0x11b: {  	[sflag:s19] =	ssyncset.done $0x0  }
0x11c: {  	[sflag:s19] =	ssyncadd.s32 $0xFFFFC000  }
0x11d: {  	_ =	sfence.sel $0x180000  }
0x11e: {  	[bflag:$0x0] =	sbarrier.arrive $0xFFFF  }
0x11f: {  	_ =	strace $0x9000004D  }
0x120: {  	s0 =	stileid.u32;
	[bflag:$0x2] =	sbarrier.arrive $0xFFFF  }
0x121: {  	p0 =	sne.s32 s0, $0x0;
	s0 =	rddreg [dreg:$0x3]  }
0x122: {  	s0 =	sadd.s32 @!p0 $0x100000, s0  }
0x123: {  	[sflag:s0] =	ssyncadd.tile.s32 @!p0 $0x1;
	_ =	shalt  }
.Lfunc_end2:
_tile_overlayer_lowered:
.L_overlay_start_2:
0x124: {  	(tag) =	ssettag $0x2  }
0x125: {  	s0 =	rddreg [dreg:$0x0];
	s2 =	stileid.u32  }
0x126: {  	s1 =	rddreg [dreg:$0x1];
	p0 =	sne.s32 s2, $0x0  }
0x127: {  	s3 =	rddreg [dreg:$0x2];
	[bflag:$0x3] =	sbarrier.arrive $0xFFFF;
	s2 =	simm.s32 @!p0 $0x1C01  }
0x128: {  	[timem:s3], [sflag:s2] =	dma.local @!p0 [hbm:s0], s1  }
0x129: {  	s0 =	simm.s32 @!p0 $0x1  }
0x12a: {  	_ =	swait.ge @!p0 [sflag:s0], s1  }
0x12b: {  	s1 =	ssub.s32 @!p0 $0x0, s1;
	[sflag:s0] =	ssyncset.done @!p0 $0x0  }
0x12c: {  	[sflag:s0] =	ssyncadd.s32 @!p0 s1  }
0x12d: {  	[bflag:$0x3] =	sbarrier.arrive $0xFFFF  }
0x12e: {  	_ =	shalt  }

// kernel: edge_scatter.7.cloned.1.call-start
scs
__scs_entry_jumppad:
0x0: {  	(pc) =	sbr.rel $0x88, $3  }
0x1: {  	(tag) =	ssettag $0x0;
	lr =	simm.s32 $0x1  }
0x2: {  	[smem:$0x3F8E] =	sst lr;
	_ =	strace $0xD0000000  }
0x3: {  	_ = 	snop  }
0x4: {  	_ = 	snop  }
0x5: {  	_ = 	snop  }
0x6: {  	_ = 	snop  }
0x7: {  	_ = 	snop  }
__scs_overlays_trampoline_lowered:
0x8: {  	[smem:$0x3F9D] =	sst s0  }
0x9: {  	[smem:$0x3F9E] =	sst s1  }
0xa: {  	[smem:$0x3F9F] =	sst s2  }
0xb: {  	[smem:$0x3FA0] =	sst s3  }
0xc: {  	[smem:$0x3FA1] =	sst s4  }
0xd: {  	[smem:$0x3FA2] =	sst s5  }
0xe: {  	[smem:$0x3FA3] =	sst s6  }
0xf: {  	[smem:$0x3FA4] =	sst s7  }
0x10: {  	[smem:$0x3FA5] =	sst s8  }
0x11: {  	[smem:$0x3FA6] =	sst s9;
	s0 =	simm.s32 @!p0 $0x0  }
0x12: {  	s1 =	sld [smem:$0x3F8C];
	s0 =	simm.s32 @p0 $0x1  }
0x13: {  	[smem:$0x3FA7] =	sst s0;
	s0 =	simm.s32 @!p1 $0x0  }
0x14: {  	s2 =	sld [smem:$0x3F8B];
	s0 =	simm.s32 @p1 $0x1  }
0x15: {  	[smem:$0x3FA8] =	sst s0;
	s0 =	simm.s32 @!p2 $0x0  }
0x16: {  	s3 =	sld [smem:$0x3FDB];
	s0 =	simm.s32 @p2 $0x1  }
0x17: {  	s4 =	simm.s32 $0x1BF5;
	[smem:$0x3FAA] =	sst s0  }
0x18: {  	s0 =	sld [smem:$0x3F8D];
	_ =	swait.ge [sflag:s4], $0x0  }
0x19: {  	s7 =	sld [smem:$0x3F8E]  }
0x1a: {  	s8 =	sadd.s32 $0xFFFFE003, lr  }
0x1b: {  	s9 =	sadd.s32 $0xFFFFFEF7, lr;
	s5 =	simm.s32 $0xFFFFFFFF;
	p2 =	slt.u32 s8, $0xFFFFF086  }
0x1c: {  	p1 =	slt.u32 s9, $0xF7A;
	s5 =	simm.s32 @!p2 $0x0  }
0x1d: {  	s5 =	simm.s32 @p1 $0x1;
	p0 =	seq.s32 s7, s2  }
0x1e: {  	s7 =	smul.u32 @!p0 $0xF7A, s2;
	p2 =	seq.s32 @!p0 s5, $0x0  }
0x1f: {  	s9 =	smul.u32 $0xF7A, s1;
	s8 =	simm.s32 @!p0 $0x1BF5;
	p2 =	por !p2, p0  }
0x20: {  	[sflag:s8] =	ssyncset.s32 @!p0 $0xFFFFF086;
	s6 =	sadd.s32 @!p0 s3, s7;
	s7 =	simm.s32 @!p0 $0x108  }
0x21: {  	s3 =	sadd.s32 s3, s9;
	s6 =	sadd.s32 @!p0 $0x88, s6;
	s7 =	simm.s32 @p2 $0x1082  }
0x22: {  	[simem:s7], [sflag:s8] =	dma.local @!p0 [hbm:s6], $0xF7A  }
0x23: {  	s9 =	sor.u32 $0xD0000000, s2;
	s6 =	simm.s32 $0x108;
	_ =	swait.ge @!p0 [sflag:s8], $0x0  }
0x24: {  	s3 =	sadd.s32 $0x88, s3;
	s6 =	simm.s32 @!p1 $0x1082;
	[sflag:s4] =	ssyncset.s32 $0xFFFFF086  }
0x25: {  	[simem:s6], [sflag:s4] =	dma.local [hbm:s3], $0xF7A  }
0x26: {  	[smem:$0x3F8E] =	sst s1;
	(tag) =	ssettag s2;
	_ =	strace s9  }
0x27: {  	s1 =	sld [smem:$0x3F9E]  }
0x28: {  	s2 =	sld [smem:$0x3F9F]  }
0x29: {  	s4 =	sld [smem:$0x3FA1]  }
0x2a: {  	p0 =	seq.s32 s5, $0x0;
	s5 =	sld [smem:$0x3FA2]  }
0x2b: {  	s6 =	sld [smem:$0x3FA3]  }
0x2c: {  	s7 =	sld [smem:$0x3FA4]  }
0x2d: {  	s3 =	simm.s32 $0x108;
	s8 =	sld [smem:$0x3FA5]  }
0x2e: {  	s3 =	simm.s32 @!p0 $0x1082;
	s9 =	sld [smem:$0x3FA6]  }
0x2f: {  	lr =	sadd.s32 s0, s3;
	s0 =	sld [smem:$0x3F9D]  }
0x30: {  	s3 =	sld [smem:$0x3FA0]  }
0x31: {  	[smem:$0x3FA9] =	sst s10  }
0x32: {  	s10 =	sld [smem:$0x3FA7];
	_ =	sdelay $0x3  }
0x33: {  	p0 =	seq.s32 s10, $0x1;
	s10 =	sld [smem:$0x3FA9];
	_ =	sdelay $0x3  }
0x34: {  	[smem:$0x3FA9] =	sst s10  }
0x35: {  	s10 =	sld [smem:$0x3FA8];
	_ =	sdelay $0x3  }
0x36: {  	p1 =	seq.s32 s10, $0x1;
	s10 =	sld [smem:$0x3FA9];
	_ =	sdelay $0x3  }
0x37: {  	[smem:$0x3FA9] =	sst s10  }
0x38: {  	s10 =	sld [smem:$0x3FAA]  }
0x39: {  	_ = 	snop;
	(pc) =	sbr.ind lr, $3  }
0x3a: {  	_ = 	snop  }
0x3b: {  	_ = 	snop  }
0x3c: {  	p2 =	seq.s32 s10, $0x1;
	s10 =	sld [smem:$0x3FA9]  }
0x3d: {  	_ =	shalt  }
0x3e: {  	_ =	shalt  }
0x3f: {  	_ =	shalt  }
0x40: {  	_ =	shalt  }
0x41: {  	_ =	shalt  }
0x42: {  	_ =	shalt  }
0x43: {  	_ =	shalt  }
0x44: {  	_ =	shalt  }
0x45: {  	_ =	shalt  }
0x46: {  	_ =	shalt  }
0x47: {  	_ =	shalt  }
0x48: {  	_ =	shalt  }
0x49: {  	_ =	shalt  }
0x4a: {  	_ =	shalt  }
0x4b: {  	_ =	shalt  }
0x4c: {  	_ =	shalt  }
0x4d: {  	_ =	shalt  }
0x4e: {  	_ =	shalt  }
0x4f: {  	_ =	shalt  }
0x50: {  	_ =	shalt  }
0x51: {  	_ =	shalt  }
0x52: {  	_ =	shalt  }
0x53: {  	_ =	shalt  }
0x54: {  	_ =	shalt  }
0x55: {  	_ =	shalt  }
0x56: {  	_ =	shalt  }
0x57: {  	_ =	shalt  }
0x58: {  	_ =	shalt  }
0x59: {  	_ =	shalt  }
0x5a: {  	_ =	shalt  }
0x5b: {  	_ =	shalt  }
0x5c: {  	_ =	shalt  }
0x5d: {  	_ =	shalt  }
0x5e: {  	_ =	shalt  }
0x5f: {  	_ =	shalt  }
0x60: {  	_ =	shalt  }
0x61: {  	_ =	shalt  }
0x62: {  	_ =	shalt  }
0x63: {  	_ =	shalt  }
0x64: {  	_ =	shalt  }
0x65: {  	_ =	shalt  }
0x66: {  	_ =	shalt  }
0x67: {  	_ =	shalt  }
0x68: {  	_ =	shalt  }
0x69: {  	_ =	shalt  }
0x6a: {  	_ =	shalt  }
0x6b: {  	_ =	shalt  }
0x6c: {  	_ =	shalt  }
0x6d: {  	_ =	shalt  }
0x6e: {  	_ =	shalt  }
0x6f: {  	_ =	shalt  }
0x70: {  	_ =	shalt  }
0x71: {  	_ =	shalt  }
0x72: {  	_ =	shalt  }
0x73: {  	_ =	shalt  }
0x74: {  	_ =	shalt  }
0x75: {  	_ =	shalt  }
0x76: {  	_ =	shalt  }
0x77: {  	_ =	shalt  }
0x78: {  	_ =	shalt  }
0x79: {  	_ =	shalt  }
0x7a: {  	_ =	shalt  }
0x7b: {  	_ =	shalt  }
0x7c: {  	_ =	shalt  }
0x7d: {  	_ =	shalt  }
0x7e: {  	_ =	shalt  }
0x7f: {  	_ =	shalt  }
0x80: {  	_ =	shalt  }
0x81: {  	_ =	shalt  }
0x82: {  	_ =	shalt  }
0x83: {  	_ =	shalt  }
0x84: {  	_ =	shalt  }
0x85: {  	_ =	shalt  }
0x86: {  	_ =	shalt  }
0x87: {  	_ =	shalt  }
.Lfunc_end0:
.L_simem_size_0:
called_computation.3_lowered:
.L_overlay_start_0:
0x88: {  	s2 =	sld [smem:$0x3FD9]  }
0x89: {  	s3 =	sld [smem:$0x3FFE];
	_ =	sdelay $0x1  }
0x8a: {  	s1 =	srdreg.scid  }
0x8b: {  	s0 =	sand.u32 $0x1, s1  }
0x8c: {  	s15 =	sshll.u32 s0, $0xA;
	s2 =	sadd.s32 s3, s2  }
0x8d: {  	s2 =	sadd.s32 s2, s15  }
0x8e: {  	[smem:$0x3FB5] =	sst s2  }
0x8f: {  	_ = 	snop  }
0x90: {  	s2 =	sld [smem:$0x3FD0];
	_ =	sdelay $0x2  }
0x91: {  	s16 =	simm.s32 $0xB;
	s4 =	simm.s32 $0x10  }
0x92: {  	[smem:s4], [sflag:s16] =	dma.local [hbm:s2], $0x1  }
0x93: {  	_ =	swait.eq [sflag:s16], $0x1  }
0x94: {  	[sflag:s16] =	ssyncset.done $0x0  }
0x95: {  	[sflag:s16] =	ssyncadd.s32 $0xFFFFFFFF  }
0x96: {  	s17 =	sld [smem:$0x12];
	(tm) =	ssettm $0x1  }
0x97: {  	s18 =	sld [smem:$0x3FFB];
	_ =	sdelay $0x3  }
0x98: {  	_ =	strace s18  }
0x99: {  	s2 =	sld [smem:$0x3FFC];
	_ =	sdelay $0x3  }
0x9a: {  	_ =	strace s2  }
0x9b: {  	s2 =	sld [smem:$0x3FFD];
	_ =	sdelay $0x3  }
0x9c: {  	_ =	strace s2  }
0x9d: {  	_ =	strace $0x8FFFFFFF  }
0x9e: {  	s19 =	sld [smem:$0x3FDB];
	_ =	sdelay $0x1  }
0x9f: {  	s20 =	simm.s32 $_scs_section_size  }
0xa0: {  	s5 =	simm.s32 $_size__tile_overlayer_lowered;
	s6 =	simm.s32 $_tile_overlayer_lowered  }
0xa1: {  	s7 =	simm.s32 $0x1BFF;
	s21 =	sshll.u32 s6, $0x1;
	s4 =	sadd.s32 s20, s19  }
0xa2: {  	s22 =	simm.s32 $0x0;
	s5 =	sshll.u32 s5, $0x1;
	s6 =	sadd.s32 s21, s4  }
0xa3: {  	[timem:s22], [sflag:s7] =	dma.local [hbm:s6], s5  }
0xa4: {  	_ =	swait.ge [sflag:s7], s5  }
0xa5: {  	s5 =	ssub.s32 $0x0, s5;
	[sflag:s7] =	ssyncset.done $0x0  }
0xa6: {  	[sflag:s7] =	ssyncadd.s32 s5;
	_ =	sdelay $0x1  }
0xa7: {  	s23 =	simm.s32 $0x1B8B  }
0xa8: {  	_ =	swait.ge [sflag:s23], $0x1  }
0xa9: {  	[sflag:s23] =	ssyncset.done $0x0  }
0xaa: {  	[sflag:s23] =	ssyncadd.s32 $0xFFFFFFFF  }
0xab: {  	s5 =	sld [smem:$0x0]  }
0xac: {  	s6 =	sand.u32 $0xFFFFFFFE, s1  }
0xad: {  	p0 =	sne.s32 s1, s6  }
0xae: {  	s6 =	sshll.u32 @p0 s6, $0xE  }
0xaf: {  	s6 =	sadd.s32 @p0 $0x11B8D, s6;
	s7 =	sshll.u32 @p0 s5, $0x11  }
0xb0: {  	s6 =	sor.u32 @p0 s7, s6  }
0xb1: {  	[sflag:s6] =	ssyncadd.remote.s32 @p0 $0x1;
	_ =	sdelay $0x1  }
0xb2: {  	s6 =	simm.s32 @p0 $0x1B8D  }
0xb3: {  	_ =	swait.eq @p0 [sflag:s6], $0x1  }
0xb4: {  	[sflag:s6] =	ssyncadd.s32 @p0 $0xFFFFFFFF  }
0xb5: {  	s7 =	sshll.u32 @!p0 s1, $0xE  }
0xb6: {  	s7 =	sor.u32 @!p0 $0x4000, s7;
	s6 =	simm.s32 @!p0 $0x1B8D  }
0xb7: {  	s5 =	sshll.u32 @!p0 s5, $0x11;
	s7 =	sadd.s32 @!p0 $0x11B8D, s7;
	_ =	swait.eq @!p0 [sflag:s6], $0x1  }
0xb8: {  	s5 =	sor.u32 @!p0 s5, s7;
	[sflag:s6] =	ssyncadd.s32 @!p0 $0xFFFFFFFF  }
0xb9: {  	s25 =	simm.s32 $0x1B8E;
	s24 =	sld [smem:$0x3FFE];
	[sflag:s5] =	ssyncadd.remote.s32 @!p0 $0x1  }
0xba: {  	s26 =	simm.s32 $execute0_lowered;
	[smem:$0x3FD2] =	sst s25  }
0xbb: {  	s6 =	sshll.u32 s26, $0x1;
	_ =	strace $0x8000004F;
	[dreg:$0x1] =	wrdreg $0xFFFFFFFF  }
0xbc: {  	s28 =	simm.s32 $_size_execute0_lowered;
	s4 =	sadd.s32 s4, s6;
	[dreg:$0x0] =	wrdreg $0x0  }
0xbd: {  	s6 =	sshll.u32 s28, $0x1;
	[dreg:$0x2] =	wrdreg s4  }
0xbe: {  	[dreg:$0x3] =	wrdreg s6  }
0xbf: {  	[dreg:$0x4] =	wrdreg $0xC0  }
0xc0: {  	_ =	task [dreg:s22], $0x5FFFF  }
0xc1: {  	[dreg:$0x1] =	wrdreg $0xFFFFFFFF  }
0xc2: {  	[dreg:$0x0] =	wrdreg $0x60  }
0xc3: {  	[dreg:$0x2] =	wrdreg s17  }
0xc4: {  	[dreg:$0x3] =	wrdreg s24  }
0xc5: {  	[dreg:$0x4] =	wrdreg $0x80800  }
0xc6: {  	[dreg:$0x5] =	wrdreg $0xA  }
0xc7: {  	_ =	task.clear_ibuf [dreg:s22], $0x6FFFF;
	_ =	strace $0x9000004F  }
0xc8: {  	s29 =	simm.s32 $0xA;
	_ =	strace $0x80000051  }
0xc9: {  	_ =	swait.ge [sflag:s29], $0x1  }
0xca: {  	[sflag:s29] =	ssyncadd.s32 $0xFFFFFFFF  }
0xcb: {  	_ =	strace $0x90000051  }
0xcc: {  	_ =	sfence  }
0xcd: {  	s30 =	sld [smem:$0x0];
	_ =	sdelay $0x2  }
0xce: {  	s31 =	sshll.u32 s1, $0xD;
	s1 =	sshrl.u32 s1, $0x2  }
0xcf: {  	s4 =	sand.u32 $0x4000, s31;
	s1 =	sadd.s32 s1, s30  }
0xd0: {  	s0 =	sor.u32 s4, s0;
	s1 =	sshll.u32 s1, $0x11  }
0xd1: {  	s0 =	sor.u32 s1, s0  }
0xd2: {  	s0 =	sadd.s32 $0x8F2B, s0  }
0xd3: {  	[sflag:s0] =	ssyncadd.remote.s32 $0x1  }
0xd4: {  	_ =	sfence.sel $0xFFFF  }
0xd5: {  	[dreg:$0x0] =	wrdreg $0xFFFFFFFF;
	(pc) =	sbr.abs _section_cstart, $3  }
0xd6: {  	[dreg:$0x1] =	wrdreg $0xFFFFFFFF  }
0xd7: {  	_ =	task.clear_ibuf [dreg:s22], $0x2FFFF;
	_ =	strace $0x9FFFFFFF  }
0xd8: {  	(tm) =	ssettm $0x7FFFFFFF  }
0xd9: {  	_ =	shalt  }
tec
execute0_lowered:
.L_overlay_start_1:
0x0: {  	(tag) =	ssettag $0x1  }
0x1: {  	s22 =	stileid.u32  }
0x2: {  	s0 =	srdreg.scid;
	s4 =	smul.u32 $0x280, s22  }
0x3: {  	s31 =	simm.s32 $0x4080;
	s8 =	sand.u32 $0x1, s0;
	s21 =	smul.u32 $0x2800, s22  }
0x4: {  	s0 =	rddreg [dreg:$0x1];
	s18 =	smul.u32 $0x14000, s22;
	s1 =	sshll.u32 s8, $0x4  }
0x5: {  	s5 =	sadd.s32 $0x80800, s0;
	s9 =	sadd.s32 $0x149000, s0;
	s10 =	smul.u32 $0x140000, s8  }
0x6: {  	s19 =	ssub.s32 $0x2, s8;
	s15 =	sadd.s32 $0x199000, s0;
	s8 =	smul.u32 $0x270, s8  }
0x7: {  	s6 =	sor.u32 s22, s1;
	s3 =	sshrl.u32 s19, $0x1;
	s23 =	sadd.s32 $0x80, s4  }
0x8: {  	s11 =	sadd.s32 $0x100, s4;
	s1 =	sadd.s32 s5, s21;
	s25 =	sadd.s32 $0x180, s4  }
0x9: {  	s14 =	sadd.s32 $0x200, s4;
	s2 =	smul.u32 $0x27, s6;
	s16 =	smin.u32 s6, $0x2  }
0xa: {  	s7 =	ssub.s32 s19, s3;
	s24 =	sshll.u32 s23, $0x4;
	s12 =	sshll.u32 s11, $0x4  }
0xb: {  	s19 =	sshll.u32 s23, $0x7;
	s13 =	sshll.u32 s25, $0x4;
	s28 =	sshll.u32 s11, $0x7  }
0xc: {  	s26 =	sshll.u32 s14, $0x4;
	s29 =	sshll.u32 s25, $0x7;
	s30 =	sshll.u32 s14, $0x7  }
0xd: {  	p0 =	sgt.u32 s6, $0x1;
	s6 =	simm.s32 $0x0;
	s3 =	sadd.s32 s5, s12  }
0xe: {  	s4 =	sadd.s32 s5, s13;
	s13 =	sadd.s32 s10, s18;
	s14 =	sadd.s32 s10, s19  }
0xf: {  	s23 =	sadd.s32 s10, s29;
	s20 =	sadd.s32 s16, s2;
	s2 =	sadd.s32 s5, s24  }
0x10: {  	s5 =	sadd.s32 s5, s26;
	s11 =	sshrl.u32 s13, $0x3;
	s12 =	sshrl.u32 s14, $0x3  }
0x11: {  	s14 =	sshrl.u32 s23, $0x3;
	s17 =	sshll.u32 s20, $0x7;
	s18 =	sadd.s32 s9, s11  }
0x12: {  	s20 =	sadd.s32 s10, s28;
	s21 =	sadd.s32 s9, s12;
	s10 =	sadd.s32 s10, s30  }
0x13: {  	s26 =	sadd.s32 s9, s14;
	s12 =	sadd.s32 s15, s12;
	[dreg:$0x4] =	wrdreg s18  }
0x14: {  	s14 =	sadd.s32 s15, s14;
	[dreg:$0x5] =	wrdreg s21;
	s13 =	sshrl.u32 s20, $0x3  }
0x15: {  	s25 =	sshrl.u32 s10, $0x3;
	[dreg:$0x7] =	wrdreg s26;
	s20 =	sadd.s32 s15, s11  }
0x16: {  	s23 =	sadd.s32 $0x1380, s17;
	s17 =	simm.s32 $0x0;
	[dreg:$0x9] =	wrdreg s20  }
0x17: {  	s21 =	smul.u32 $0x27, s22;
	s24 =	sadd.s32 s9, s13;
	[smem:$0x7FF] =	sst s17  }
0x18: {  	s9 =	sadd.s32 s9, s25;
	s13 =	sadd.s32 s15, s13;
	[dreg:$0x6] =	wrdreg s24  }
0x19: {  	s15 =	sadd.s32 s15, s25;
	s25 =	sshll.u32 s23, $0x4;
	[dreg:$0x8] =	wrdreg s9  }
0x1a: {  	s8 =	sadd.s32 s21, s8;
	s24 =	rddreg [dreg:$0x0];
	s9 =	sshrl.u32 s23, $0x3  }
0x1b: {  	s21 =	sadd.s32 $0x567800, s0;
	s23 =	smul.u32 $0x50000, s22;
	s22 =	rddreg [dreg:$0x2]  }
0x1c: {  	s8 =	sadd.s32 s16, s8;
	s16 =	sadd.s32 s24, s25;
	_ =	strace $0x80000050  }
0x1d: {  	s25 =	smax.u32 s7, $0x1;
	s28 =	sadd.s32 s28, s22;
	s29 =	sadd.s32 s29, s22  }
0x1e: {  	s30 =	sadd.s32 s30, s22;
	s20 =	sshll.u32 s8, $0xB;
	s8 =	sshll.u32 s8, $0x4  }
0x1f: {  	s26 =	sshrl.u32 s23, $0x2;
	s23 =	sadd.s32 $0xA8800, s0;
	s0 =	simm.s32 $0x80  }
0x20: {  	s18 =	sadd.s32 s20, s24;
	s20 =	sadd.s32 s21, s9;
	s21 =	sadd.s32 s8, s21  }
0x21: {  	s24 =	sadd.s32 s26, s22;
	s26 =	sadd.s32 s19, s22;
	s19 =	simm.s32 $0x1  }
.LBB2_1:
0x22: {  	[tilespmem:s31], [sflag:$0x1] =	stream.linear.gather [hbm4b:s23+s17], $0x4000, $0x38;
	[tilespmem:$0x1C080] =	vst v63  }
0x23: {  	_ =	swait.ge [sflag:s19], $0x4000  }
0x24: {  	[sflag:s19] =	ssyncset.done $0x0  }
0x25: {  	[sflag:s19] =	ssyncadd.s32 $0xFFFFC000  }
0x26: {  	[tilespmem:s0], [sflag:$0x1] =	stream.linear.gather [hbm4b:s1+s17], $0x4000, $0x38;
	[tilespmem:$0x1C080] =	vst v63  }
0x27: {  	_ =	swait.ge [sflag:s19], $0x4000  }
0x28: {  	[sflag:s19] =	ssyncset.done $0x0  }
0x29: {  	[sflag:s19] =	ssyncadd.s32 $0xFFFFC000  }
0x2a: {  	[spmem:s24] =	stream.linear.scatter [tilespmem:s0], [sflag:$0x1], $0x4000, $0x38;
	[tilespmem:$0x1C080] =	vst v63  }
0x2b: {  	_ =	swait.ge [sflag:s19], $0x4000  }
0x2c: {  	[sflag:s19] =	ssyncset.done $0x0  }
0x2d: {  	[sflag:s19] =	ssyncadd.s32 $0xFFFFC000  }
0x2e: {  	[tilespmem:s0], [sflag:$0x1] =	stream.linear.gather [hbm4b:s2+s17], $0x4000, $0x38;
	[tilespmem:$0x1C080] =	vst v63  }
0x2f: {  	_ =	swait.ge [sflag:s19], $0x4000  }
0x30: {  	[sflag:s19] =	ssyncset.done $0x0  }
0x31: {  	[sflag:s19] =	ssyncadd.s32 $0xFFFFC000  }
0x32: {  	[spmem:s26] =	stream.linear.scatter [tilespmem:s0], [sflag:$0x1], $0x4000, $0x38;
	[tilespmem:$0x1C080] =	vst v63  }
0x33: {  	_ =	swait.ge [sflag:s19], $0x4000  }
0x34: {  	[sflag:s19] =	ssyncset.done $0x0  }
0x35: {  	[sflag:s19] =	ssyncadd.s32 $0xFFFFC000  }
0x36: {  	[tilespmem:s0], [sflag:$0x1] =	stream.linear.gather [hbm4b:s3+s17], $0x4000, $0x38;
	[tilespmem:$0x1C080] =	vst v63  }
0x37: {  	_ =	swait.ge [sflag:s19], $0x4000  }
0x38: {  	[sflag:s19] =	ssyncset.done $0x0  }
0x39: {  	[sflag:s19] =	ssyncadd.s32 $0xFFFFC000  }
0x3a: {  	[spmem:s28] =	stream.linear.scatter [tilespmem:s0], [sflag:$0x1], $0x4000, $0x38;
	[tilespmem:$0x1C080] =	vst v63  }
0x3b: {  	_ =	swait.ge [sflag:s19], $0x4000  }
0x3c: {  	[sflag:s19] =	ssyncset.done $0x0  }
0x3d: {  	[sflag:s19] =	ssyncadd.s32 $0xFFFFC000  }
0x3e: {  	[tilespmem:s0], [sflag:$0x1] =	stream.linear.gather [hbm4b:s4+s17], $0x4000, $0x38;
	[tilespmem:$0x1C080] =	vst v63  }
0x3f: {  	_ =	swait.ge [sflag:s19], $0x4000  }
0x40: {  	[sflag:s19] =	ssyncset.done $0x0  }
0x41: {  	[sflag:s19] =	ssyncadd.s32 $0xFFFFC000  }
0x42: {  	[spmem:s29] =	stream.linear.scatter [tilespmem:s0], [sflag:$0x1], $0x4000, $0x38;
	[tilespmem:$0x1C080] =	vst v63  }
0x43: {  	_ =	swait.ge [sflag:s19], $0x4000  }
0x44: {  	[sflag:s19] =	ssyncset.done $0x0  }
0x45: {  	[sflag:s19] =	ssyncadd.s32 $0xFFFFC000  }
0x46: {  	[tilespmem:s0], [sflag:$0x1] =	stream.linear.gather [hbm4b:s5+s17], $0x4000, $0x38;
	[tilespmem:$0x1C080] =	vst v63  }
0x47: {  	_ =	swait.ge [sflag:s19], $0x4000  }
0x48: {  	[sflag:s19] =	ssyncset.done $0x0  }
0x49: {  	[sflag:s19] =	ssyncadd.s32 $0xFFFFC000  }
0x4a: {  	[spmem:s30] =	stream.linear.scatter [tilespmem:s0], [sflag:$0x1], $0x4000, $0x38;
	[tilespmem:$0x1C080] =	vst v63  }
0x4b: {  	_ =	swait.ge [sflag:s19], $0x4000  }
0x4c: {  	[sflag:s19] =	ssyncset.done $0x0  }
0x4d: {  	[sflag:s19] =	ssyncadd.s32 $0xFFFFC000  }
0x4e: {  	s7 =	sadd.s32 $0x0, s21;
	[bflag:$0x0] =	sbarrier.arrive $0xFFFF  }
0x4f: {  	[tilespmem:s17], [sflag:$0x1] =	stream.linear.gather [hbm4b:s7+s17], $0x80, $0x38;
	[tilespmem:$0x1C080] =	vst v63  }
0x50: {  	_ =	swait.ge [sflag:s19], $0x80  }
0x51: {  	[sflag:s19] =	ssyncset.done $0x0  }
0x52: {  	[sflag:s19] =	ssyncadd.s32 $0xFFFFFF80  }
0x53: {  	[tilespmem:s0], [sflag:$0x1] =	stream.linear.gather [hbm4b:s18+s17], $0x4000, $0x38;
	[tilespmem:$0x1C080] =	vst v63  }
0x54: {  	_ =	swait.ge [sflag:s19], $0x4000  }
0x55: {  	[sflag:s19] =	ssyncset.done $0x0  }
0x56: {  	[sflag:s19] =	ssyncadd.s32 $0xFFFFC000  }
0x57: {  	[spmem:s22] =	stream.indirect.scatter.add.f32 [tilespmem:s0], [sflag:$0x1], $0x80, s17, s0, $0xb8;
	[tilespmem:$0x1C080] =	vst v63  }
0x58: {  	s8 =	simm.s32 $0x10;
	_ =	swait.ge [sflag:s19], $0x4000  }
0x59: {  	s9 =	simm.s32 $0x20;
	s7 =	sadd.s32 $0x800, s18;
	[sflag:s19] =	ssyncset.done $0x0  }
.LBB2_2:
0x5a: {  	s10 =	sadd.s32 s8, s21  }
0x5b: {  	[sflag:s19] =	ssyncadd.s32 $0xFFFFC000;
	s8 =	smov.u32 s9;
	s11 =	sadd.s32 $0x10, s9  }
0x5c: {  	[tilespmem:s17], [sflag:$0x1] =	stream.linear.gather [hbm4b:s10+s17], $0x80, $0x38;
	[tilespmem:$0x1C080] =	vst v63  }
0x5d: {  	p1 =	sne.s32 s9, $0x260;
	_ =	swait.ge [sflag:s19], $0x80  }
0x5e: {  	[sflag:s19] =	ssyncset.done $0x0  }
0x5f: {  	[sflag:s19] =	ssyncadd.s32 $0xFFFFFF80  }
0x60: {  	[tilespmem:s0], [sflag:$0x1] =	stream.linear.gather [hbm4b:s7+s17], $0x4000, $0x38;
	[tilespmem:$0x1C080] =	vst v63  }
0x61: {  	_ =	swait.ge [sflag:s19], $0x4000  }
.Ltmp0:
0x62: {  	[sflag:s19] =	ssyncset.done $0x0;
	(pc) =	sbr.rel @p1 .LBB2_2-.Ltmp0, $4  }
0x63: {  	[sflag:s19] =	ssyncadd.s32 $0xFFFFC000  }
0x64: {  	[spmem:s22] =	stream.indirect.scatter.add.f32 [tilespmem:s0], [sflag:$0x1], $0x80, s17, s0, $0xb8;
	[tilespmem:$0x1C080] =	vst v63  }
0x65: {  	_ =	swait.ge [sflag:s19], $0x4000  }
0x66: {  	s9 =	smov.u32 s11;
	s7 =	sadd.s32 $0x800, s7;
	[sflag:s19] =	ssyncset.done $0x0  }
0x67: {  	s8 =	sadd.s32 s8, s21;
	[sflag:s19] =	ssyncadd.s32 $0xFFFFC000  }
0x68: {  	[tilespmem:s17], [sflag:$0x1] =	stream.linear.gather [hbm4b:s8+s17], $0x80, $0x38;
	[tilespmem:$0x1C080] =	vst v63  }
0x69: {  	_ =	swait.ge [sflag:s19], $0x80  }
0x6a: {  	[sflag:s19] =	ssyncset.done $0x0  }
0x6b: {  	[sflag:s19] =	ssyncadd.s32 $0xFFFFFF80  }
0x6c: {  	[tilespmem:s0], [sflag:$0x1] =	stream.linear.gather [hbm4b:s7+s17], $0x4000, $0x38;
	[tilespmem:$0x1C080] =	vst v63  }
0x6d: {  	_ =	swait.ge [sflag:s19], $0x4000  }
0x6e: {  	[sflag:s19] =	ssyncset.done $0x0  }
0x6f: {  	[sflag:s19] =	ssyncadd.s32 $0xFFFFC000  }
0x70: {  	[spmem:s22] =	stream.indirect.scatter.add.f32 [tilespmem:s0], [sflag:$0x1], $0x80, s17, s0, $0xb8;
	[tilespmem:$0x1C080] =	vst v63  }
0x71: {  	_ =	swait.ge [sflag:s19], $0x4000  }
0x72: {  	[sflag:s19] =	ssyncset.done $0x0  }
0x73: {  	s8 =	simm.s32 @!p0 $0x1;
	s7 =	simm.s32 @!p0 $0x0;
	[sflag:s19] =	ssyncadd.s32 $0xFFFFC000  }
0x74: {  	[tilespmem:s7], [sflag:$0x1] =	stream.linear.gather @!p0 [hbm4b:s20+s7], $0x80, $0x38;
	[tilespmem:$0x1C080] =	vst v63  }
0x75: {  	_ =	swait.ge @!p0 [sflag:s8], $0x80  }
0x76: {  	[sflag:s8] =	ssyncset.done @!p0 $0x0  }
0x77: {  	s9 =	simm.s32 @!p0 $0x80;
	[sflag:s8] =	ssyncadd.s32 @!p0 $0xFFFFFF80  }
0x78: {  	[tilespmem:s9], [sflag:$0x1] =	stream.linear.gather @!p0 [hbm4b:s16+s7], $0x4000, $0x38;
	[tilespmem:$0x1C080] =	vst v63  }
0x79: {  	_ =	swait.ge @!p0 [sflag:s8], $0x4000  }
0x7a: {  	[sflag:s8] =	ssyncset.done @!p0 $0x0  }
0x7b: {  	[sflag:s8] =	ssyncadd.s32 @!p0 $0xFFFFC000  }
0x7c: {  	[spmem:s22] =	stream.indirect.scatter.add.f32 @!p0 [tilespmem:s9], [sflag:$0x1], $0x80, s7, s9, $0xb8;
	[tilespmem:$0x1C080] =	vst v63  }
0x7d: {  	_ =	swait.ge @!p0 [sflag:s8], $0x4000  }
0x7e: {  	[sflag:s8] =	ssyncset.done @!p0 $0x0  }
0x7f: {  	[sflag:s8] =	ssyncadd.s32 @!p0 $0xFFFFC000  }
0x80: {  	[bflag:$0x0] =	sbarrier.arrive $0xFFFF  }
0x81: {  	[tilespmem:s0], [sflag:$0x1] =	stream.linear.gather [spmem:s24], $0x4000, $0x38;
	[tilespmem:$0x1C080] =	vst v63  }
0x82: {  	_ =	swait.ge [sflag:s19], $0x4000  }
0x83: {  	[sflag:s19] =	ssyncset.done $0x0  }
0x84: {  	s7 =	simm.s32 $0x0;
	s9 =	rddreg [dreg:$0x4];
	[sflag:s19] =	ssyncadd.s32 $0xFFFFC000  }
0x85: {  	[hbm4b:s9+s7] =	stream.linear.scatter [tilespmem:s0], [sflag:$0x1], $0x4000, $0x38;
	[tilespmem:$0x1C080] =	vst v63  }
0x86: {  	_ =	swait.ge [sflag:s19], $0x4000  }
0x87: {  	[sflag:s19] =	ssyncset.done $0x0  }
0x88: {  	[sflag:s19] =	ssyncadd.s32 $0xFFFFC000  }
0x89: {  	[tilespmem:s0], [sflag:$0x1] =	stream.linear.gather [spmem:s26], $0x4000, $0x38;
	[tilespmem:$0x1C080] =	vst v63  }
0x8a: {  	_ =	swait.ge [sflag:s19], $0x4000  }
0x8b: {  	[sflag:s19] =	ssyncset.done $0x0  }
0x8c: {  	s10 =	rddreg [dreg:$0x5];
	[sflag:s19] =	ssyncadd.s32 $0xFFFFC000  }
0x8d: {  	[hbm4b:s10+s7] =	stream.linear.scatter [tilespmem:s0], [sflag:$0x1], $0x4000, $0x38;
	[tilespmem:$0x1C080] =	vst v63  }
0x8e: {  	_ =	swait.ge [sflag:s19], $0x4000  }
0x8f: {  	[sflag:s19] =	ssyncset.done $0x0  }
0x90: {  	[sflag:s19] =	ssyncadd.s32 $0xFFFFC000  }
0x91: {  	[tilespmem:s0], [sflag:$0x1] =	stream.linear.gather [spmem:s28], $0x4000, $0x38;
	[tilespmem:$0x1C080] =	vst v63  }
0x92: {  	_ =	swait.ge [sflag:s19], $0x4000  }
0x93: {  	[sflag:s19] =	ssyncset.done $0x0  }
0x94: {  	s11 =	rddreg [dreg:$0x6];
	[sflag:s19] =	ssyncadd.s32 $0xFFFFC000  }
0x95: {  	[hbm4b:s11+s7] =	stream.linear.scatter [tilespmem:s0], [sflag:$0x1], $0x4000, $0x38;
	[tilespmem:$0x1C080] =	vst v63  }
0x96: {  	_ =	swait.ge [sflag:s19], $0x4000  }
0x97: {  	[sflag:s19] =	ssyncset.done $0x0  }
0x98: {  	[sflag:s19] =	ssyncadd.s32 $0xFFFFC000  }
0x99: {  	[tilespmem:s0], [sflag:$0x1] =	stream.linear.gather [spmem:s29], $0x4000, $0x38;
	[tilespmem:$0x1C080] =	vst v63  }
0x9a: {  	_ =	swait.ge [sflag:s19], $0x4000  }
0x9b: {  	[sflag:s19] =	ssyncset.done $0x0  }
0x9c: {  	s9 =	rddreg [dreg:$0x7];
	[sflag:s19] =	ssyncadd.s32 $0xFFFFC000  }
0x9d: {  	[hbm4b:s9+s7] =	stream.linear.scatter [tilespmem:s0], [sflag:$0x1], $0x4000, $0x38;
	[tilespmem:$0x1C080] =	vst v63  }
0x9e: {  	_ =	swait.ge [sflag:s19], $0x4000  }
0x9f: {  	[sflag:s19] =	ssyncset.done $0x0  }
0xa0: {  	[sflag:s19] =	ssyncadd.s32 $0xFFFFC000  }
0xa1: {  	[tilespmem:s0], [sflag:$0x1] =	stream.linear.gather [spmem:s30], $0x4000, $0x38;
	[tilespmem:$0x1C080] =	vst v63  }
0xa2: {  	_ =	swait.ge [sflag:s19], $0x4000  }
0xa3: {  	[sflag:s19] =	ssyncset.done $0x0  }
0xa4: {  	s10 =	rddreg [dreg:$0x8];
	[sflag:s19] =	ssyncadd.s32 $0xFFFFC000  }
0xa5: {  	[hbm4b:s10+s7] =	stream.linear.scatter [tilespmem:s0], [sflag:$0x1], $0x4000, $0x38;
	[tilespmem:$0x1C080] =	vst v63  }
0xa6: {  	_ =	swait.ge [sflag:s19], $0x4000  }
0xa7: {  	[sflag:s19] =	ssyncset.done $0x0  }
0xa8: {  	[sflag:s19] =	ssyncadd.s32 $0xFFFFC000  }
0xa9: {  	[bflag:$0x0] =	sbarrier.arrive $0xFFFF  }
0xaa: {  	[tilespmem:s0], [sflag:$0x1] =	stream.linear.gather [hbm4b:s1+s7], $0x4000, $0x38;
	[tilespmem:$0x1C080] =	vst v63  }
0xab: {  	_ =	swait.ge [sflag:s19], $0x4000  }
0xac: {  	[sflag:s19] =	ssyncset.done $0x0  }
0xad: {  	[sflag:s19] =	ssyncadd.s32 $0xFFFFC000  }
0xae: {  	[spmem:s24] =	stream.linear.scatter [tilespmem:s0], [sflag:$0x1], $0x4000, $0x38;
	[tilespmem:$0x1C080] =	vst v63  }
0xaf: {  	_ =	swait.ge [sflag:s19], $0x4000  }
0xb0: {  	[sflag:s19] =	ssyncset.done $0x0  }
0xb1: {  	[sflag:s19] =	ssyncadd.s32 $0xFFFFC000  }
0xb2: {  	[tilespmem:s0], [sflag:$0x1] =	stream.linear.gather [hbm4b:s2+s7], $0x4000, $0x38;
	[tilespmem:$0x1C080] =	vst v63  }
0xb3: {  	_ =	swait.ge [sflag:s19], $0x4000  }
0xb4: {  	[sflag:s19] =	ssyncset.done $0x0  }
0xb5: {  	[sflag:s19] =	ssyncadd.s32 $0xFFFFC000  }
0xb6: {  	[spmem:s26] =	stream.linear.scatter [tilespmem:s0], [sflag:$0x1], $0x4000, $0x38;
	[tilespmem:$0x1C080] =	vst v63  }
0xb7: {  	_ =	swait.ge [sflag:s19], $0x4000  }
0xb8: {  	[sflag:s19] =	ssyncset.done $0x0  }
0xb9: {  	[sflag:s19] =	ssyncadd.s32 $0xFFFFC000  }
0xba: {  	[tilespmem:s0], [sflag:$0x1] =	stream.linear.gather [hbm4b:s3+s7], $0x4000, $0x38;
	[tilespmem:$0x1C080] =	vst v63  }
0xbb: {  	_ =	swait.ge [sflag:s19], $0x4000  }
0xbc: {  	[sflag:s19] =	ssyncset.done $0x0  }
0xbd: {  	[sflag:s19] =	ssyncadd.s32 $0xFFFFC000  }
0xbe: {  	[spmem:s28] =	stream.linear.scatter [tilespmem:s0], [sflag:$0x1], $0x4000, $0x38;
	[tilespmem:$0x1C080] =	vst v63  }
0xbf: {  	_ =	swait.ge [sflag:s19], $0x4000  }
0xc0: {  	[sflag:s19] =	ssyncset.done $0x0  }
0xc1: {  	[sflag:s19] =	ssyncadd.s32 $0xFFFFC000  }
0xc2: {  	[tilespmem:s0], [sflag:$0x1] =	stream.linear.gather [hbm4b:s4+s7], $0x4000, $0x38;
	[tilespmem:$0x1C080] =	vst v63  }
0xc3: {  	_ =	swait.ge [sflag:s19], $0x4000  }
0xc4: {  	[sflag:s19] =	ssyncset.done $0x0  }
0xc5: {  	[sflag:s19] =	ssyncadd.s32 $0xFFFFC000  }
0xc6: {  	[spmem:s29] =	stream.linear.scatter [tilespmem:s0], [sflag:$0x1], $0x4000, $0x38;
	[tilespmem:$0x1C080] =	vst v63  }
0xc7: {  	_ =	swait.ge [sflag:s19], $0x4000  }
0xc8: {  	[sflag:s19] =	ssyncset.done $0x0  }
0xc9: {  	[sflag:s19] =	ssyncadd.s32 $0xFFFFC000  }
0xca: {  	[tilespmem:s0], [sflag:$0x1] =	stream.linear.gather [hbm4b:s5+s7], $0x4000, $0x38;
	[tilespmem:$0x1C080] =	vst v63  }
0xcb: {  	_ =	swait.ge [sflag:s19], $0x4000  }
0xcc: {  	[sflag:s19] =	ssyncset.done $0x0  }
0xcd: {  	[sflag:s19] =	ssyncadd.s32 $0xFFFFC000  }
0xce: {  	[spmem:s30] =	stream.linear.scatter [tilespmem:s0], [sflag:$0x1], $0x4000, $0x38;
	[tilespmem:$0x1C080] =	vst v63  }
0xcf: {  	_ =	swait.ge [sflag:s19], $0x4000  }
0xd0: {  	[sflag:s19] =	ssyncset.done $0x0  }
0xd1: {  	[sflag:s19] =	ssyncadd.s32 $0xFFFFC000  }
0xd2: {  	s11 =	sadd.s32 $0x0, s21;
	[bflag:$0x0] =	sbarrier.arrive $0xFFFF  }
0xd3: {  	[tilespmem:s17], [sflag:$0x1] =	stream.linear.gather [hbm4b:s11+s17], $0x80, $0x38;
	[tilespmem:$0x1C080] =	vst v63  }
0xd4: {  	_ =	swait.ge [sflag:s19], $0x80  }
0xd5: {  	[sflag:s19] =	ssyncset.done $0x0  }
0xd6: {  	[sflag:s19] =	ssyncadd.s32 $0xFFFFFF80  }
0xd7: {  	[spmem:s22] =	stream.indirect.scatter.add.f32 [tilespmem:s31], [sflag:$0x1], $0x80, s17, s0, $0xb8;
	[tilespmem:$0x1C080] =	vst v63  }
0xd8: {  	_ =	swait.ge [sflag:s19], $0x4000  }
0xd9: {  	s8 =	simm.s32 $0x20;
	s7 =	simm.s32 $0x10;
	[sflag:s19] =	ssyncset.done $0x0  }
.LBB2_4:
0xda: {  	s9 =	sadd.s32 s7, s21  }
0xdb: {  	[sflag:s19] =	ssyncadd.s32 $0xFFFFC000;
	s7 =	smov.u32 s8;
	s10 =	sadd.s32 $0x10, s8  }
0xdc: {  	[tilespmem:s17], [sflag:$0x1] =	stream.linear.gather [hbm4b:s9+s17], $0x80, $0x38;
	[tilespmem:$0x1C080] =	vst v63  }
0xdd: {  	p1 =	sne.s32 s8, $0x260;
	_ =	swait.ge [sflag:s19], $0x80  }
.Ltmp1:
0xde: {  	[sflag:s19] =	ssyncset.done $0x0;
	(pc) =	sbr.rel @p1 .LBB2_4-.Ltmp1, $4  }
0xdf: {  	[sflag:s19] =	ssyncadd.s32 $0xFFFFFF80  }
0xe0: {  	[spmem:s22] =	stream.indirect.scatter.add.f32 [tilespmem:s31], [sflag:$0x1], $0x80, s17, s0, $0xb8;
	[tilespmem:$0x1C080] =	vst v63  }
0xe1: {  	_ =	swait.ge [sflag:s19], $0x4000  }
0xe2: {  	s8 =	smov.u32 s10;
	[sflag:s19] =	ssyncset.done $0x0  }
0xe3: {  	s7 =	sadd.s32 s7, s21;
	[sflag:s19] =	ssyncadd.s32 $0xFFFFC000  }
0xe4: {  	[tilespmem:s17], [sflag:$0x1] =	stream.linear.gather [hbm4b:s7+s17], $0x80, $0x38;
	[tilespmem:$0x1C080] =	vst v63  }
0xe5: {  	_ =	swait.ge [sflag:s19], $0x80  }
0xe6: {  	[sflag:s19] =	ssyncset.done $0x0  }
0xe7: {  	[sflag:s19] =	ssyncadd.s32 $0xFFFFFF80  }
0xe8: {  	[spmem:s22] =	stream.indirect.scatter.add.f32 [tilespmem:s31], [sflag:$0x1], $0x80, s17, s0, $0xb8;
	[tilespmem:$0x1C080] =	vst v63  }
0xe9: {  	_ =	swait.ge [sflag:s19], $0x4000  }
0xea: {  	[sflag:s19] =	ssyncset.done $0x0  }
0xeb: {  	s8 =	simm.s32 @!p0 $0x1;
	s7 =	simm.s32 @!p0 $0x0;
	[sflag:s19] =	ssyncadd.s32 $0xFFFFC000  }
0xec: {  	[tilespmem:s7], [sflag:$0x1] =	stream.linear.gather @!p0 [hbm4b:s20+s7], $0x80, $0x38;
	[tilespmem:$0x1C080] =	vst v63  }
0xed: {  	_ =	swait.ge @!p0 [sflag:s8], $0x80  }
0xee: {  	[sflag:s8] =	ssyncset.done @!p0 $0x0  }
0xef: {  	s9 =	simm.s32 @!p0 $0x80;
	s10 =	simm.s32 @!p0 $0x4080;
	[sflag:s8] =	ssyncadd.s32 @!p0 $0xFFFFFF80  }
0xf0: {  	[spmem:s22] =	stream.indirect.scatter.add.f32 @!p0 [tilespmem:s10], [sflag:$0x1], $0x80, s7, s9, $0xb8;
	[tilespmem:$0x1C080] =	vst v63  }
0xf1: {  	_ =	swait.ge @!p0 [sflag:s8], $0x4000  }
0xf2: {  	[sflag:s8] =	ssyncset.done @!p0 $0x0  }
0xf3: {  	[sflag:s8] =	ssyncadd.s32 @!p0 $0xFFFFC000  }
0xf4: {  	[bflag:$0x0] =	sbarrier.arrive $0xFFFF  }
0xf5: {  	[tilespmem:s0], [sflag:$0x1] =	stream.linear.gather [spmem:s24], $0x4000, $0x38;
	[tilespmem:$0x1C080] =	vst v63  }
0xf6: {  	_ =	swait.ge [sflag:s19], $0x4000  }
0xf7: {  	[sflag:s19] =	ssyncset.done $0x0  }
0xf8: {  	s11 =	rddreg [dreg:$0x9];
	[sflag:s19] =	ssyncadd.s32 $0xFFFFC000  }
0xf9: {  	[hbm4b:s11+s17] =	stream.linear.scatter [tilespmem:s0], [sflag:$0x1], $0x4000, $0x38;
	[tilespmem:$0x1C080] =	vst v63  }
0xfa: {  	_ =	swait.ge [sflag:s19], $0x4000  }
0xfb: {  	[sflag:s19] =	ssyncset.done $0x0  }
0xfc: {  	[sflag:s19] =	ssyncadd.s32 $0xFFFFC000  }
0xfd: {  	[tilespmem:s0], [sflag:$0x1] =	stream.linear.gather [spmem:s26], $0x4000, $0x38;
	[tilespmem:$0x1C080] =	vst v63  }
0xfe: {  	_ =	swait.ge [sflag:s19], $0x4000  }
0xff: {  	[sflag:s19] =	ssyncset.done $0x0  }
0x100: {  	[sflag:s19] =	ssyncadd.s32 $0xFFFFC000  }
0x101: {  	[hbm4b:s12+s17] =	stream.linear.scatter [tilespmem:s0], [sflag:$0x1], $0x4000, $0x38;
	[tilespmem:$0x1C080] =	vst v63  }
0x102: {  	_ =	swait.ge [sflag:s19], $0x4000  }
0x103: {  	[sflag:s19] =	ssyncset.done $0x0  }
0x104: {  	[sflag:s19] =	ssyncadd.s32 $0xFFFFC000  }
0x105: {  	[tilespmem:s0], [sflag:$0x1] =	stream.linear.gather [spmem:s28], $0x4000, $0x38;
	[tilespmem:$0x1C080] =	vst v63  }
0x106: {  	_ =	swait.ge [sflag:s19], $0x4000  }
0x107: {  	[sflag:s19] =	ssyncset.done $0x0  }
0x108: {  	[sflag:s19] =	ssyncadd.s32 $0xFFFFC000  }
0x109: {  	[hbm4b:s13+s17] =	stream.linear.scatter [tilespmem:s0], [sflag:$0x1], $0x4000, $0x38;
	[tilespmem:$0x1C080] =	vst v63  }
0x10a: {  	_ =	swait.ge [sflag:s19], $0x4000  }
0x10b: {  	[sflag:s19] =	ssyncset.done $0x0  }
0x10c: {  	[sflag:s19] =	ssyncadd.s32 $0xFFFFC000  }
0x10d: {  	[tilespmem:s0], [sflag:$0x1] =	stream.linear.gather [spmem:s29], $0x4000, $0x38;
	[tilespmem:$0x1C080] =	vst v63  }
0x10e: {  	_ =	swait.ge [sflag:s19], $0x4000  }
0x10f: {  	[sflag:s19] =	ssyncset.done $0x0  }
0x110: {  	[sflag:s19] =	ssyncadd.s32 $0xFFFFC000  }
0x111: {  	[hbm4b:s14+s17] =	stream.linear.scatter [tilespmem:s0], [sflag:$0x1], $0x4000, $0x38;
	[tilespmem:$0x1C080] =	vst v63  }
0x112: {  	_ =	swait.ge [sflag:s19], $0x4000  }
0x113: {  	[sflag:s19] =	ssyncset.done $0x0  }
0x114: {  	[sflag:s19] =	ssyncadd.s32 $0xFFFFC000  }
0x115: {  	[tilespmem:s0], [sflag:$0x1] =	stream.linear.gather [spmem:s30], $0x4000, $0x38;
	[tilespmem:$0x1C080] =	vst v63  }
0x116: {  	s6 =	sadd.s32 $0x1, s6;
	_ =	swait.ge [sflag:s19], $0x4000  }
0x117: {  	p1 =	sne.s32 s6, s25;
	[sflag:s19] =	ssyncset.done $0x0  }
.Ltmp2:
0x118: {  	[sflag:s19] =	ssyncadd.s32 $0xFFFFC000;
	(pc) =	sbr.rel @p1 .LBB2_1-.Ltmp2, $4  }
0x119: {  	[hbm4b:s15+s17] =	stream.linear.scatter [tilespmem:s0], [sflag:$0x1], $0x4000, $0x38;
	[tilespmem:$0x1C080] =	vst v63  }
0x11a: {  	_ =	swait.ge [sflag:s19], $0x4000  }
0x11b: {  	[sflag:s19] =	ssyncset.done $0x0  }
0x11c: {  	[sflag:s19] =	ssyncadd.s32 $0xFFFFC000  }
0x11d: {  	_ =	sfence.sel $0x180000  }
0x11e: {  	[bflag:$0x0] =	sbarrier.arrive $0xFFFF  }
0x11f: {  	_ =	strace $0x90000050  }
0x120: {  	s0 =	stileid.u32;
	[bflag:$0x2] =	sbarrier.arrive $0xFFFF  }
0x121: {  	p0 =	sne.s32 s0, $0x0;
	s0 =	rddreg [dreg:$0x3]  }
0x122: {  	s0 =	sadd.s32 @!p0 $0x100000, s0  }
0x123: {  	[sflag:s0] =	ssyncadd.tile.s32 @!p0 $0x1;
	_ =	shalt  }
.Lfunc_end2:
_tile_overlayer_lowered:
.L_overlay_start_2:
0x124: {  	(tag) =	ssettag $0x2  }
0x125: {  	s0 =	rddreg [dreg:$0x0];
	s2 =	stileid.u32  }
0x126: {  	s1 =	rddreg [dreg:$0x1];
	p0 =	sne.s32 s2, $0x0  }
0x127: {  	s3 =	rddreg [dreg:$0x2];
	[bflag:$0x3] =	sbarrier.arrive $0xFFFF;
	s2 =	simm.s32 @!p0 $0x1C01  }
0x128: {  	[timem:s3], [sflag:s2] =	dma.local @!p0 [hbm:s0], s1  }
0x129: {  	s0 =	simm.s32 @!p0 $0x1  }
0x12a: {  	_ =	swait.ge @!p0 [sflag:s0], s1  }
0x12b: {  	s1 =	ssub.s32 @!p0 $0x0, s1;
	[sflag:s0] =	ssyncset.done @!p0 $0x0  }
0x12c: {  	[sflag:s0] =	ssyncadd.s32 @!p0 s1  }
0x12d: {  	[bflag:$0x3] =	sbarrier.arrive $0xFFFF  }
0x12e: {  	_ =	shalt  }

</sc_bundles>
